<compile_context>
chip_gen: v7x
topology: tpu7x:2x2x1
jax: 0.10.2.dev20260603
libtpu: 0.0.44.dev20260713+nightly
codegen_flags: <defaults>
</compile_context>

<pallas_src>
import functools

import jax
import jax.numpy as jnp
from jax import lax
from jax.experimental import pallas as pl
from jax.experimental.pallas import tpu as pltpu
from jax.experimental.pallas import tpu_sc as plsc

MOM = 0.5
TEMP = 0.07
B, D, N, NEG = 256, 128, 1000000, 2048
NW = 32
BPW = B // NW
CHUNK = 128
SCHUNK = 256
NC2 = NEG // SCHUNK
LANES = 16
KSEG = D // LANES


def _sc_dots_body(feat_hbm, bank_hbm, idx_hbm, negidx_hbm,
                  dots_hbm, posf_hbm,
                  feat_v, pidx_v, posr_v, nidx_v, rows0_v, rows1_v, dots_v,
                  sem):
  cid = lax.axis_index("c")
  sid = lax.axis_index("s")
  wid = sid * 2 + cid
  base_b = wid * BPW

  pltpu.sync_copy(feat_hbm.at[pl.ds(base_b, BPW)], feat_v)
  pltpu.sync_copy(idx_hbm.at[pl.ds(base_b, BPW)], pidx_v)
  pltpu.async_copy(bank_hbm.at[pidx_v], posr_v, sem).wait()
  pltpu.sync_copy(posr_v, posf_hbm.at[pl.ds(base_b, BPW)])
  pltpu.sync_copy(negidx_hbm.at[pl.ds(base_b * NEG, BPW * NEG)], nidx_v)

  iota16 = lax.iota(jnp.int32, LANES)
  TCH = BPW * NEG // SCHUNK

  def fire(t, rbuf):
    i0 = t * SCHUNK
    pltpu.async_copy(
        bank_hbm.at[nidx_v.at[pl.ds(i0, CHUNK)]], rbuf.at[pl.ds(0, CHUNK)],
        sem)
    pltpu.async_copy(
        bank_hbm.at[nidx_v.at[pl.ds(i0 + CHUNK, CHUNK)]],
        rbuf.at[pl.ds(CHUNK, CHUNK)], sem)

  def drain(rbuf):
    pltpu.make_async_copy(bank_hbm.at[pl.ds(0, SCHUNK)], rbuf, sem).wait()

  NCPF = NEG // SCHUNK

  def compute(t, rbuf):
    bl = t // NCPF
    off = (t - bl * NCPF) * SCHUNK
    fvecs = [feat_v[bl, pl.ds(k * LANES, LANES)] for k in range(KSEG)]

    def per_group(g, carry3):
      base = g * LANES
      res = jnp.zeros((LANES,), jnp.float32)
      for r in range(LANES):
        prods = [rbuf[base + r, pl.ds(k * LANES, LANES)] * fvecs[k]
                 for k in range(KSEG)]
        while len(prods) > 1:
          prods = [x + y for x, y in zip(prods[0::2], prods[1::2])]
        res = jnp.where(iota16 == r, jnp.sum(prods[0]), res)
      dots_v[bl, pl.ds(off + g * LANES, LANES)] = res
      return carry3

    lax.fori_loop(0, SCHUNK // LANES, per_group, 0)

  fire(0, rows0_v)

  def per_pair(j, carry2):
    t0 = 2 * j
    fire(t0 + 1, rows1_v)
    drain(rows0_v)
    compute(t0, rows0_v)

    @pl.when(t0 + 2 < TCH)
    def _():
      fire(t0 + 2, rows0_v)

    drain(rows1_v)
    compute(t0 + 1, rows1_v)
    return carry2

  lax.fori_loop(0, TCH // 2, per_pair, 0)
  pltpu.sync_copy(dots_v, dots_hbm.at[pl.ds(base_b, BPW)])


@functools.partial(jax.jit, static_argnames=())
def _sc_dots(feature, bank, idx, neg_idx):
  mesh = plsc.VectorSubcoreMesh(core_axis_name="c", subcore_axis_name="s")
  f = pl.kernel(
      _sc_dots_body,
      out_type=(
          jax.ShapeDtypeStruct((B, NEG), jnp.float32),
          jax.ShapeDtypeStruct((B, D), jnp.float32),
      ),
      mesh=mesh,
      compiler_params=pltpu.CompilerParams(needs_layout_passes=False),
      scratch_types=[
          pltpu.VMEM((BPW, D), jnp.float32),
          pltpu.VMEM((BPW,), jnp.int32),
          pltpu.VMEM((BPW, D), jnp.float32),
          pltpu.VMEM((BPW * NEG,), jnp.int32),
          pltpu.VMEM((SCHUNK, D), jnp.float32),
          pltpu.VMEM((SCHUNK, D), jnp.float32),
          pltpu.VMEM((BPW, NEG), jnp.float32),
          pltpu.SemaphoreType.DMA,
      ],
  )
  return f(feature, bank, idx, neg_idx)


CPBLK = 20000


def _tc_copy_body(src_ref, dst_ref):
  dst_ref[...] = src_ref[...]


def _tc_copy(bank):
  return pl.pallas_call(
      _tc_copy_body,
      out_shape=jax.ShapeDtypeStruct((N, D), jnp.float32),
      grid=(N // CPBLK,),
      in_specs=[pl.BlockSpec((CPBLK, D), lambda i: (i, 0))],
      out_specs=pl.BlockSpec((CPBLK, D), lambda i: (i, 0)),
  )(bank)


def _tc_finish_body(feature_ref, dots_ref, posf_ref, idx_smem, bank_any,
                    loss_ref, out_any, featnew_v, sem):
  f = feature_ref[...]
  inv = 1.0 / jnp.maximum(
      jnp.sqrt(jnp.sum(f * f, axis=1, keepdims=True)), 1e-12)
  posf = posf_ref[...]
  pos_un = jnp.sum(posf * f, axis=1, keepdims=True)
  scale = inv * (1.0 / TEMP)
  pos_l = pos_un * scale
  neg_l = dots_ref[...] * scale
  m = jnp.maximum(jnp.max(neg_l, axis=1, keepdims=True), pos_l)
  se = jnp.sum(jnp.exp(neg_l - m), axis=1, keepdims=True) + jnp.exp(pos_l - m)
  logp0 = pos_l - (jnp.log(se) + m)
  loss_ref[0, 0] = -jnp.mean(logp0)
  fn = MOM * posf + (1.0 - MOM) * (f * inv)
  fn = fn / jnp.maximum(
      jnp.sqrt(jnp.sum(fn * fn, axis=1, keepdims=True)), 1e-12)
  featnew_v[...] = fn

  def fire(i, c):
    pltpu.make_async_copy(
        featnew_v.at[pl.ds(i, 1)], out_any.at[pl.ds(idx_smem[i], 1)], sem
    ).start()
    return c

  lax.fori_loop(0, B, fire, 0)

  def drain(i, c):
    pltpu.make_async_copy(
        featnew_v.at[pl.ds(0, 1)], out_any.at[pl.ds(0, 1)], sem
    ).wait()
    return c

  lax.fori_loop(0, B, drain, 0)


def _tc_finish(feature, dots, posf, idx, bank):
  return pl.pallas_call(
      _tc_finish_body,
      out_shape=(
          jax.ShapeDtypeStruct((1, 1), jnp.float32),
          jax.ShapeDtypeStruct((N, D), jnp.float32),
      ),
      in_specs=[
          pl.BlockSpec(memory_space=pltpu.VMEM),
          pl.BlockSpec(memory_space=pltpu.VMEM),
          pl.BlockSpec(memory_space=pltpu.VMEM),
          pl.BlockSpec(memory_space=pltpu.SMEM),
          pl.BlockSpec(memory_space=pl.ANY),
      ],
      out_specs=(
          pl.BlockSpec(memory_space=pltpu.SMEM),
          pl.BlockSpec(memory_space=pl.ANY),
      ),
      scratch_shapes=[
          pltpu.VMEM((B, D), jnp.float32),
          pltpu.SemaphoreType.DMA,
      ],
      input_output_aliases={4: 1},
  )(feature, dots, posf, idx, bank)


def kernel(feature, bank, idx, neg_idx):
  idx = idx.astype(jnp.int32)
  neg_idx = neg_idx.astype(jnp.int32)
  dots, posf = _sc_dots(feature, bank, idx, neg_idx)
  bank2 = _tc_copy(bank)
  loss_arr, new_bank = _tc_finish(feature, dots, posf, idx, bank2)
  return loss_arr[0, 0], new_bank

# --- scband reference (transcript-rebuilt; emitter-appended) ---
"""Pipeline reference for scband-npid-71064528880120 (READ-ONLY COPY).

The authoritative reference and input builder live on the scoring server;
editing this copy changes nothing except your own understanding.
"""

import jax, jax.numpy as jnp
import numpy as np

MOMENTUM = 0.5
TEMP = 0.07
B, D, N, NEG = 256, 128, 1000000, 2048


def setup_inputs(seed: int = 0) -> dict:
    key = jax.random.key(seed)
    k1, k2, k3, k4 = jax.random.split(key, 4)
    feature = jax.random.normal(k1, (B, D), dtype=jnp.float32)
    bank = jax.random.normal(k2, (N, D), dtype=jnp.float32)
    # memory bank is stored L2-normalized in NPID
    bank = bank / jnp.clip(jnp.linalg.norm(bank, axis=1, keepdims=True), 1e-12)
    idx = jax.random.randint(k3, (B,), 0, N)
    neg_idx = jax.random.randint(k4, (B * NEG,), 0, N)
    return {"feature": feature, "bank": bank, "idx": idx, "neg_idx": neg_idx}


def reference(feature, bank, idx, neg_idx):
    bs, feat_dim = feature.shape
    # neck output -> L2 normalize
    feat = feature / jnp.clip(jnp.linalg.norm(feature, axis=1, keepdims=True), 1e-12)
    # gather positive and negative features from the memory bank
    pos_feat = jnp.take(bank, idx, axis=0)                      # [B, D]
    neg_feat = jnp.take(bank, neg_idx, axis=0).reshape(bs, -1, feat_dim)  # [B, NEG, D]
    # logits
    pos_logits = jnp.einsum('nc,nc->n', pos_feat, feat)[:, None]         # [B, 1]
    neg_logits = jnp.einsum('nkc,nc->nk', neg_feat, feat)                # [B, NEG]
    logits = jnp.concatenate([pos_logits, neg_logits], axis=1) / TEMP
    # contrastive head: cross-entropy with positive at index 0
    logp = jax.nn.log_softmax(logits, axis=1)
    loss = -jnp.mean(logp[:, 0])
    # memory bank update (no-grad in original): momentum mix + renormalize, scatter-overwrite
    feat_old = jnp.take(bank, idx, axis=0)
    feat_new = MOMENTUM * feat_old + (1.0 - MOMENTUM) * jax.lax.stop_gradient(feat)
    feat_new = feat_new / jnp.clip(jnp.linalg.norm(feat_new, axis=1, keepdims=True), 1e-12)
    new_bank = bank.at[idx].set(feat_new)
    return (loss, new_bank)

if __name__ == "__main__":
    import jax
    _d = setup_inputs()
    print(jax.jit(kernel)(*tuple(_d.values())))

</pallas_src>

<mosaic_0001>
#map = affine_map<(d0, d1) -> (0, 0)>
#map1 = affine_map<(d0, d1) -> (0)>
module attributes {stable_mosaic.version = 14 : i64} {
  func.func @_sc_dots_body(%arg0: i32, %arg1: i32, %arg2: memref<256x128xf32, #tpu.memory_space<hbm>>, %arg3: memref<1000000x128xf32, #tpu.memory_space<hbm>>, %arg4: memref<256xi32, #tpu.memory_space<hbm>>, %arg5: memref<524288xi32, #tpu.memory_space<hbm>>, %arg6: memref<256x2048xf32, #tpu.memory_space<hbm>>, %arg7: memref<256x128xf32, #tpu.memory_space<hbm>>, %arg8: memref<8x128xf32, #tpu.memory_space<vmem>>, %arg9: memref<8xi32, #tpu.memory_space<vmem>>, %arg10: memref<8x128xf32, #tpu.memory_space<vmem>>, %arg11: memref<16384xi32, #tpu.memory_space<vmem>>, %arg12: memref<256x128xf32, #tpu.memory_space<vmem>>, %arg13: memref<256x128xf32, #tpu.memory_space<vmem>>, %arg14: memref<8x2048xf32, #tpu.memory_space<vmem>>, %arg15: memref<!tpu.dma_semaphore, #tpu.memory_space<semaphore_mem>>) attributes {dimension_semantics = [#tpu.dimension_semantics<core_parallel>, #tpu.dimension_semantics<subcore_parallel>], iteration_bounds = array<i64: 2, 16>, scalar_prefetch = 0 : i64, scratch_operands = 8 : i64, tpu.core_type = #tpu.core_type<sc_vector_subcore>, window_params = [{transform_indices = #map}, {transform_indices = #map}, {transform_indices = #map1}, {transform_indices = #map1}, {transform_indices = #map}, {transform_indices = #map}]} {
    %mul3A = arith.constant 2 : i32
    %mul3A_0 = arith.muli %arg1, %mul3A : i32
    %add3A = arith.addi %mul3A_0, %arg0 : i32
    %mul3A_1 = arith.constant 8 : i32
    %mul3A_2 = arith.muli %add3A, %mul3A_1 : i32
    "tpu.region"() ({
      %run_scoped3A = tpu.sem_alloc : memref<!tpu.dma_semaphore, #tpu.memory_space<semaphore_mem>>
      %dma_start3A_30 = arith.constant 0 : i32
      %dma_start3A_31 = tpu.memref_slice %arg2[%mul3A_2, %dma_start3A_30] : memref<256x128xf32, #tpu.memory_space<hbm>> -> memref<8x128xf32, #tpu.memory_space<hbm>>
      %dma_start3A_32 = arith.constant 0 : i32
      %dma_start3A_33 = tpu.memref_slice %arg2[%mul3A_2, %dma_start3A_32] : memref<256x128xf32, #tpu.memory_space<hbm>> -> memref<8x128xf32, #tpu.memory_space<hbm>>
      tpu.enqueue_dma source(%dma_start3A_33 : memref<8x128xf32, #tpu.memory_space<hbm>>) target(%arg8 : memref<8x128xf32, #tpu.memory_space<vmem>>) target_semaphore(%run_scoped3A : memref<!tpu.dma_semaphore, #tpu.memory_space<semaphore_mem>>)
      %dma_wait3A_34 = arith.constant 0 : i32
      %dma_wait3A_35 = tpu.memref_slice %arg2[%mul3A_2, %dma_wait3A_34] : memref<256x128xf32, #tpu.memory_space<hbm>> -> memref<8x128xf32, #tpu.memory_space<hbm>>
      %dma_wait3A_36 = arith.constant 0 : i32
      %dma_wait3A_37 = tpu.memref_slice %arg2[%mul3A_2, %dma_wait3A_36] : memref<256x128xf32, #tpu.memory_space<hbm>> -> memref<8x128xf32, #tpu.memory_space<hbm>>
      tpu.wait_dma2 semaphore(%run_scoped3A : memref<!tpu.dma_semaphore, #tpu.memory_space<semaphore_mem>>) src(%dma_wait3A_37 : memref<8x128xf32, #tpu.memory_space<hbm>>) dst(%arg8 : memref<8x128xf32, #tpu.memory_space<vmem>>)
      tpu.yield
    }) : () -> ()
    "tpu.region"() ({
      %run_scoped3A = tpu.sem_alloc : memref<!tpu.dma_semaphore, #tpu.memory_space<semaphore_mem>>
      %dma_start3A_30 = tpu.memref_slice %arg4[%mul3A_2] : memref<256xi32, #tpu.memory_space<hbm>> -> memref<8xi32, #tpu.memory_space<hbm>>
      %dma_start3A_31 = tpu.memref_slice %arg4[%mul3A_2] : memref<256xi32, #tpu.memory_space<hbm>> -> memref<8xi32, #tpu.memory_space<hbm>>
      tpu.enqueue_dma source(%dma_start3A_31 : memref<8xi32, #tpu.memory_space<hbm>>) target(%arg9 : memref<8xi32, #tpu.memory_space<vmem>>) target_semaphore(%run_scoped3A : memref<!tpu.dma_semaphore, #tpu.memory_space<semaphore_mem>>)
      %dma_wait3A_32 = tpu.memref_slice %arg4[%mul3A_2] : memref<256xi32, #tpu.memory_space<hbm>> -> memref<8xi32, #tpu.memory_space<hbm>>
      %dma_wait3A_33 = tpu.memref_slice %arg4[%mul3A_2] : memref<256xi32, #tpu.memory_space<hbm>> -> memref<8xi32, #tpu.memory_space<hbm>>
      tpu.wait_dma2 semaphore(%run_scoped3A : memref<!tpu.dma_semaphore, #tpu.memory_space<semaphore_mem>>) src(%dma_wait3A_33 : memref<8xi32, #tpu.memory_space<hbm>>) dst(%arg9 : memref<8xi32, #tpu.memory_space<vmem>>)
      tpu.yield
    }) : () -> ()
    %dma_start3A = arith.constant 0 : i32
    %dma_start3A_3 = arith.constant 0 : i32
    %dma_start3A_4 = tpu.memref_slice %arg3[%dma_start3A, %dma_start3A_3] : memref<1000000x128xf32, #tpu.memory_space<hbm>> -> memref<1000000x128xf32, #tpu.memory_space<hbm>>
    tpu.enqueue_indirect_dma source(%dma_start3A_4 : memref<1000000x128xf32, #tpu.memory_space<hbm>>) target(%arg10 : memref<8x128xf32, #tpu.memory_space<vmem>>) offsets(%arg9 : memref<8xi32, #tpu.memory_space<vmem>>) semaphore(%arg15 : memref<!tpu.dma_semaphore, #tpu.memory_space<semaphore_mem>>)
    %dma_wait3A = arith.constant 0 : i32
    %dma_wait3A_5 = arith.constant 0 : i32
    %dma_wait3A_6 = tpu.memref_slice %arg3[%dma_wait3A, %dma_wait3A_5] : memref<1000000x128xf32, #tpu.memory_space<hbm>> -> memref<1000000x128xf32, #tpu.memory_space<hbm>>
    tpu.wait_indirect_dma semaphore(%arg15 : memref<!tpu.dma_semaphore, #tpu.memory_space<semaphore_mem>>) src(%dma_wait3A_6 : memref<1000000x128xf32, #tpu.memory_space<hbm>>) dst(%arg10 : memref<8x128xf32, #tpu.memory_space<vmem>>)
    "tpu.region"() ({
      %run_scoped3A = tpu.sem_alloc : memref<!tpu.dma_semaphore, #tpu.memory_space<semaphore_mem>>
      %dma_start3A_30 = arith.constant 0 : i32
      %dma_start3A_31 = tpu.memref_slice %arg7[%mul3A_2, %dma_start3A_30] : memref<256x128xf32, #tpu.memory_space<hbm>> -> memref<8x128xf32, #tpu.memory_space<hbm>>
      %dma_start3A_32 = arith.constant 0 : i32
      %dma_start3A_33 = tpu.memref_slice %arg7[%mul3A_2, %dma_start3A_32] : memref<256x128xf32, #tpu.memory_space<hbm>> -> memref<8x128xf32, #tpu.memory_space<hbm>>
      tpu.enqueue_dma source(%arg10 : memref<8x128xf32, #tpu.memory_space<vmem>>) target(%dma_start3A_33 : memref<8x128xf32, #tpu.memory_space<hbm>>) target_semaphore(%run_scoped3A : memref<!tpu.dma_semaphore, #tpu.memory_space<semaphore_mem>>)
      %dma_wait3A_34 = arith.constant 0 : i32
      %dma_wait3A_35 = tpu.memref_slice %arg7[%mul3A_2, %dma_wait3A_34] : memref<256x128xf32, #tpu.memory_space<hbm>> -> memref<8x128xf32, #tpu.memory_space<hbm>>
      %dma_wait3A_36 = arith.constant 0 : i32
      %dma_wait3A_37 = tpu.memref_slice %arg7[%mul3A_2, %dma_wait3A_36] : memref<256x128xf32, #tpu.memory_space<hbm>> -> memref<8x128xf32, #tpu.memory_space<hbm>>
      tpu.wait_dma2 semaphore(%run_scoped3A : memref<!tpu.dma_semaphore, #tpu.memory_space<semaphore_mem>>) src(%arg10 : memref<8x128xf32, #tpu.memory_space<vmem>>) dst(%dma_wait3A_37 : memref<8x128xf32, #tpu.memory_space<hbm>>)
      tpu.yield
    }) : () -> ()
    %mul3A_7 = arith.constant 2048 : i32
    %mul3A_8 = arith.muli %mul3A_2, %mul3A_7 : i32
    "tpu.region"() ({
      %run_scoped3A = tpu.sem_alloc : memref<!tpu.dma_semaphore, #tpu.memory_space<semaphore_mem>>
      %dma_start3A_30 = tpu.memref_slice %arg5[%mul3A_8] : memref<524288xi32, #tpu.memory_space<hbm>> -> memref<16384xi32, #tpu.memory_space<hbm>>
      %dma_start3A_31 = tpu.memref_slice %arg5[%mul3A_8] : memref<524288xi32, #tpu.memory_space<hbm>> -> memref<16384xi32, #tpu.memory_space<hbm>>
      tpu.enqueue_dma source(%dma_start3A_31 : memref<16384xi32, #tpu.memory_space<hbm>>) target(%arg11 : memref<16384xi32, #tpu.memory_space<vmem>>) target_semaphore(%run_scoped3A : memref<!tpu.dma_semaphore, #tpu.memory_space<semaphore_mem>>)
      %dma_wait3A_32 = tpu.memref_slice %arg5[%mul3A_8] : memref<524288xi32, #tpu.memory_space<hbm>> -> memref<16384xi32, #tpu.memory_space<hbm>>
      %dma_wait3A_33 = tpu.memref_slice %arg5[%mul3A_8] : memref<524288xi32, #tpu.memory_space<hbm>> -> memref<16384xi32, #tpu.memory_space<hbm>>
      tpu.wait_dma2 semaphore(%run_scoped3A : memref<!tpu.dma_semaphore, #tpu.memory_space<semaphore_mem>>) src(%dma_wait3A_33 : memref<16384xi32, #tpu.memory_space<hbm>>) dst(%arg11 : memref<16384xi32, #tpu.memory_space<vmem>>)
      tpu.yield
    }) : () -> ()
    %iota3A = tpu.iota {dimensions = array<i32: 0>} : vector<16xi32>
    %dma_start3A_9 = arith.constant 0 : i32
    %dma_start3A_10 = arith.constant 0 : i32
    %dma_start3A_11 = tpu.memref_slice %arg12[%dma_start3A_9, %dma_start3A_10] : memref<256x128xf32, #tpu.memory_space<vmem>> -> memref<128x128xf32, #tpu.memory_space<vmem>>
    %dma_start3A_12 = arith.constant 0 : i32
    %dma_start3A_13 = tpu.memref_slice %arg11[%dma_start3A_12] : memref<16384xi32, #tpu.memory_space<vmem>> -> memref<128xi32, #tpu.memory_space<vmem>>
    %dma_start3A_14 = arith.constant 0 : i32
    %dma_start3A_15 = arith.constant 0 : i32
    %dma_start3A_16 = tpu.memref_slice %arg3[%dma_start3A_14, %dma_start3A_15] : memref<1000000x128xf32, #tpu.memory_space<hbm>> -> memref<1000000x128xf32, #tpu.memory_space<hbm>>
    tpu.enqueue_indirect_dma source(%dma_start3A_16 : memref<1000000x128xf32, #tpu.memory_space<hbm>>) target(%dma_start3A_11 : memref<128x128xf32, #tpu.memory_space<vmem>>) offsets(%dma_start3A_13 : memref<128xi32, #tpu.memory_space<vmem>>) semaphore(%arg15 : memref<!tpu.dma_semaphore, #tpu.memory_space<semaphore_mem>>)
    %dma_start3A_17 = arith.constant 128 : i32
    %dma_start3A_18 = arith.constant 0 : i32
    %dma_start3A_19 = tpu.memref_slice %arg12[%dma_start3A_17, %dma_start3A_18] : memref<256x128xf32, #tpu.memory_space<vmem>> -> memref<128x128xf32, #tpu.memory_space<vmem>>
    %dma_start3A_20 = arith.constant 128 : i32
    %dma_start3A_21 = tpu.memref_slice %arg11[%dma_start3A_20] : memref<16384xi32, #tpu.memory_space<vmem>> -> memref<128xi32, #tpu.memory_space<vmem>>
    %dma_start3A_22 = arith.constant 0 : i32
    %dma_start3A_23 = arith.constant 0 : i32
    %dma_start3A_24 = tpu.memref_slice %arg3[%dma_start3A_22, %dma_start3A_23] : memref<1000000x128xf32, #tpu.memory_space<hbm>> -> memref<1000000x128xf32, #tpu.memory_space<hbm>>
    tpu.enqueue_indirect_dma source(%dma_start3A_24 : memref<1000000x128xf32, #tpu.memory_space<hbm>>) target(%dma_start3A_19 : memref<128x128xf32, #tpu.memory_space<vmem>>) offsets(%dma_start3A_21 : memref<128xi32, #tpu.memory_space<vmem>>) semaphore(%arg15 : memref<!tpu.dma_semaphore, #tpu.memory_space<semaphore_mem>>)
    %scan3A = arith.constant 0 : i32
    %scan3A_25 = arith.constant 0 : i32
    %scan3A_26 = arith.constant 32 : i32
    %scan3A_27 = arith.addi %scan3A_25, %scan3A_26 : i32
    %scan3A_28 = arith.constant 1 : i32
    scf.for %scan3A_30 = %scan3A_25 to %scan3A_27 step %scan3A_28  : i32 {
      %mul3A_31 = arith.constant 2 : i32
      %mul3A_32 = arith.muli %mul3A_31, %scan3A_30 : i32
      %add3A_33 = arith.constant 1 : i32
      %add3A_34 = arith.addi %mul3A_32, %add3A_33 : i32
      %mul3A_35 = arith.constant 256 : i32
      %mul3A_36 = arith.muli %add3A_34, %mul3A_35 : i32
      %dma_start3A_37 = arith.constant 0 : i32
      %dma_start3A_38 = arith.constant 0 : i32
      %dma_start3A_39 = tpu.memref_slice %arg13[%dma_start3A_37, %dma_start3A_38] : memref<256x128xf32, #tpu.memory_space<vmem>> -> memref<128x128xf32, #tpu.memory_space<vmem>>
      %dma_start3A_40 = tpu.memref_slice %arg11[%mul3A_36] : memref<16384xi32, #tpu.memory_space<vmem>> -> memref<128xi32, #tpu.memory_space<vmem>>
      %dma_start3A_41 = arith.constant 0 : i32
      %dma_start3A_42 = arith.constant 0 : i32
      %dma_start3A_43 = tpu.memref_slice %arg3[%dma_start3A_41, %dma_start3A_42] : memref<1000000x128xf32, #tpu.memory_space<hbm>> -> memref<1000000x128xf32, #tpu.memory_space<hbm>>
      tpu.enqueue_indirect_dma source(%dma_start3A_43 : memref<1000000x128xf32, #tpu.memory_space<hbm>>) target(%dma_start3A_39 : memref<128x128xf32, #tpu.memory_space<vmem>>) offsets(%dma_start3A_40 : memref<128xi32, #tpu.memory_space<vmem>>) semaphore(%arg15 : memref<!tpu.dma_semaphore, #tpu.memory_space<semaphore_mem>>)
      %add3A_44 = arith.constant 128 : i32
      %add3A_45 = arith.addi %mul3A_36, %add3A_44 : i32
      %dma_start3A_46 = arith.constant 128 : i32
      %dma_start3A_47 = arith.constant 0 : i32
      %dma_start3A_48 = tpu.memref_slice %arg13[%dma_start3A_46, %dma_start3A_47] : memref<256x128xf32, #tpu.memory_space<vmem>> -> memref<128x128xf32, #tpu.memory_space<vmem>>
      %dma_start3A_49 = tpu.memref_slice %arg11[%add3A_45] : memref<16384xi32, #tpu.memory_space<vmem>> -> memref<128xi32, #tpu.memory_space<vmem>>
      %dma_start3A_50 = arith.constant 0 : i32
      %dma_start3A_51 = arith.constant 0 : i32
      %dma_start3A_52 = tpu.memref_slice %arg3[%dma_start3A_50, %dma_start3A_51] : memref<1000000x128xf32, #tpu.memory_space<hbm>> -> memref<1000000x128xf32, #tpu.memory_space<hbm>>
      tpu.enqueue_indirect_dma source(%dma_start3A_52 : memref<1000000x128xf32, #tpu.memory_space<hbm>>) target(%dma_start3A_48 : memref<128x128xf32, #tpu.memory_space<vmem>>) offsets(%dma_start3A_49 : memref<128xi32, #tpu.memory_space<vmem>>) semaphore(%arg15 : memref<!tpu.dma_semaphore, #tpu.memory_space<semaphore_mem>>)
      %dma_wait3A_53 = arith.constant 0 : i32
      %dma_wait3A_54 = arith.constant 0 : i32
      %dma_wait3A_55 = tpu.memref_slice %arg3[%dma_wait3A_53, %dma_wait3A_54] : memref<1000000x128xf32, #tpu.memory_space<hbm>> -> memref<256x128xf32, #tpu.memory_space<hbm>>
      %dma_wait3A_56 = arith.constant 0 : i32
      %dma_wait3A_57 = arith.constant 0 : i32
      %dma_wait3A_58 = tpu.memref_slice %arg3[%dma_wait3A_56, %dma_wait3A_57] : memref<1000000x128xf32, #tpu.memory_space<hbm>> -> memref<256x128xf32, #tpu.memory_space<hbm>>
      tpu.wait_dma2 semaphore(%arg15 : memref<!tpu.dma_semaphore, #tpu.memory_space<semaphore_mem>>) src(%dma_wait3A_58 : memref<256x128xf32, #tpu.memory_space<hbm>>) dst(%arg12 : memref<256x128xf32, #tpu.memory_space<vmem>>)
      %jit3A = arith.constant 8 : i32
      %div3A = arith.divsi %mul3A_32, %jit3A : i32
      %sign3A = arith.constant 0 : i32
      %sign3A_59 = arith.cmpi sgt, %mul3A_32, %sign3A : i32
      %sign3A_60 = arith.extui %sign3A_59 : i1 to i32
      %sign3A_61 = arith.constant 0 : i32
      %sign3A_62 = arith.cmpi slt, %mul3A_32, %sign3A_61 : i32
      %sign3A_63 = arith.extui %sign3A_62 : i1 to i32
      %sign3A_64 = arith.subi %sign3A_60, %sign3A_63 : i32
      %sign3A_65 = arith.constant 0 : i32
      %sign3A_66 = arith.cmpi sgt, %jit3A, %sign3A_65 : i32
      %sign3A_67 = arith.extui %sign3A_66 : i1 to i32
      %sign3A_68 = arith.constant 0 : i32
      %sign3A_69 = arith.cmpi slt, %jit3A, %sign3A_68 : i32
      %sign3A_70 = arith.extui %sign3A_69 : i1 to i32
      %sign3A_71 = arith.subi %sign3A_67, %sign3A_70 : i32
      %ne3A = arith.cmpi ne, %sign3A_64, %sign3A_71 : i32
      %rem3A = arith.remsi %mul3A_32, %jit3A : i32
      %ne3A_72 = arith.constant 0 : i32
      %ne3A_73 = arith.cmpi ne, %rem3A, %ne3A_72 : i32
      %and3A = arith.andi %ne3A, %ne3A_73 : i1
      %sub3A = arith.constant 1 : i32
      %sub3A_74 = arith.subi %div3A, %sub3A : i32
      %select_n3A = arith.select %and3A, %sub3A_74, %div3A : i32
      %mul3A_75 = arith.constant 8 : i32
      %mul3A_76 = arith.muli %select_n3A, %mul3A_75 : i32
      %sub3A_77 = arith.subi %mul3A_32, %mul3A_76 : i32
      %mul3A_78 = arith.constant 256 : i32
      %mul3A_79 = arith.muli %sub3A_77, %mul3A_78 : i32
      %get3A = arith.index_cast %select_n3A : i32 to index
      %get3A_80 = arith.constant 0 : index
      %get3A_81 = tpu.vector_load %arg8[%get3A, %get3A_80] {strides = array<i32>} : memref<8x128xf32, #tpu.memory_space<vmem>>, vector<16xf32>,
      %get3A_82 = arith.index_cast %select_n3A : i32 to index
      %get3A_83 = arith.constant 16 : index
      %get3A_84 = tpu.vector_load %arg8[%get3A_82, %get3A_83] {strides = array<i32>} : memref<8x128xf32, #tpu.memory_space<vmem>>, vector<16xf32>,
      %get3A_85 = arith.index_cast %select_n3A : i32 to index
      %get3A_86 = arith.constant 32 : index
      %get3A_87 = tpu.vector_load %arg8[%get3A_85, %get3A_86] {strides = array<i32>} : memref<8x128xf32, #tpu.memory_space<vmem>>, vector<16xf32>,
      %get3A_88 = arith.index_cast %select_n3A : i32 to index
      %get3A_89 = arith.constant 48 : index
      %get3A_90 = tpu.vector_load %arg8[%get3A_88, %get3A_89] {strides = array<i32>} : memref<8x128xf32, #tpu.memory_space<vmem>>, vector<16xf32>,
      %get3A_91 = arith.index_cast %select_n3A : i32 to index
      %get3A_92 = arith.constant 64 : index
      %get3A_93 = tpu.vector_load %arg8[%get3A_91, %get3A_92] {strides = array<i32>} : memref<8x128xf32, #tpu.memory_space<vmem>>, vector<16xf32>,
      %get3A_94 = arith.index_cast %select_n3A : i32 to index
      %get3A_95 = arith.constant 80 : index
      %get3A_96 = tpu.vector_load %arg8[%get3A_94, %get3A_95] {strides = array<i32>} : memref<8x128xf32, #tpu.memory_space<vmem>>, vector<16xf32>,
      %get3A_97 = arith.index_cast %select_n3A : i32 to index
      %get3A_98 = arith.constant 96 : index
      %get3A_99 = tpu.vector_load %arg8[%get3A_97, %get3A_98] {strides = array<i32>} : memref<8x128xf32, #tpu.memory_space<vmem>>, vector<16xf32>,
      %get3A_100 = arith.index_cast %select_n3A : i32 to index
      %get3A_101 = arith.constant 112 : index
      %get3A_102 = tpu.vector_load %arg8[%get3A_100, %get3A_101] {strides = array<i32>} : memref<8x128xf32, #tpu.memory_space<vmem>>, vector<16xf32>,
      %scan3A_103 = arith.constant 0 : i32
      %scan3A_104 = arith.constant 0 : i32
      %scan3A_105 = arith.constant 16 : i32
      %scan3A_106 = arith.addi %scan3A_104, %scan3A_105 : i32
      %scan3A_107 = arith.constant 1 : i32
      scf.for %scan3A_180 = %scan3A_104 to %scan3A_106 step %scan3A_107  : i32 {
        %mul3A_181 = arith.constant 16 : i32
        %mul3A_182 = arith.muli %scan3A_180, %mul3A_181 : i32
        %broadcast_in_dim3A = arith.constant 0.000000e+00 : f32
        %broadcast_in_dim3A_183 = vector.broadcast %broadcast_in_dim3A : f32 to vector<16xf32>
        %add3A_184 = arith.constant 0 : i32
        %add3A_185 = arith.addi %mul3A_182, %add3A_184 : i32
        %get3A_186 = arith.index_cast %add3A_185 : i32 to index
        %get3A_187 = arith.constant 0 : index
        %get3A_188 = tpu.vector_load %arg12[%get3A_186, %get3A_187] {strides = array<i32>} : memref<256x128xf32, #tpu.memory_space<vmem>>, vector<16xf32>,
        %mul3A_189 = arith.mulf %get3A_188, %get3A_81 : vector<16xf32>
        %add3A_190 = arith.constant 0 : i32
        %add3A_191 = arith.addi %mul3A_182, %add3A_190 : i32
        %get3A_192 = arith.index_cast %add3A_191 : i32 to index
        %get3A_193 = arith.constant 16 : index
        %get3A_194 = tpu.vector_load %arg12[%get3A_192, %get3A_193] {strides = array<i32>} : memref<256x128xf32, #tpu.memory_space<vmem>>, vector<16xf32>,
        %mul3A_195 = arith.mulf %get3A_194, %get3A_84 : vector<16xf32>
        %add3A_196 = arith.constant 0 : i32
        %add3A_197 = arith.addi %mul3A_182, %add3A_196 : i32
        %get3A_198 = arith.index_cast %add3A_197 : i32 to index
        %get3A_199 = arith.constant 32 : index
        %get3A_200 = tpu.vector_load %arg12[%get3A_198, %get3A_199] {strides = array<i32>} : memref<256x128xf32, #tpu.memory_space<vmem>>, vector<16xf32>,
        %mul3A_201 = arith.mulf %get3A_200, %get3A_87 : vector<16xf32>
        %add3A_202 = arith.constant 0 : i32
        %add3A_203 = arith.addi %mul3A_182, %add3A_202 : i32
        %get3A_204 = arith.index_cast %add3A_203 : i32 to index
        %get3A_205 = arith.constant 48 : index
        %get3A_206 = tpu.vector_load %arg12[%get3A_204, %get3A_205] {strides = array<i32>} : memref<256x128xf32, #tpu.memory_space<vmem>>, vector<16xf32>,
        %mul3A_207 = arith.mulf %get3A_206, %get3A_90 : vector<16xf32>
        %add3A_208 = arith.constant 0 : i32
        %add3A_209 = arith.addi %mul3A_182, %add3A_208 : i32
        %get3A_210 = arith.index_cast %add3A_209 : i32 to index
        %get3A_211 = arith.constant 64 : index
        %get3A_212 = tpu.vector_load %arg12[%get3A_210, %get3A_211] {strides = array<i32>} : memref<256x128xf32, #tpu.memory_space<vmem>>, vector<16xf32>,
        %mul3A_213 = arith.mulf %get3A_212, %get3A_93 : vector<16xf32>
        %add3A_214 = arith.constant 0 : i32
        %add3A_215 = arith.addi %mul3A_182, %add3A_214 : i32
        %get3A_216 = arith.index_cast %add3A_215 : i32 to index
        %get3A_217 = arith.constant 80 : index
        %get3A_218 = tpu.vector_load %arg12[%get3A_216, %get3A_217] {strides = array<i32>} : memref<256x128xf32, #tpu.memory_space<vmem>>, vector<16xf32>,
        %mul3A_219 = arith.mulf %get3A_218, %get3A_96 : vector<16xf32>
        %add3A_220 = arith.constant 0 : i32
        %add3A_221 = arith.addi %mul3A_182, %add3A_220 : i32
        %get3A_222 = arith.index_cast %add3A_221 : i32 to index
        %get3A_223 = arith.constant 96 : index
        %get3A_224 = tpu.vector_load %arg12[%get3A_222, %get3A_223] {strides = array<i32>} : memref<256x128xf32, #tpu.memory_space<vmem>>, vector<16xf32>,
        %mul3A_225 = arith.mulf %get3A_224, %get3A_99 : vector<16xf32>
        %add3A_226 = arith.constant 0 : i32
        %add3A_227 = arith.addi %mul3A_182, %add3A_226 : i32
        %get3A_228 = arith.index_cast %add3A_227 : i32 to index
        %get3A_229 = arith.constant 112 : index
        %get3A_230 = tpu.vector_load %arg12[%get3A_228, %get3A_229] {strides = array<i32>} : memref<256x128xf32, #tpu.memory_space<vmem>>, vector<16xf32>,
        %mul3A_231 = arith.mulf %get3A_230, %get3A_102 : vector<16xf32>
        %add3A_232 = arith.addf %mul3A_189, %mul3A_195 : vector<16xf32>
        %add3A_233 = arith.addf %mul3A_201, %mul3A_207 : vector<16xf32>
        %add3A_234 = arith.addf %mul3A_213, %mul3A_219 : vector<16xf32>
        %add3A_235 = arith.addf %mul3A_225, %mul3A_231 : vector<16xf32>
        %add3A_236 = arith.addf %add3A_232, %add3A_233 : vector<16xf32>
        %add3A_237 = arith.addf %add3A_234, %add3A_235 : vector<16xf32>
        %add3A_238 = arith.addf %add3A_236, %add3A_237 : vector<16xf32>
        %eq3A = arith.constant 0 : i32
        %eq3A_239 = vector.broadcast %eq3A : i32 to vector<16xi32>
        %eq3A_240 = arith.cmpi eq, %iota3A, %eq3A_239 : vector<16xi32>
        %reduce_sum3A = arith.constant true
        %reduce_sum3A_241 = vector.broadcast %reduce_sum3A : i1 to vector<16xi1>
        %reduce_sum3A_242 = tpu.scan <sum>, %add3A_238 masked %reduce_sum3A_241 : vector<16xf32>, vector<16xi1> -> vector<16xf32>
        %reduce_sum3A_243 = vector.extract %reduce_sum3A_242[15] : f32 from vector<16xf32>
        %broadcast_in_dim3A_244 = vector.broadcast %reduce_sum3A_243 : f32 to vector<16xf32>
        %select_n3A_245 = arith.select %eq3A_240, %broadcast_in_dim3A_244, %broadcast_in_dim3A_183 : vector<16xi1>, vector<16xf32>
        %add3A_246 = arith.constant 1 : i32
        %add3A_247 = arith.addi %mul3A_182, %add3A_246 : i32
        %get3A_248 = arith.index_cast %add3A_247 : i32 to index
        %get3A_249 = arith.constant 0 : index
        %get3A_250 = tpu.vector_load %arg12[%get3A_248, %get3A_249] {strides = array<i32>} : memref<256x128xf32, #tpu.memory_space<vmem>>, vector<16xf32>,
        %mul3A_251 = arith.mulf %get3A_250, %get3A_81 : vector<16xf32>
        %add3A_252 = arith.constant 1 : i32
        %add3A_253 = arith.addi %mul3A_182, %add3A_252 : i32
        %get3A_254 = arith.index_cast %add3A_253 : i32 to index
        %get3A_255 = arith.constant 16 : index
        %get3A_256 = tpu.vector_load %arg12[%get3A_254, %get3A_255] {strides = array<i32>} : memref<256x128xf32, #tpu.memory_space<vmem>>, vector<16xf32>,
        %mul3A_257 = arith.mulf %get3A_256, %get3A_84 : vector<16xf32>
        %add3A_258 = arith.constant 1 : i32
        %add3A_259 = arith.addi %mul3A_182, %add3A_258 : i32
        %get3A_260 = arith.index_cast %add3A_259 : i32 to index
        %get3A_261 = arith.constant 32 : index
        %get3A_262 = tpu.vector_load %arg12[%get3A_260, %get3A_261] {strides = array<i32>} : memref<256x128xf32, #tpu.memory_space<vmem>>, vector<16xf32>,
        %mul3A_263 = arith.mulf %get3A_262, %get3A_87 : vector<16xf32>
        %add3A_264 = arith.constant 1 : i32
        %add3A_265 = arith.addi %mul3A_182, %add3A_264 : i32
        %get3A_266 = arith.index_cast %add3A_265 : i32 to index
        %get3A_267 = arith.constant 48 : index
        %get3A_268 = tpu.vector_load %arg12[%get3A_266, %get3A_267] {strides = array<i32>} : memref<256x128xf32, #tpu.memory_space<vmem>>, vector<16xf32>,
        %mul3A_269 = arith.mulf %get3A_268, %get3A_90 : vector<16xf32>
        %add3A_270 = arith.constant 1 : i32
        %add3A_271 = arith.addi %mul3A_182, %add3A_270 : i32
        %get3A_272 = arith.index_cast %add3A_271 : i32 to index
        %get3A_273 = arith.constant 64 : index
        %get3A_274 = tpu.vector_load %arg12[%get3A_272, %get3A_273] {strides = array<i32>} : memref<256x128xf32, #tpu.memory_space<vmem>>, vector<16xf32>,
        %mul3A_275 = arith.mulf %get3A_274, %get3A_93 : vector<16xf32>
        %add3A_276 = arith.constant 1 : i32
        %add3A_277 = arith.addi %mul3A_182, %add3A_276 : i32
        %get3A_278 = arith.index_cast %add3A_277 : i32 to index
        %get3A_279 = arith.constant 80 : index
        %get3A_280 = tpu.vector_load %arg12[%get3A_278, %get3A_279] {strides = array<i32>} : memref<256x128xf32, #tpu.memory_space<vmem>>, vector<16xf32>,
        %mul3A_281 = arith.mulf %get3A_280, %get3A_96 : vector<16xf32>
        %add3A_282 = arith.constant 1 : i32
        %add3A_283 = arith.addi %mul3A_182, %add3A_282 : i32
        %get3A_284 = arith.index_cast %add3A_283 : i32 to index
        %get3A_285 = arith.constant 96 : index
        %get3A_286 = tpu.vector_load %arg12[%get3A_284, %get3A_285] {strides = array<i32>} : memref<256x128xf32, #tpu.memory_space<vmem>>, vector<16xf32>,
        %mul3A_287 = arith.mulf %get3A_286, %get3A_99 : vector<16xf32>
        %add3A_288 = arith.constant 1 : i32
        %add3A_289 = arith.addi %mul3A_182, %add3A_288 : i32
        %get3A_290 = arith.index_cast %add3A_289 : i32 to index
        %get3A_291 = arith.constant 112 : index
        %get3A_292 = tpu.vector_load %arg12[%get3A_290, %get3A_291] {strides = array<i32>} : memref<256x128xf32, #tpu.memory_space<vmem>>, vector<16xf32>,
        %mul3A_293 = arith.mulf %get3A_292, %get3A_102 : vector<16xf32>
        %add3A_294 = arith.addf %mul3A_251, %mul3A_257 : vector<16xf32>
        %add3A_295 = arith.addf %mul3A_263, %mul3A_269 : vector<16xf32>
        %add3A_296 = arith.addf %mul3A_275, %mul3A_281 : vector<16xf32>
        %add3A_297 = arith.addf %mul3A_287, %mul3A_293 : vector<16xf32>
        %add3A_298 = arith.addf %add3A_294, %add3A_295 : vector<16xf32>
        %add3A_299 = arith.addf %add3A_296, %add3A_297 : vector<16xf32>
        %add3A_300 = arith.addf %add3A_298, %add3A_299 : vector<16xf32>
        %eq3A_301 = arith.constant 1 : i32
        %eq3A_302 = vector.broadcast %eq3A_301 : i32 to vector<16xi32>
        %eq3A_303 = arith.cmpi eq, %iota3A, %eq3A_302 : vector<16xi32>
        %reduce_sum3A_304 = arith.constant true
        %reduce_sum3A_305 = vector.broadcast %reduce_sum3A_304 : i1 to vector<16xi1>
        %reduce_sum3A_306 = tpu.scan <sum>, %add3A_300 masked %reduce_sum3A_305 : vector<16xf32>, vector<16xi1> -> vector<16xf32>
        %reduce_sum3A_307 = vector.extract %reduce_sum3A_306[15] : f32 from vector<16xf32>
        %broadcast_in_dim3A_308 = vector.broadcast %reduce_sum3A_307 : f32 to vector<16xf32>
        %select_n3A_309 = arith.select %eq3A_303, %broadcast_in_dim3A_308, %select_n3A_245 : vector<16xi1>, vector<16xf32>
        %add3A_310 = arith.constant 2 : i32
        %add3A_311 = arith.addi %mul3A_182, %add3A_310 : i32
        %get3A_312 = arith.index_cast %add3A_311 : i32 to index
        %get3A_313 = arith.constant 0 : index
        %get3A_314 = tpu.vector_load %arg12[%get3A_312, %get3A_313] {strides = array<i32>} : memref<256x128xf32, #tpu.memory_space<vmem>>, vector<16xf32>,
        %mul3A_315 = arith.mulf %get3A_314, %get3A_81 : vector<16xf32>
        %add3A_316 = arith.constant 2 : i32
        %add3A_317 = arith.addi %mul3A_182, %add3A_316 : i32
        %get3A_318 = arith.index_cast %add3A_317 : i32 to index
        %get3A_319 = arith.constant 16 : index
        %get3A_320 = tpu.vector_load %arg12[%get3A_318, %get3A_319] {strides = array<i32>} : memref<256x128xf32, #tpu.memory_space<vmem>>, vector<16xf32>,
        %mul3A_321 = arith.mulf %get3A_320, %get3A_84 : vector<16xf32>
        %add3A_322 = arith.constant 2 : i32
        %add3A_323 = arith.addi %mul3A_182, %add3A_322 : i32
        %get3A_324 = arith.index_cast %add3A_323 : i32 to index
        %get3A_325 = arith.constant 32 : index
        %get3A_326 = tpu.vector_load %arg12[%get3A_324, %get3A_325] {strides = array<i32>} : memref<256x128xf32, #tpu.memory_space<vmem>>, vector<16xf32>,
        %mul3A_327 = arith.mulf %get3A_326, %get3A_87 : vector<16xf32>
        %add3A_328 = arith.constant 2 : i32
        %add3A_329 = arith.addi %mul3A_182, %add3A_328 : i32
        %get3A_330 = arith.index_cast %add3A_329 : i32 to index
        %get3A_331 = arith.constant 48 : index
        %get3A_332 = tpu.vector_load %arg12[%get3A_330, %get3A_331] {strides = array<i32>} : memref<256x128xf32, #tpu.memory_space<vmem>>, vector<16xf32>,
        %mul3A_333 = arith.mulf %get3A_332, %get3A_90 : vector<16xf32>
        %add3A_334 = arith.constant 2 : i32
        %add3A_335 = arith.addi %mul3A_182, %add3A_334 : i32
        %get3A_336 = arith.index_cast %add3A_335 : i32 to index
        %get3A_337 = arith.constant 64 : index
        %get3A_338 = tpu.vector_load %arg12[%get3A_336, %get3A_337] {strides = array<i32>} : memref<256x128xf32, #tpu.memory_space<vmem>>, vector<16xf32>,
        %mul3A_339 = arith.mulf %get3A_338, %get3A_93 : vector<16xf32>
        %add3A_340 = arith.constant 2 : i32
        %add3A_341 = arith.addi %mul3A_182, %add3A_340 : i32
        %get3A_342 = arith.index_cast %add3A_341 : i32 to index
        %get3A_343 = arith.constant 80 : index
        %get3A_344 = tpu.vector_load %arg12[%get3A_342, %get3A_343] {strides = array<i32>} : memref<256x128xf32, #tpu.memory_space<vmem>>, vector<16xf32>,
        %mul3A_345 = arith.mulf %get3A_344, %get3A_96 : vector<16xf32>
        %add3A_346 = arith.constant 2 : i32
        %add3A_347 = arith.addi %mul3A_182, %add3A_346 : i32
        %get3A_348 = arith.index_cast %add3A_347 : i32 to index
        %get3A_349 = arith.constant 96 : index
        %get3A_350 = tpu.vector_load %arg12[%get3A_348, %get3A_349] {strides = array<i32>} : memref<256x128xf32, #tpu.memory_space<vmem>>, vector<16xf32>,
        %mul3A_351 = arith.mulf %get3A_350, %get3A_99 : vector<16xf32>
        %add3A_352 = arith.constant 2 : i32
        %add3A_353 = arith.addi %mul3A_182, %add3A_352 : i32
        %get3A_354 = arith.index_cast %add3A_353 : i32 to index
        %get3A_355 = arith.constant 112 : index
        %get3A_356 = tpu.vector_load %arg12[%get3A_354, %get3A_355] {strides = array<i32>} : memref<256x128xf32, #tpu.memory_space<vmem>>, vector<16xf32>,
        %mul3A_357 = arith.mulf %get3A_356, %get3A_102 : vector<16xf32>
        %add3A_358 = arith.addf %mul3A_315, %mul3A_321 : vector<16xf32>
        %add3A_359 = arith.addf %mul3A_327, %mul3A_333 : vector<16xf32>
        %add3A_360 = arith.addf %mul3A_339, %mul3A_345 : vector<16xf32>
        %add3A_361 = arith.addf %mul3A_351, %mul3A_357 : vector<16xf32>
        %add3A_362 = arith.addf %add3A_358, %add3A_359 : vector<16xf32>
        %add3A_363 = arith.addf %add3A_360, %add3A_361 : vector<16xf32>
        %add3A_364 = arith.addf %add3A_362, %add3A_363 : vector<16xf32>
        %eq3A_365 = arith.constant 2 : i32
        %eq3A_366 = vector.broadcast %eq3A_365 : i32 to vector<16xi32>
        %eq3A_367 = arith.cmpi eq, %iota3A, %eq3A_366 : vector<16xi32>
        %reduce_sum3A_368 = arith.constant true
        %reduce_sum3A_369 = vector.broadcast %reduce_sum3A_368 : i1 to vector<16xi1>
        %reduce_sum3A_370 = tpu.scan <sum>, %add3A_364 masked %reduce_sum3A_369 : vector<16xf32>, vector<16xi1> -> vector<16xf32>
        %reduce_sum3A_371 = vector.extract %reduce_sum3A_370[15] : f32 from vector<16xf32>
        %broadcast_in_dim3A_372 = vector.broadcast %reduce_sum3A_371 : f32 to vector<16xf32>
        %select_n3A_373 = arith.select %eq3A_367, %broadcast_in_dim3A_372, %select_n3A_309 : vector<16xi1>, vector<16xf32>
        %add3A_374 = arith.constant 3 : i32
        %add3A_375 = arith.addi %mul3A_182, %add3A_374 : i32
        %get3A_376 = arith.index_cast %add3A_375 : i32 to index
        %get3A_377 = arith.constant 0 : index
        %get3A_378 = tpu.vector_load %arg12[%get3A_376, %get3A_377] {strides = array<i32>} : memref<256x128xf32, #tpu.memory_space<vmem>>, vector<16xf32>,
        %mul3A_379 = arith.mulf %get3A_378, %get3A_81 : vector<16xf32>
        %add3A_380 = arith.constant 3 : i32
        %add3A_381 = arith.addi %mul3A_182, %add3A_380 : i32
        %get3A_382 = arith.index_cast %add3A_381 : i32 to index
        %get3A_383 = arith.constant 16 : index
        %get3A_384 = tpu.vector_load %arg12[%get3A_382, %get3A_383] {strides = array<i32>} : memref<256x128xf32, #tpu.memory_space<vmem>>, vector<16xf32>,
        %mul3A_385 = arith.mulf %get3A_384, %get3A_84 : vector<16xf32>
        %add3A_386 = arith.constant 3 : i32
        %add3A_387 = arith.addi %mul3A_182, %add3A_386 : i32
        %get3A_388 = arith.index_cast %add3A_387 : i32 to index
        %get3A_389 = arith.constant 32 : index
        %get3A_390 = tpu.vector_load %arg12[%get3A_388, %get3A_389] {strides = array<i32>} : memref<256x128xf32, #tpu.memory_space<vmem>>, vector<16xf32>,
        %mul3A_391 = arith.mulf %get3A_390, %get3A_87 : vector<16xf32>
        %add3A_392 = arith.constant 3 : i32
        %add3A_393 = arith.addi %mul3A_182, %add3A_392 : i32
        %get3A_394 = arith.index_cast %add3A_393 : i32 to index
        %get3A_395 = arith.constant 48 : index
        %get3A_396 = tpu.vector_load %arg12[%get3A_394, %get3A_395] {strides = array<i32>} : memref<256x128xf32, #tpu.memory_space<vmem>>, vector<16xf32>,
        %mul3A_397 = arith.mulf %get3A_396, %get3A_90 : vector<16xf32>
        %add3A_398 = arith.constant 3 : i32
        %add3A_399 = arith.addi %mul3A_182, %add3A_398 : i32
        %get3A_400 = arith.index_cast %add3A_399 : i32 to index
        %get3A_401 = arith.constant 64 : index
        %get3A_402 = tpu.vector_load %arg12[%get3A_400, %get3A_401] {strides = array<i32>} : memref<256x128xf32, #tpu.memory_space<vmem>>, vector<16xf32>,
        %mul3A_403 = arith.mulf %get3A_402, %get3A_93 : vector<16xf32>
        %add3A_404 = arith.constant 3 : i32
        %add3A_405 = arith.addi %mul3A_182, %add3A_404 : i32
        %get3A_406 = arith.index_cast %add3A_405 : i32 to index
        %get3A_407 = arith.constant 80 : index
        %get3A_408 = tpu.vector_load %arg12[%get3A_406, %get3A_407] {strides = array<i32>} : memref<256x128xf32, #tpu.memory_space<vmem>>, vector<16xf32>,
        %mul3A_409 = arith.mulf %get3A_408, %get3A_96 : vector<16xf32>
        %add3A_410 = arith.constant 3 : i32
        %add3A_411 = arith.addi %mul3A_182, %add3A_410 : i32
        %get3A_412 = arith.index_cast %add3A_411 : i32 to index
        %get3A_413 = arith.constant 96 : index
        %get3A_414 = tpu.vector_load %arg12[%get3A_412, %get3A_413] {strides = array<i32>} : memref<256x128xf32, #tpu.memory_space<vmem>>, vector<16xf32>,
        %mul3A_415 = arith.mulf %get3A_414, %get3A_99 : vector<16xf32>
        %add3A_416 = arith.constant 3 : i32
        %add3A_417 = arith.addi %mul3A_182, %add3A_416 : i32
        %get3A_418 = arith.index_cast %add3A_417 : i32 to index
        %get3A_419 = arith.constant 112 : index
        %get3A_420 = tpu.vector_load %arg12[%get3A_418, %get3A_419] {strides = array<i32>} : memref<256x128xf32, #tpu.memory_space<vmem>>, vector<16xf32>,
        %mul3A_421 = arith.mulf %get3A_420, %get3A_102 : vector<16xf32>
        %add3A_422 = arith.addf %mul3A_379, %mul3A_385 : vector<16xf32>
        %add3A_423 = arith.addf %mul3A_391, %mul3A_397 : vector<16xf32>
        %add3A_424 = arith.addf %mul3A_403, %mul3A_409 : vector<16xf32>
        %add3A_425 = arith.addf %mul3A_415, %mul3A_421 : vector<16xf32>
        %add3A_426 = arith.addf %add3A_422, %add3A_423 : vector<16xf32>
        %add3A_427 = arith.addf %add3A_424, %add3A_425 : vector<16xf32>
        %add3A_428 = arith.addf %add3A_426, %add3A_427 : vector<16xf32>
        %eq3A_429 = arith.constant 3 : i32
        %eq3A_430 = vector.broadcast %eq3A_429 : i32 to vector<16xi32>
        %eq3A_431 = arith.cmpi eq, %iota3A, %eq3A_430 : vector<16xi32>
        %reduce_sum3A_432 = arith.constant true
        %reduce_sum3A_433 = vector.broadcast %reduce_sum3A_432 : i1 to vector<16xi1>
        %reduce_sum3A_434 = tpu.scan <sum>, %add3A_428 masked %reduce_sum3A_433 : vector<16xf32>, vector<16xi1> -> vector<16xf32>
        %reduce_sum3A_435 = vector.extract %reduce_sum3A_434[15] : f32 from vector<16xf32>
        %broadcast_in_dim3A_436 = vector.broadcast %reduce_sum3A_435 : f32 to vector<16xf32>
        %select_n3A_437 = arith.select %eq3A_431, %broadcast_in_dim3A_436, %select_n3A_373 : vector<16xi1>, vector<16xf32>
        %add3A_438 = arith.constant 4 : i32
        %add3A_439 = arith.addi %mul3A_182, %add3A_438 : i32
        %get3A_440 = arith.index_cast %add3A_439 : i32 to index
        %get3A_441 = arith.constant 0 : index
        %get3A_442 = tpu.vector_load %arg12[%get3A_440, %get3A_441] {strides = array<i32>} : memref<256x128xf32, #tpu.memory_space<vmem>>, vector<16xf32>,
        %mul3A_443 = arith.mulf %get3A_442, %get3A_81 : vector<16xf32>
        %add3A_444 = arith.constant 4 : i32
        %add3A_445 = arith.addi %mul3A_182, %add3A_444 : i32
        %get3A_446 = arith.index_cast %add3A_445 : i32 to index
        %get3A_447 = arith.constant 16 : index
        %get3A_448 = tpu.vector_load %arg12[%get3A_446, %get3A_447] {strides = array<i32>} : memref<256x128xf32, #tpu.memory_space<vmem>>, vector<16xf32>,
        %mul3A_449 = arith.mulf %get3A_448, %get3A_84 : vector<16xf32>
        %add3A_450 = arith.constant 4 : i32
        %add3A_451 = arith.addi %mul3A_182, %add3A_450 : i32
        %get3A_452 = arith.index_cast %add3A_451 : i32 to index
        %get3A_453 = arith.constant 32 : index
        %get3A_454 = tpu.vector_load %arg12[%get3A_452, %get3A_453] {strides = array<i32>} : memref<256x128xf32, #tpu.memory_space<vmem>>, vector<16xf32>,
        %mul3A_455 = arith.mulf %get3A_454, %get3A_87 : vector<16xf32>
        %add3A_456 = arith.constant 4 : i32
        %add3A_457 = arith.addi %mul3A_182, %add3A_456 : i32
        %get3A_458 = arith.index_cast %add3A_457 : i32 to index
        %get3A_459 = arith.constant 48 : index
        %get3A_460 = tpu.vector_load %arg12[%get3A_458, %get3A_459] {strides = array<i32>} : memref<256x128xf32, #tpu.memory_space<vmem>>, vector<16xf32>,
        %mul3A_461 = arith.mulf %get3A_460, %get3A_90 : vector<16xf32>
        %add3A_462 = arith.constant 4 : i32
        %add3A_463 = arith.addi %mul3A_182, %add3A_462 : i32
        %get3A_464 = arith.index_cast %add3A_463 : i32 to index
        %get3A_465 = arith.constant 64 : index
        %get3A_466 = tpu.vector_load %arg12[%get3A_464, %get3A_465] {strides = array<i32>} : memref<256x128xf32, #tpu.memory_space<vmem>>, vector<16xf32>,
        %mul3A_467 = arith.mulf %get3A_466, %get3A_93 : vector<16xf32>
        %add3A_468 = arith.constant 4 : i32
        %add3A_469 = arith.addi %mul3A_182, %add3A_468 : i32
        %get3A_470 = arith.index_cast %add3A_469 : i32 to index
        %get3A_471 = arith.constant 80 : index
        %get3A_472 = tpu.vector_load %arg12[%get3A_470, %get3A_471] {strides = array<i32>} : memref<256x128xf32, #tpu.memory_space<vmem>>, vector<16xf32>,
        %mul3A_473 = arith.mulf %get3A_472, %get3A_96 : vector<16xf32>
        %add3A_474 = arith.constant 4 : i32
        %add3A_475 = arith.addi %mul3A_182, %add3A_474 : i32
        %get3A_476 = arith.index_cast %add3A_475 : i32 to index
        %get3A_477 = arith.constant 96 : index
        %get3A_478 = tpu.vector_load %arg12[%get3A_476, %get3A_477] {strides = array<i32>} : memref<256x128xf32, #tpu.memory_space<vmem>>, vector<16xf32>,
        %mul3A_479 = arith.mulf %get3A_478, %get3A_99 : vector<16xf32>
        %add3A_480 = arith.constant 4 : i32
        %add3A_481 = arith.addi %mul3A_182, %add3A_480 : i32
        %get3A_482 = arith.index_cast %add3A_481 : i32 to index
        %get3A_483 = arith.constant 112 : index
        %get3A_484 = tpu.vector_load %arg12[%get3A_482, %get3A_483] {strides = array<i32>} : memref<256x128xf32, #tpu.memory_space<vmem>>, vector<16xf32>,
        %mul3A_485 = arith.mulf %get3A_484, %get3A_102 : vector<16xf32>
        %add3A_486 = arith.addf %mul3A_443, %mul3A_449 : vector<16xf32>
        %add3A_487 = arith.addf %mul3A_455, %mul3A_461 : vector<16xf32>
        %add3A_488 = arith.addf %mul3A_467, %mul3A_473 : vector<16xf32>
        %add3A_489 = arith.addf %mul3A_479, %mul3A_485 : vector<16xf32>
        %add3A_490 = arith.addf %add3A_486, %add3A_487 : vector<16xf32>
        %add3A_491 = arith.addf %add3A_488, %add3A_489 : vector<16xf32>
        %add3A_492 = arith.addf %add3A_490, %add3A_491 : vector<16xf32>
        %eq3A_493 = arith.constant 4 : i32
        %eq3A_494 = vector.broadcast %eq3A_493 : i32 to vector<16xi32>
        %eq3A_495 = arith.cmpi eq, %iota3A, %eq3A_494 : vector<16xi32>
        %reduce_sum3A_496 = arith.constant true
        %reduce_sum3A_497 = vector.broadcast %reduce_sum3A_496 : i1 to vector<16xi1>
        %reduce_sum3A_498 = tpu.scan <sum>, %add3A_492 masked %reduce_sum3A_497 : vector<16xf32>, vector<16xi1> -> vector<16xf32>
        %reduce_sum3A_499 = vector.extract %reduce_sum3A_498[15] : f32 from vector<16xf32>
        %broadcast_in_dim3A_500 = vector.broadcast %reduce_sum3A_499 : f32 to vector<16xf32>
        %select_n3A_501 = arith.select %eq3A_495, %broadcast_in_dim3A_500, %select_n3A_437 : vector<16xi1>, vector<16xf32>
        %add3A_502 = arith.constant 5 : i32
        %add3A_503 = arith.addi %mul3A_182, %add3A_502 : i32
        %get3A_504 = arith.index_cast %add3A_503 : i32 to index
        %get3A_505 = arith.constant 0 : index
        %get3A_506 = tpu.vector_load %arg12[%get3A_504, %get3A_505] {strides = array<i32>} : memref<256x128xf32, #tpu.memory_space<vmem>>, vector<16xf32>,
        %mul3A_507 = arith.mulf %get3A_506, %get3A_81 : vector<16xf32>
        %add3A_508 = arith.constant 5 : i32
        %add3A_509 = arith.addi %mul3A_182, %add3A_508 : i32
        %get3A_510 = arith.index_cast %add3A_509 : i32 to index
        %get3A_511 = arith.constant 16 : index
        %get3A_512 = tpu.vector_load %arg12[%get3A_510, %get3A_511] {strides = array<i32>} : memref<256x128xf32, #tpu.memory_space<vmem>>, vector<16xf32>,
        %mul3A_513 = arith.mulf %get3A_512, %get3A_84 : vector<16xf32>
        %add3A_514 = arith.constant 5 : i32
        %add3A_515 = arith.addi %mul3A_182, %add3A_514 : i32
        %get3A_516 = arith.index_cast %add3A_515 : i32 to index
        %get3A_517 = arith.constant 32 : index
        %get3A_518 = tpu.vector_load %arg12[%get3A_516, %get3A_517] {strides = array<i32>} : memref<256x128xf32, #tpu.memory_space<vmem>>, vector<16xf32>,
        %mul3A_519 = arith.mulf %get3A_518, %get3A_87 : vector<16xf32>
        %add3A_520 = arith.constant 5 : i32
        %add3A_521 = arith.addi %mul3A_182, %add3A_520 : i32
        %get3A_522 = arith.index_cast %add3A_521 : i32 to index
        %get3A_523 = arith.constant 48 : index
        %get3A_524 = tpu.vector_load %arg12[%get3A_522, %get3A_523] {strides = array<i32>} : memref<256x128xf32, #tpu.memory_space<vmem>>, vector<16xf32>,
        %mul3A_525 = arith.mulf %get3A_524, %get3A_90 : vector<16xf32>
        %add3A_526 = arith.constant 5 : i32
        %add3A_527 = arith.addi %mul3A_182, %add3A_526 : i32
        %get3A_528 = arith.index_cast %add3A_527 : i32 to index
        %get3A_529 = arith.constant 64 : index
        %get3A_530 = tpu.vector_load %arg12[%get3A_528, %get3A_529] {strides = array<i32>} : memref<256x128xf32, #tpu.memory_space<vmem>>, vector<16xf32>,
        %mul3A_531 = arith.mulf %get3A_530, %get3A_93 : vector<16xf32>
        %add3A_532 = arith.constant 5 : i32
        %add3A_533 = arith.addi %mul3A_182, %add3A_532 : i32
        %get3A_534 = arith.index_cast %add3A_533 : i32 to index
        %get3A_535 = arith.constant 80 : index
        %get3A_536 = tpu.vector_load %arg12[%get3A_534, %get3A_535] {strides = array<i32>} : memref<256x128xf32, #tpu.memory_space<vmem>>, vector<16xf32>,
        %mul3A_537 = arith.mulf %get3A_536, %get3A_96 : vector<16xf32>
        %add3A_538 = arith.constant 5 : i32
        %add3A_539 = arith.addi %mul3A_182, %add3A_538 : i32
        %get3A_540 = arith.index_cast %add3A_539 : i32 to index
        %get3A_541 = arith.constant 96 : index
        %get3A_542 = tpu.vector_load %arg12[%get3A_540, %get3A_541] {strides = array<i32>} : memref<256x128xf32, #tpu.memory_space<vmem>>, vector<16xf32>,
        %mul3A_543 = arith.mulf %get3A_542, %get3A_99 : vector<16xf32>
        %add3A_544 = arith.constant 5 : i32
        %add3A_545 = arith.addi %mul3A_182, %add3A_544 : i32
        %get3A_546 = arith.index_cast %add3A_545 : i32 to index
        %get3A_547 = arith.constant 112 : index
        %get3A_548 = tpu.vector_load %arg12[%get3A_546, %get3A_547] {strides = array<i32>} : memref<256x128xf32, #tpu.memory_space<vmem>>, vector<16xf32>,
        %mul3A_549 = arith.mulf %get3A_548, %get3A_102 : vector<16xf32>
        %add3A_550 = arith.addf %mul3A_507, %mul3A_513 : vector<16xf32>
        %add3A_551 = arith.addf %mul3A_519, %mul3A_525 : vector<16xf32>
        %add3A_552 = arith.addf %mul3A_531, %mul3A_537 : vector<16xf32>
        %add3A_553 = arith.addf %mul3A_543, %mul3A_549 : vector<16xf32>
        %add3A_554 = arith.addf %add3A_550, %add3A_551 : vector<16xf32>
        %add3A_555 = arith.addf %add3A_552, %add3A_553 : vector<16xf32>
        %add3A_556 = arith.addf %add3A_554, %add3A_555 : vector<16xf32>
        %eq3A_557 = arith.constant 5 : i32
        %eq3A_558 = vector.broadcast %eq3A_557 : i32 to vector<16xi32>
        %eq3A_559 = arith.cmpi eq, %iota3A, %eq3A_558 : vector<16xi32>
        %reduce_sum3A_560 = arith.constant true
        %reduce_sum3A_561 = vector.broadcast %reduce_sum3A_560 : i1 to vector<16xi1>
        %reduce_sum3A_562 = tpu.scan <sum>, %add3A_556 masked %reduce_sum3A_561 : vector<16xf32>, vector<16xi1> -> vector<16xf32>
        %reduce_sum3A_563 = vector.extract %reduce_sum3A_562[15] : f32 from vector<16xf32>
        %broadcast_in_dim3A_564 = vector.broadcast %reduce_sum3A_563 : f32 to vector<16xf32>
        %select_n3A_565 = arith.select %eq3A_559, %broadcast_in_dim3A_564, %select_n3A_501 : vector<16xi1>, vector<16xf32>
        %add3A_566 = arith.constant 6 : i32
        %add3A_567 = arith.addi %mul3A_182, %add3A_566 : i32
        %get3A_568 = arith.index_cast %add3A_567 : i32 to index
        %get3A_569 = arith.constant 0 : index
        %get3A_570 = tpu.vector_load %arg12[%get3A_568, %get3A_569] {strides = array<i32>} : memref<256x128xf32, #tpu.memory_space<vmem>>, vector<16xf32>,
        %mul3A_571 = arith.mulf %get3A_570, %get3A_81 : vector<16xf32>
        %add3A_572 = arith.constant 6 : i32
        %add3A_573 = arith.addi %mul3A_182, %add3A_572 : i32
        %get3A_574 = arith.index_cast %add3A_573 : i32 to index
        %get3A_575 = arith.constant 16 : index
        %get3A_576 = tpu.vector_load %arg12[%get3A_574, %get3A_575] {strides = array<i32>} : memref<256x128xf32, #tpu.memory_space<vmem>>, vector<16xf32>,
        %mul3A_577 = arith.mulf %get3A_576, %get3A_84 : vector<16xf32>
        %add3A_578 = arith.constant 6 : i32
        %add3A_579 = arith.addi %mul3A_182, %add3A_578 : i32
        %get3A_580 = arith.index_cast %add3A_579 : i32 to index
        %get3A_581 = arith.constant 32 : index
        %get3A_582 = tpu.vector_load %arg12[%get3A_580, %get3A_581] {strides = array<i32>} : memref<256x128xf32, #tpu.memory_space<vmem>>, vector<16xf32>,
        %mul3A_583 = arith.mulf %get3A_582, %get3A_87 : vector<16xf32>
        %add3A_584 = arith.constant 6 : i32
        %add3A_585 = arith.addi %mul3A_182, %add3A_584 : i32
        %get3A_586 = arith.index_cast %add3A_585 : i32 to index
        %get3A_587 = arith.constant 48 : index
        %get3A_588 = tpu.vector_load %arg12[%get3A_586, %get3A_587] {strides = array<i32>} : memref<256x128xf32, #tpu.memory_space<vmem>>, vector<16xf32>,
        %mul3A_589 = arith.mulf %get3A_588, %get3A_90 : vector<16xf32>
        %add3A_590 = arith.constant 6 : i32
        %add3A_591 = arith.addi %mul3A_182, %add3A_590 : i32
        %get3A_592 = arith.index_cast %add3A_591 : i32 to index
        %get3A_593 = arith.constant 64 : index
        %get3A_594 = tpu.vector_load %arg12[%get3A_592, %get3A_593] {strides = array<i32>} : memref<256x128xf32, #tpu.memory_space<vmem>>, vector<16xf32>,
        %mul3A_595 = arith.mulf %get3A_594, %get3A_93 : vector<16xf32>
        %add3A_596 = arith.constant 6 : i32
        %add3A_597 = arith.addi %mul3A_182, %add3A_596 : i32
        %get3A_598 = arith.index_cast %add3A_597 : i32 to index
        %get3A_599 = arith.constant 80 : index
        %get3A_600 = tpu.vector_load %arg12[%get3A_598, %get3A_599] {strides = array<i32>} : memref<256x128xf32, #tpu.memory_space<vmem>>, vector<16xf32>,
        %mul3A_601 = arith.mulf %get3A_600, %get3A_96 : vector<16xf32>
        %add3A_602 = arith.constant 6 : i32
        %add3A_603 = arith.addi %mul3A_182, %add3A_602 : i32
        %get3A_604 = arith.index_cast %add3A_603 : i32 to index
        %get3A_605 = arith.constant 96 : index
        %get3A_606 = tpu.vector_load %arg12[%get3A_604, %get3A_605] {strides = array<i32>} : memref<256x128xf32, #tpu.memory_space<vmem>>, vector<16xf32>,
        %mul3A_607 = arith.mulf %get3A_606, %get3A_99 : vector<16xf32>
        %add3A_608 = arith.constant 6 : i32
        %add3A_609 = arith.addi %mul3A_182, %add3A_608 : i32
        %get3A_610 = arith.index_cast %add3A_609 : i32 to index
        %get3A_611 = arith.constant 112 : index
        %get3A_612 = tpu.vector_load %arg12[%get3A_610, %get3A_611] {strides = array<i32>} : memref<256x128xf32, #tpu.memory_space<vmem>>, vector<16xf32>,
        %mul3A_613 = arith.mulf %get3A_612, %get3A_102 : vector<16xf32>
        %add3A_614 = arith.addf %mul3A_571, %mul3A_577 : vector<16xf32>
        %add3A_615 = arith.addf %mul3A_583, %mul3A_589 : vector<16xf32>
        %add3A_616 = arith.addf %mul3A_595, %mul3A_601 : vector<16xf32>
        %add3A_617 = arith.addf %mul3A_607, %mul3A_613 : vector<16xf32>
        %add3A_618 = arith.addf %add3A_614, %add3A_615 : vector<16xf32>
        %add3A_619 = arith.addf %add3A_616, %add3A_617 : vector<16xf32>
        %add3A_620 = arith.addf %add3A_618, %add3A_619 : vector<16xf32>
        %eq3A_621 = arith.constant 6 : i32
        %eq3A_622 = vector.broadcast %eq3A_621 : i32 to vector<16xi32>
        %eq3A_623 = arith.cmpi eq, %iota3A, %eq3A_622 : vector<16xi32>
        %reduce_sum3A_624 = arith.constant true
        %reduce_sum3A_625 = vector.broadcast %reduce_sum3A_624 : i1 to vector<16xi1>
        %reduce_sum3A_626 = tpu.scan <sum>, %add3A_620 masked %reduce_sum3A_625 : vector<16xf32>, vector<16xi1> -> vector<16xf32>
        %reduce_sum3A_627 = vector.extract %reduce_sum3A_626[15] : f32 from vector<16xf32>
        %broadcast_in_dim3A_628 = vector.broadcast %reduce_sum3A_627 : f32 to vector<16xf32>
        %select_n3A_629 = arith.select %eq3A_623, %broadcast_in_dim3A_628, %select_n3A_565 : vector<16xi1>, vector<16xf32>
        %add3A_630 = arith.constant 7 : i32
        %add3A_631 = arith.addi %mul3A_182, %add3A_630 : i32
        %get3A_632 = arith.index_cast %add3A_631 : i32 to index
        %get3A_633 = arith.constant 0 : index
        %get3A_634 = tpu.vector_load %arg12[%get3A_632, %get3A_633] {strides = array<i32>} : memref<256x128xf32, #tpu.memory_space<vmem>>, vector<16xf32>,
        %mul3A_635 = arith.mulf %get3A_634, %get3A_81 : vector<16xf32>
        %add3A_636 = arith.constant 7 : i32
        %add3A_637 = arith.addi %mul3A_182, %add3A_636 : i32
        %get3A_638 = arith.index_cast %add3A_637 : i32 to index
        %get3A_639 = arith.constant 16 : index
        %get3A_640 = tpu.vector_load %arg12[%get3A_638, %get3A_639] {strides = array<i32>} : memref<256x128xf32, #tpu.memory_space<vmem>>, vector<16xf32>,
        %mul3A_641 = arith.mulf %get3A_640, %get3A_84 : vector<16xf32>
        %add3A_642 = arith.constant 7 : i32
        %add3A_643 = arith.addi %mul3A_182, %add3A_642 : i32
        %get3A_644 = arith.index_cast %add3A_643 : i32 to index
        %get3A_645 = arith.constant 32 : index
        %get3A_646 = tpu.vector_load %arg12[%get3A_644, %get3A_645] {strides = array<i32>} : memref<256x128xf32, #tpu.memory_space<vmem>>, vector<16xf32>,
        %mul3A_647 = arith.mulf %get3A_646, %get3A_87 : vector<16xf32>
        %add3A_648 = arith.constant 7 : i32
        %add3A_649 = arith.addi %mul3A_182, %add3A_648 : i32
        %get3A_650 = arith.index_cast %add3A_649 : i32 to index
        %get3A_651 = arith.constant 48 : index
        %get3A_652 = tpu.vector_load %arg12[%get3A_650, %get3A_651] {strides = array<i32>} : memref<256x128xf32, #tpu.memory_space<vmem>>, vector<16xf32>,
        %mul3A_653 = arith.mulf %get3A_652, %get3A_90 : vector<16xf32>
        %add3A_654 = arith.constant 7 : i32
        %add3A_655 = arith.addi %mul3A_182, %add3A_654 : i32
        %get3A_656 = arith.index_cast %add3A_655 : i32 to index
        %get3A_657 = arith.constant 64 : index
        %get3A_658 = tpu.vector_load %arg12[%get3A_656, %get3A_657] {strides = array<i32>} : memref<256x128xf32, #tpu.memory_space<vmem>>, vector<16xf32>,
        %mul3A_659 = arith.mulf %get3A_658, %get3A_93 : vector<16xf32>
        %add3A_660 = arith.constant 7 : i32
        %add3A_661 = arith.addi %mul3A_182, %add3A_660 : i32
        %get3A_662 = arith.index_cast %add3A_661 : i32 to index
        %get3A_663 = arith.constant 80 : index
        %get3A_664 = tpu.vector_load %arg12[%get3A_662, %get3A_663] {strides = array<i32>} : memref<256x128xf32, #tpu.memory_space<vmem>>, vector<16xf32>,
        %mul3A_665 = arith.mulf %get3A_664, %get3A_96 : vector<16xf32>
        %add3A_666 = arith.constant 7 : i32
        %add3A_667 = arith.addi %mul3A_182, %add3A_666 : i32
        %get3A_668 = arith.index_cast %add3A_667 : i32 to index
        %get3A_669 = arith.constant 96 : index
        %get3A_670 = tpu.vector_load %arg12[%get3A_668, %get3A_669] {strides = array<i32>} : memref<256x128xf32, #tpu.memory_space<vmem>>, vector<16xf32>,
        %mul3A_671 = arith.mulf %get3A_670, %get3A_99 : vector<16xf32>
        %add3A_672 = arith.constant 7 : i32
        %add3A_673 = arith.addi %mul3A_182, %add3A_672 : i32
        %get3A_674 = arith.index_cast %add3A_673 : i32 to index
        %get3A_675 = arith.constant 112 : index
        %get3A_676 = tpu.vector_load %arg12[%get3A_674, %get3A_675] {strides = array<i32>} : memref<256x128xf32, #tpu.memory_space<vmem>>, vector<16xf32>,
        %mul3A_677 = arith.mulf %get3A_676, %get3A_102 : vector<16xf32>
        %add3A_678 = arith.addf %mul3A_635, %mul3A_641 : vector<16xf32>
        %add3A_679 = arith.addf %mul3A_647, %mul3A_653 : vector<16xf32>
        %add3A_680 = arith.addf %mul3A_659, %mul3A_665 : vector<16xf32>
        %add3A_681 = arith.addf %mul3A_671, %mul3A_677 : vector<16xf32>
        %add3A_682 = arith.addf %add3A_678, %add3A_679 : vector<16xf32>
        %add3A_683 = arith.addf %add3A_680, %add3A_681 : vector<16xf32>
        %add3A_684 = arith.addf %add3A_682, %add3A_683 : vector<16xf32>
        %eq3A_685 = arith.constant 7 : i32
        %eq3A_686 = vector.broadcast %eq3A_685 : i32 to vector<16xi32>
        %eq3A_687 = arith.cmpi eq, %iota3A, %eq3A_686 : vector<16xi32>
        %reduce_sum3A_688 = arith.constant true
        %reduce_sum3A_689 = vector.broadcast %reduce_sum3A_688 : i1 to vector<16xi1>
        %reduce_sum3A_690 = tpu.scan <sum>, %add3A_684 masked %reduce_sum3A_689 : vector<16xf32>, vector<16xi1> -> vector<16xf32>
        %reduce_sum3A_691 = vector.extract %reduce_sum3A_690[15] : f32 from vector<16xf32>
        %broadcast_in_dim3A_692 = vector.broadcast %reduce_sum3A_691 : f32 to vector<16xf32>
        %select_n3A_693 = arith.select %eq3A_687, %broadcast_in_dim3A_692, %select_n3A_629 : vector<16xi1>, vector<16xf32>
        %add3A_694 = arith.constant 8 : i32
        %add3A_695 = arith.addi %mul3A_182, %add3A_694 : i32
        %get3A_696 = arith.index_cast %add3A_695 : i32 to index
        %get3A_697 = arith.constant 0 : index
        %get3A_698 = tpu.vector_load %arg12[%get3A_696, %get3A_697] {strides = array<i32>} : memref<256x128xf32, #tpu.memory_space<vmem>>, vector<16xf32>,
        %mul3A_699 = arith.mulf %get3A_698, %get3A_81 : vector<16xf32>
        %add3A_700 = arith.constant 8 : i32
        %add3A_701 = arith.addi %mul3A_182, %add3A_700 : i32
        %get3A_702 = arith.index_cast %add3A_701 : i32 to index
        %get3A_703 = arith.constant 16 : index
        %get3A_704 = tpu.vector_load %arg12[%get3A_702, %get3A_703] {strides = array<i32>} : memref<256x128xf32, #tpu.memory_space<vmem>>, vector<16xf32>,
        %mul3A_705 = arith.mulf %get3A_704, %get3A_84 : vector<16xf32>
        %add3A_706 = arith.constant 8 : i32
        %add3A_707 = arith.addi %mul3A_182, %add3A_706 : i32
        %get3A_708 = arith.index_cast %add3A_707 : i32 to index
        %get3A_709 = arith.constant 32 : index
        %get3A_710 = tpu.vector_load %arg12[%get3A_708, %get3A_709] {strides = array<i32>} : memref<256x128xf32, #tpu.memory_space<vmem>>, vector<16xf32>,
        %mul3A_711 = arith.mulf %get3A_710, %get3A_87 : vector<16xf32>
        %add3A_712 = arith.constant 8 : i32
        %add3A_713 = arith.addi %mul3A_182, %add3A_712 : i32
        %get3A_714 = arith.index_cast %add3A_713 : i32 to index
        %get3A_715 = arith.constant 48 : index
        %get3A_716 = tpu.vector_load %arg12[%get3A_714, %get3A_715] {strides = array<i32>} : memref<256x128xf32, #tpu.memory_space<vmem>>, vector<16xf32>,
        %mul3A_717 = arith.mulf %get3A_716, %get3A_90 : vector<16xf32>
        %add3A_718 = arith.constant 8 : i32
        %add3A_719 = arith.addi %mul3A_182, %add3A_718 : i32
        %get3A_720 = arith.index_cast %add3A_719 : i32 to index
        %get3A_721 = arith.constant 64 : index
        %get3A_722 = tpu.vector_load %arg12[%get3A_720, %get3A_721] {strides = array<i32>} : memref<256x128xf32, #tpu.memory_space<vmem>>, vector<16xf32>,
        %mul3A_723 = arith.mulf %get3A_722, %get3A_93 : vector<16xf32>
        %add3A_724 = arith.constant 8 : i32
        %add3A_725 = arith.addi %mul3A_182, %add3A_724 : i32
        %get3A_726 = arith.index_cast %add3A_725 : i32 to index
        %get3A_727 = arith.constant 80 : index
        %get3A_728 = tpu.vector_load %arg12[%get3A_726, %get3A_727] {strides = array<i32>} : memref<256x128xf32, #tpu.memory_space<vmem>>, vector<16xf32>,
        %mul3A_729 = arith.mulf %get3A_728, %get3A_96 : vector<16xf32>
        %add3A_730 = arith.constant 8 : i32
        %add3A_731 = arith.addi %mul3A_182, %add3A_730 : i32
        %get3A_732 = arith.index_cast %add3A_731 : i32 to index
        %get3A_733 = arith.constant 96 : index
        %get3A_734 = tpu.vector_load %arg12[%get3A_732, %get3A_733] {strides = array<i32>} : memref<256x128xf32, #tpu.memory_space<vmem>>, vector<16xf32>,
        %mul3A_735 = arith.mulf %get3A_734, %get3A_99 : vector<16xf32>
        %add3A_736 = arith.constant 8 : i32
        %add3A_737 = arith.addi %mul3A_182, %add3A_736 : i32
        %get3A_738 = arith.index_cast %add3A_737 : i32 to index
        %get3A_739 = arith.constant 112 : index
        %get3A_740 = tpu.vector_load %arg12[%get3A_738, %get3A_739] {strides = array<i32>} : memref<256x128xf32, #tpu.memory_space<vmem>>, vector<16xf32>,
        %mul3A_741 = arith.mulf %get3A_740, %get3A_102 : vector<16xf32>
        %add3A_742 = arith.addf %mul3A_699, %mul3A_705 : vector<16xf32>
        %add3A_743 = arith.addf %mul3A_711, %mul3A_717 : vector<16xf32>
        %add3A_744 = arith.addf %mul3A_723, %mul3A_729 : vector<16xf32>
        %add3A_745 = arith.addf %mul3A_735, %mul3A_741 : vector<16xf32>
        %add3A_746 = arith.addf %add3A_742, %add3A_743 : vector<16xf32>
        %add3A_747 = arith.addf %add3A_744, %add3A_745 : vector<16xf32>
        %add3A_748 = arith.addf %add3A_746, %add3A_747 : vector<16xf32>
        %eq3A_749 = arith.constant 8 : i32
        %eq3A_750 = vector.broadcast %eq3A_749 : i32 to vector<16xi32>
        %eq3A_751 = arith.cmpi eq, %iota3A, %eq3A_750 : vector<16xi32>
        %reduce_sum3A_752 = arith.constant true
        %reduce_sum3A_753 = vector.broadcast %reduce_sum3A_752 : i1 to vector<16xi1>
        %reduce_sum3A_754 = tpu.scan <sum>, %add3A_748 masked %reduce_sum3A_753 : vector<16xf32>, vector<16xi1> -> vector<16xf32>
        %reduce_sum3A_755 = vector.extract %reduce_sum3A_754[15] : f32 from vector<16xf32>
        %broadcast_in_dim3A_756 = vector.broadcast %reduce_sum3A_755 : f32 to vector<16xf32>
        %select_n3A_757 = arith.select %eq3A_751, %broadcast_in_dim3A_756, %select_n3A_693 : vector<16xi1>, vector<16xf32>
        %add3A_758 = arith.constant 9 : i32
        %add3A_759 = arith.addi %mul3A_182, %add3A_758 : i32
        %get3A_760 = arith.index_cast %add3A_759 : i32 to index
        %get3A_761 = arith.constant 0 : index
        %get3A_762 = tpu.vector_load %arg12[%get3A_760, %get3A_761] {strides = array<i32>} : memref<256x128xf32, #tpu.memory_space<vmem>>, vector<16xf32>,
        %mul3A_763 = arith.mulf %get3A_762, %get3A_81 : vector<16xf32>
        %add3A_764 = arith.constant 9 : i32
        %add3A_765 = arith.addi %mul3A_182, %add3A_764 : i32
        %get3A_766 = arith.index_cast %add3A_765 : i32 to index
        %get3A_767 = arith.constant 16 : index
        %get3A_768 = tpu.vector_load %arg12[%get3A_766, %get3A_767] {strides = array<i32>} : memref<256x128xf32, #tpu.memory_space<vmem>>, vector<16xf32>,
        %mul3A_769 = arith.mulf %get3A_768, %get3A_84 : vector<16xf32>
        %add3A_770 = arith.constant 9 : i32
        %add3A_771 = arith.addi %mul3A_182, %add3A_770 : i32
        %get3A_772 = arith.index_cast %add3A_771 : i32 to index
        %get3A_773 = arith.constant 32 : index
        %get3A_774 = tpu.vector_load %arg12[%get3A_772, %get3A_773] {strides = array<i32>} : memref<256x128xf32, #tpu.memory_space<vmem>>, vector<16xf32>,
        %mul3A_775 = arith.mulf %get3A_774, %get3A_87 : vector<16xf32>
        %add3A_776 = arith.constant 9 : i32
        %add3A_777 = arith.addi %mul3A_182, %add3A_776 : i32
        %get3A_778 = arith.index_cast %add3A_777 : i32 to index
        %get3A_779 = arith.constant 48 : index
        %get3A_780 = tpu.vector_load %arg12[%get3A_778, %get3A_779] {strides = array<i32>} : memref<256x128xf32, #tpu.memory_space<vmem>>, vector<16xf32>,
        %mul3A_781 = arith.mulf %get3A_780, %get3A_90 : vector<16xf32>
        %add3A_782 = arith.constant 9 : i32
        %add3A_783 = arith.addi %mul3A_182, %add3A_782 : i32
        %get3A_784 = arith.index_cast %add3A_783 : i32 to index
        %get3A_785 = arith.constant 64 : index
        %get3A_786 = tpu.vector_load %arg12[%get3A_784, %get3A_785] {strides = array<i32>} : memref<256x128xf32, #tpu.memory_space<vmem>>, vector<16xf32>,
        %mul3A_787 = arith.mulf %get3A_786, %get3A_93 : vector<16xf32>
        %add3A_788 = arith.constant 9 : i32
        %add3A_789 = arith.addi %mul3A_182, %add3A_788 : i32
        %get3A_790 = arith.index_cast %add3A_789 : i32 to index
        %get3A_791 = arith.constant 80 : index
        %get3A_792 = tpu.vector_load %arg12[%get3A_790, %get3A_791] {strides = array<i32>} : memref<256x128xf32, #tpu.memory_space<vmem>>, vector<16xf32>,
        %mul3A_793 = arith.mulf %get3A_792, %get3A_96 : vector<16xf32>
        %add3A_794 = arith.constant 9 : i32
        %add3A_795 = arith.addi %mul3A_182, %add3A_794 : i32
        %get3A_796 = arith.index_cast %add3A_795 : i32 to index
        %get3A_797 = arith.constant 96 : index
        %get3A_798 = tpu.vector_load %arg12[%get3A_796, %get3A_797] {strides = array<i32>} : memref<256x128xf32, #tpu.memory_space<vmem>>, vector<16xf32>,
        %mul3A_799 = arith.mulf %get3A_798, %get3A_99 : vector<16xf32>
        %add3A_800 = arith.constant 9 : i32
        %add3A_801 = arith.addi %mul3A_182, %add3A_800 : i32
        %get3A_802 = arith.index_cast %add3A_801 : i32 to index
        %get3A_803 = arith.constant 112 : index
        %get3A_804 = tpu.vector_load %arg12[%get3A_802, %get3A_803] {strides = array<i32>} : memref<256x128xf32, #tpu.memory_space<vmem>>, vector<16xf32>,
        %mul3A_805 = arith.mulf %get3A_804, %get3A_102 : vector<16xf32>
        %add3A_806 = arith.addf %mul3A_763, %mul3A_769 : vector<16xf32>
        %add3A_807 = arith.addf %mul3A_775, %mul3A_781 : vector<16xf32>
        %add3A_808 = arith.addf %mul3A_787, %mul3A_793 : vector<16xf32>
        %add3A_809 = arith.addf %mul3A_799, %mul3A_805 : vector<16xf32>
        %add3A_810 = arith.addf %add3A_806, %add3A_807 : vector<16xf32>
        %add3A_811 = arith.addf %add3A_808, %add3A_809 : vector<16xf32>
        %add3A_812 = arith.addf %add3A_810, %add3A_811 : vector<16xf32>
        %eq3A_813 = arith.constant 9 : i32
        %eq3A_814 = vector.broadcast %eq3A_813 : i32 to vector<16xi32>
        %eq3A_815 = arith.cmpi eq, %iota3A, %eq3A_814 : vector<16xi32>
        %reduce_sum3A_816 = arith.constant true
        %reduce_sum3A_817 = vector.broadcast %reduce_sum3A_816 : i1 to vector<16xi1>
        %reduce_sum3A_818 = tpu.scan <sum>, %add3A_812 masked %reduce_sum3A_817 : vector<16xf32>, vector<16xi1> -> vector<16xf32>
        %reduce_sum3A_819 = vector.extract %reduce_sum3A_818[15] : f32 from vector<16xf32>
        %broadcast_in_dim3A_820 = vector.broadcast %reduce_sum3A_819 : f32 to vector<16xf32>
        %select_n3A_821 = arith.select %eq3A_815, %broadcast_in_dim3A_820, %select_n3A_757 : vector<16xi1>, vector<16xf32>
        %add3A_822 = arith.constant 10 : i32
        %add3A_823 = arith.addi %mul3A_182, %add3A_822 : i32
        %get3A_824 = arith.index_cast %add3A_823 : i32 to index
        %get3A_825 = arith.constant 0 : index
        %get3A_826 = tpu.vector_load %arg12[%get3A_824, %get3A_825] {strides = array<i32>} : memref<256x128xf32, #tpu.memory_space<vmem>>, vector<16xf32>,
        %mul3A_827 = arith.mulf %get3A_826, %get3A_81 : vector<16xf32>
        %add3A_828 = arith.constant 10 : i32
        %add3A_829 = arith.addi %mul3A_182, %add3A_828 : i32
        %get3A_830 = arith.index_cast %add3A_829 : i32 to index
        %get3A_831 = arith.constant 16 : index
        %get3A_832 = tpu.vector_load %arg12[%get3A_830, %get3A_831] {strides = array<i32>} : memref<256x128xf32, #tpu.memory_space<vmem>>, vector<16xf32>,
        %mul3A_833 = arith.mulf %get3A_832, %get3A_84 : vector<16xf32>
        %add3A_834 = arith.constant 10 : i32
        %add3A_835 = arith.addi %mul3A_182, %add3A_834 : i32
        %get3A_836 = arith.index_cast %add3A_835 : i32 to index
        %get3A_837 = arith.constant 32 : index
        %get3A_838 = tpu.vector_load %arg12[%get3A_836, %get3A_837] {strides = array<i32>} : memref<256x128xf32, #tpu.memory_space<vmem>>, vector<16xf32>,
        %mul3A_839 = arith.mulf %get3A_838, %get3A_87 : vector<16xf32>
        %add3A_840 = arith.constant 10 : i32
        %add3A_841 = arith.addi %mul3A_182, %add3A_840 : i32
        %get3A_842 = arith.index_cast %add3A_841 : i32 to index
        %get3A_843 = arith.constant 48 : index
        %get3A_844 = tpu.vector_load %arg12[%get3A_842, %get3A_843] {strides = array<i32>} : memref<256x128xf32, #tpu.memory_space<vmem>>, vector<16xf32>,
        %mul3A_845 = arith.mulf %get3A_844, %get3A_90 : vector<16xf32>
        %add3A_846 = arith.constant 10 : i32
        %add3A_847 = arith.addi %mul3A_182, %add3A_846 : i32
        %get3A_848 = arith.index_cast %add3A_847 : i32 to index
        %get3A_849 = arith.constant 64 : index
        %get3A_850 = tpu.vector_load %arg12[%get3A_848, %get3A_849] {strides = array<i32>} : memref<256x128xf32, #tpu.memory_space<vmem>>, vector<16xf32>,
        %mul3A_851 = arith.mulf %get3A_850, %get3A_93 : vector<16xf32>
        %add3A_852 = arith.constant 10 : i32
        %add3A_853 = arith.addi %mul3A_182, %add3A_852 : i32
        %get3A_854 = arith.index_cast %add3A_853 : i32 to index
        %get3A_855 = arith.constant 80 : index
        %get3A_856 = tpu.vector_load %arg12[%get3A_854, %get3A_855] {strides = array<i32>} : memref<256x128xf32, #tpu.memory_space<vmem>>, vector<16xf32>,
        %mul3A_857 = arith.mulf %get3A_856, %get3A_96 : vector<16xf32>
        %add3A_858 = arith.constant 10 : i32
        %add3A_859 = arith.addi %mul3A_182, %add3A_858 : i32
        %get3A_860 = arith.index_cast %add3A_859 : i32 to index
        %get3A_861 = arith.constant 96 : index
        %get3A_862 = tpu.vector_load %arg12[%get3A_860, %get3A_861] {strides = array<i32>} : memref<256x128xf32, #tpu.memory_space<vmem>>, vector<16xf32>,
        %mul3A_863 = arith.mulf %get3A_862, %get3A_99 : vector<16xf32>
        %add3A_864 = arith.constant 10 : i32
        %add3A_865 = arith.addi %mul3A_182, %add3A_864 : i32
        %get3A_866 = arith.index_cast %add3A_865 : i32 to index
        %get3A_867 = arith.constant 112 : index
        %get3A_868 = tpu.vector_load %arg12[%get3A_866, %get3A_867] {strides = array<i32>} : memref<256x128xf32, #tpu.memory_space<vmem>>, vector<16xf32>,
        %mul3A_869 = arith.mulf %get3A_868, %get3A_102 : vector<16xf32>
        %add3A_870 = arith.addf %mul3A_827, %mul3A_833 : vector<16xf32>
        %add3A_871 = arith.addf %mul3A_839, %mul3A_845 : vector<16xf32>
        %add3A_872 = arith.addf %mul3A_851, %mul3A_857 : vector<16xf32>
        %add3A_873 = arith.addf %mul3A_863, %mul3A_869 : vector<16xf32>
        %add3A_874 = arith.addf %add3A_870, %add3A_871 : vector<16xf32>
        %add3A_875 = arith.addf %add3A_872, %add3A_873 : vector<16xf32>
        %add3A_876 = arith.addf %add3A_874, %add3A_875 : vector<16xf32>
        %eq3A_877 = arith.constant 10 : i32
        %eq3A_878 = vector.broadcast %eq3A_877 : i32 to vector<16xi32>
        %eq3A_879 = arith.cmpi eq, %iota3A, %eq3A_878 : vector<16xi32>
        %reduce_sum3A_880 = arith.constant true
        %reduce_sum3A_881 = vector.broadcast %reduce_sum3A_880 : i1 to vector<16xi1>
        %reduce_sum3A_882 = tpu.scan <sum>, %add3A_876 masked %reduce_sum3A_881 : vector<16xf32>, vector<16xi1> -> vector<16xf32>
        %reduce_sum3A_883 = vector.extract %reduce_sum3A_882[15] : f32 from vector<16xf32>
        %broadcast_in_dim3A_884 = vector.broadcast %reduce_sum3A_883 : f32 to vector<16xf32>
        %select_n3A_885 = arith.select %eq3A_879, %broadcast_in_dim3A_884, %select_n3A_821 : vector<16xi1>, vector<16xf32>
        %add3A_886 = arith.constant 11 : i32
        %add3A_887 = arith.addi %mul3A_182, %add3A_886 : i32
        %get3A_888 = arith.index_cast %add3A_887 : i32 to index
        %get3A_889 = arith.constant 0 : index
        %get3A_890 = tpu.vector_load %arg12[%get3A_888, %get3A_889] {strides = array<i32>} : memref<256x128xf32, #tpu.memory_space<vmem>>, vector<16xf32>,
        %mul3A_891 = arith.mulf %get3A_890, %get3A_81 : vector<16xf32>
        %add3A_892 = arith.constant 11 : i32
        %add3A_893 = arith.addi %mul3A_182, %add3A_892 : i32
        %get3A_894 = arith.index_cast %add3A_893 : i32 to index
        %get3A_895 = arith.constant 16 : index
        %get3A_896 = tpu.vector_load %arg12[%get3A_894, %get3A_895] {strides = array<i32>} : memref<256x128xf32, #tpu.memory_space<vmem>>, vector<16xf32>,
        %mul3A_897 = arith.mulf %get3A_896, %get3A_84 : vector<16xf32>
        %add3A_898 = arith.constant 11 : i32
        %add3A_899 = arith.addi %mul3A_182, %add3A_898 : i32
        %get3A_900 = arith.index_cast %add3A_899 : i32 to index
        %get3A_901 = arith.constant 32 : index
        %get3A_902 = tpu.vector_load %arg12[%get3A_900, %get3A_901] {strides = array<i32>} : memref<256x128xf32, #tpu.memory_space<vmem>>, vector<16xf32>,
        %mul3A_903 = arith.mulf %get3A_902, %get3A_87 : vector<16xf32>
        %add3A_904 = arith.constant 11 : i32
        %add3A_905 = arith.addi %mul3A_182, %add3A_904 : i32
        %get3A_906 = arith.index_cast %add3A_905 : i32 to index
        %get3A_907 = arith.constant 48 : index
        %get3A_908 = tpu.vector_load %arg12[%get3A_906, %get3A_907] {strides = array<i32>} : memref<256x128xf32, #tpu.memory_space<vmem>>, vector<16xf32>,
        %mul3A_909 = arith.mulf %get3A_908, %get3A_90 : vector<16xf32>
        %add3A_910 = arith.constant 11 : i32
        %add3A_911 = arith.addi %mul3A_182, %add3A_910 : i32
        %get3A_912 = arith.index_cast %add3A_911 : i32 to index
        %get3A_913 = arith.constant 64 : index
        %get3A_914 = tpu.vector_load %arg12[%get3A_912, %get3A_913] {strides = array<i32>} : memref<256x128xf32, #tpu.memory_space<vmem>>, vector<16xf32>,
        %mul3A_915 = arith.mulf %get3A_914, %get3A_93 : vector<16xf32>
        %add3A_916 = arith.constant 11 : i32
        %add3A_917 = arith.addi %mul3A_182, %add3A_916 : i32
        %get3A_918 = arith.index_cast %add3A_917 : i32 to index
        %get3A_919 = arith.constant 80 : index
        %get3A_920 = tpu.vector_load %arg12[%get3A_918, %get3A_919] {strides = array<i32>} : memref<256x128xf32, #tpu.memory_space<vmem>>, vector<16xf32>,
        %mul3A_921 = arith.mulf %get3A_920, %get3A_96 : vector<16xf32>
        %add3A_922 = arith.constant 11 : i32
        %add3A_923 = arith.addi %mul3A_182, %add3A_922 : i32
        %get3A_924 = arith.index_cast %add3A_923 : i32 to index
        %get3A_925 = arith.constant 96 : index
        %get3A_926 = tpu.vector_load %arg12[%get3A_924, %get3A_925] {strides = array<i32>} : memref<256x128xf32, #tpu.memory_space<vmem>>, vector<16xf32>,
        %mul3A_927 = arith.mulf %get3A_926, %get3A_99 : vector<16xf32>
        %add3A_928 = arith.constant 11 : i32
        %add3A_929 = arith.addi %mul3A_182, %add3A_928 : i32
        %get3A_930 = arith.index_cast %add3A_929 : i32 to index
        %get3A_931 = arith.constant 112 : index
        %get3A_932 = tpu.vector_load %arg12[%get3A_930, %get3A_931] {strides = array<i32>} : memref<256x128xf32, #tpu.memory_space<vmem>>, vector<16xf32>,
        %mul3A_933 = arith.mulf %get3A_932, %get3A_102 : vector<16xf32>
        %add3A_934 = arith.addf %mul3A_891, %mul3A_897 : vector<16xf32>
        %add3A_935 = arith.addf %mul3A_903, %mul3A_909 : vector<16xf32>
        %add3A_936 = arith.addf %mul3A_915, %mul3A_921 : vector<16xf32>
        %add3A_937 = arith.addf %mul3A_927, %mul3A_933 : vector<16xf32>
        %add3A_938 = arith.addf %add3A_934, %add3A_935 : vector<16xf32>
        %add3A_939 = arith.addf %add3A_936, %add3A_937 : vector<16xf32>
        %add3A_940 = arith.addf %add3A_938, %add3A_939 : vector<16xf32>
        %eq3A_941 = arith.constant 11 : i32
        %eq3A_942 = vector.broadcast %eq3A_941 : i32 to vector<16xi32>
        %eq3A_943 = arith.cmpi eq, %iota3A, %eq3A_942 : vector<16xi32>
        %reduce_sum3A_944 = arith.constant true
        %reduce_sum3A_945 = vector.broadcast %reduce_sum3A_944 : i1 to vector<16xi1>
        %reduce_sum3A_946 = tpu.scan <sum>, %add3A_940 masked %reduce_sum3A_945 : vector<16xf32>, vector<16xi1> -> vector<16xf32>
        %reduce_sum3A_947 = vector.extract %reduce_sum3A_946[15] : f32 from vector<16xf32>
        %broadcast_in_dim3A_948 = vector.broadcast %reduce_sum3A_947 : f32 to vector<16xf32>
        %select_n3A_949 = arith.select %eq3A_943, %broadcast_in_dim3A_948, %select_n3A_885 : vector<16xi1>, vector<16xf32>
        %add3A_950 = arith.constant 12 : i32
        %add3A_951 = arith.addi %mul3A_182, %add3A_950 : i32
        %get3A_952 = arith.index_cast %add3A_951 : i32 to index
        %get3A_953 = arith.constant 0 : index
        %get3A_954 = tpu.vector_load %arg12[%get3A_952, %get3A_953] {strides = array<i32>} : memref<256x128xf32, #tpu.memory_space<vmem>>, vector<16xf32>,
        %mul3A_955 = arith.mulf %get3A_954, %get3A_81 : vector<16xf32>
        %add3A_956 = arith.constant 12 : i32
        %add3A_957 = arith.addi %mul3A_182, %add3A_956 : i32
        %get3A_958 = arith.index_cast %add3A_957 : i32 to index
        %get3A_959 = arith.constant 16 : index
        %get3A_960 = tpu.vector_load %arg12[%get3A_958, %get3A_959] {strides = array<i32>} : memref<256x128xf32, #tpu.memory_space<vmem>>, vector<16xf32>,
        %mul3A_961 = arith.mulf %get3A_960, %get3A_84 : vector<16xf32>
        %add3A_962 = arith.constant 12 : i32
        %add3A_963 = arith.addi %mul3A_182, %add3A_962 : i32
        %get3A_964 = arith.index_cast %add3A_963 : i32 to index
        %get3A_965 = arith.constant 32 : index
        %get3A_966 = tpu.vector_load %arg12[%get3A_964, %get3A_965] {strides = array<i32>} : memref<256x128xf32, #tpu.memory_space<vmem>>, vector<16xf32>,
        %mul3A_967 = arith.mulf %get3A_966, %get3A_87 : vector<16xf32>
        %add3A_968 = arith.constant 12 : i32
        %add3A_969 = arith.addi %mul3A_182, %add3A_968 : i32
        %get3A_970 = arith.index_cast %add3A_969 : i32 to index
        %get3A_971 = arith.constant 48 : index
        %get3A_972 = tpu.vector_load %arg12[%get3A_970, %get3A_971] {strides = array<i32>} : memref<256x128xf32, #tpu.memory_space<vmem>>, vector<16xf32>,
        %mul3A_973 = arith.mulf %get3A_972, %get3A_90 : vector<16xf32>
        %add3A_974 = arith.constant 12 : i32
        %add3A_975 = arith.addi %mul3A_182, %add3A_974 : i32
        %get3A_976 = arith.index_cast %add3A_975 : i32 to index
        %get3A_977 = arith.constant 64 : index
        %get3A_978 = tpu.vector_load %arg12[%get3A_976, %get3A_977] {strides = array<i32>} : memref<256x128xf32, #tpu.memory_space<vmem>>, vector<16xf32>,
        %mul3A_979 = arith.mulf %get3A_978, %get3A_93 : vector<16xf32>
        %add3A_980 = arith.constant 12 : i32
        %add3A_981 = arith.addi %mul3A_182, %add3A_980 : i32
        %get3A_982 = arith.index_cast %add3A_981 : i32 to index
        %get3A_983 = arith.constant 80 : index
        %get3A_984 = tpu.vector_load %arg12[%get3A_982, %get3A_983] {strides = array<i32>} : memref<256x128xf32, #tpu.memory_space<vmem>>, vector<16xf32>,
        %mul3A_985 = arith.mulf %get3A_984, %get3A_96 : vector<16xf32>
        %add3A_986 = arith.constant 12 : i32
        %add3A_987 = arith.addi %mul3A_182, %add3A_986 : i32
        %get3A_988 = arith.index_cast %add3A_987 : i32 to index
        %get3A_989 = arith.constant 96 : index
        %get3A_990 = tpu.vector_load %arg12[%get3A_988, %get3A_989] {strides = array<i32>} : memref<256x128xf32, #tpu.memory_space<vmem>>, vector<16xf32>,
        %mul3A_991 = arith.mulf %get3A_990, %get3A_99 : vector<16xf32>
        %add3A_992 = arith.constant 12 : i32
        %add3A_993 = arith.addi %mul3A_182, %add3A_992 : i32
        %get3A_994 = arith.index_cast %add3A_993 : i32 to index
        %get3A_995 = arith.constant 112 : index
        %get3A_996 = tpu.vector_load %arg12[%get3A_994, %get3A_995] {strides = array<i32>} : memref<256x128xf32, #tpu.memory_space<vmem>>, vector<16xf32>,
        %mul3A_997 = arith.mulf %get3A_996, %get3A_102 : vector<16xf32>
        %add3A_998 = arith.addf %mul3A_955, %mul3A_961 : vector<16xf32>
        %add3A_999 = arith.addf %mul3A_967, %mul3A_973 : vector<16xf32>
        %add3A_1000 = arith.addf %mul3A_979, %mul3A_985 : vector<16xf32>
        %add3A_1001 = arith.addf %mul3A_991, %mul3A_997 : vector<16xf32>
        %add3A_1002 = arith.addf %add3A_998, %add3A_999 : vector<16xf32>
        %add3A_1003 = arith.addf %add3A_1000, %add3A_1001 : vector<16xf32>
        %add3A_1004 = arith.addf %add3A_1002, %add3A_1003 : vector<16xf32>
        %eq3A_1005 = arith.constant 12 : i32
        %eq3A_1006 = vector.broadcast %eq3A_1005 : i32 to vector<16xi32>
        %eq3A_1007 = arith.cmpi eq, %iota3A, %eq3A_1006 : vector<16xi32>
        %reduce_sum3A_1008 = arith.constant true
        %reduce_sum3A_1009 = vector.broadcast %reduce_sum3A_1008 : i1 to vector<16xi1>
        %reduce_sum3A_1010 = tpu.scan <sum>, %add3A_1004 masked %reduce_sum3A_1009 : vector<16xf32>, vector<16xi1> -> vector<16xf32>
        %reduce_sum3A_1011 = vector.extract %reduce_sum3A_1010[15] : f32 from vector<16xf32>
        %broadcast_in_dim3A_1012 = vector.broadcast %reduce_sum3A_1011 : f32 to vector<16xf32>
        %select_n3A_1013 = arith.select %eq3A_1007, %broadcast_in_dim3A_1012, %select_n3A_949 : vector<16xi1>, vector<16xf32>
        %add3A_1014 = arith.constant 13 : i32
        %add3A_1015 = arith.addi %mul3A_182, %add3A_1014 : i32
        %get3A_1016 = arith.index_cast %add3A_1015 : i32 to index
        %get3A_1017 = arith.constant 0 : index
        %get3A_1018 = tpu.vector_load %arg12[%get3A_1016, %get3A_1017] {strides = array<i32>} : memref<256x128xf32, #tpu.memory_space<vmem>>, vector<16xf32>,
        %mul3A_1019 = arith.mulf %get3A_1018, %get3A_81 : vector<16xf32>
        %add3A_1020 = arith.constant 13 : i32
        %add3A_1021 = arith.addi %mul3A_182, %add3A_1020 : i32
        %get3A_1022 = arith.index_cast %add3A_1021 : i32 to index
        %get3A_1023 = arith.constant 16 : index
        %get3A_1024 = tpu.vector_load %arg12[%get3A_1022, %get3A_1023] {strides = array<i32>} : memref<256x128xf32, #tpu.memory_space<vmem>>, vector<16xf32>,
        %mul3A_1025 = arith.mulf %get3A_1024, %get3A_84 : vector<16xf32>
        %add3A_1026 = arith.constant 13 : i32
        %add3A_1027 = arith.addi %mul3A_182, %add3A_1026 : i32
        %get3A_1028 = arith.index_cast %add3A_1027 : i32 to index
        %get3A_1029 = arith.constant 32 : index
        %get3A_1030 = tpu.vector_load %arg12[%get3A_1028, %get3A_1029] {strides = array<i32>} : memref<256x128xf32, #tpu.memory_space<vmem>>, vector<16xf32>,
        %mul3A_1031 = arith.mulf %get3A_1030, %get3A_87 : vector<16xf32>
        %add3A_1032 = arith.constant 13 : i32
        %add3A_1033 = arith.addi %mul3A_182, %add3A_1032 : i32
        %get3A_1034 = arith.index_cast %add3A_1033 : i32 to index
        %get3A_1035 = arith.constant 48 : index
        %get3A_1036 = tpu.vector_load %arg12[%get3A_1034, %get3A_1035] {strides = array<i32>} : memref<256x128xf32, #tpu.memory_space<vmem>>, vector<16xf32>,
        %mul3A_1037 = arith.mulf %get3A_1036, %get3A_90 : vector<16xf32>
        %add3A_1038 = arith.constant 13 : i32
        %add3A_1039 = arith.addi %mul3A_182, %add3A_1038 : i32
        %get3A_1040 = arith.index_cast %add3A_1039 : i32 to index
        %get3A_1041 = arith.constant 64 : index
        %get3A_1042 = tpu.vector_load %arg12[%get3A_1040, %get3A_1041] {strides = array<i32>} : memref<256x128xf32, #tpu.memory_space<vmem>>, vector<16xf32>,
        %mul3A_1043 = arith.mulf %get3A_1042, %get3A_93 : vector<16xf32>
        %add3A_1044 = arith.constant 13 : i32
        %add3A_1045 = arith.addi %mul3A_182, %add3A_1044 : i32
        %get3A_1046 = arith.index_cast %add3A_1045 : i32 to index
        %get3A_1047 = arith.constant 80 : index
        %get3A_1048 = tpu.vector_load %arg12[%get3A_1046, %get3A_1047] {strides = array<i32>} : memref<256x128xf32, #tpu.memory_space<vmem>>, vector<16xf32>,
        %mul3A_1049 = arith.mulf %get3A_1048, %get3A_96 : vector<16xf32>
        %add3A_1050 = arith.constant 13 : i32
        %add3A_1051 = arith.addi %mul3A_182, %add3A_1050 : i32
        %get3A_1052 = arith.index_cast %add3A_1051 : i32 to index
        %get3A_1053 = arith.constant 96 : index
        %get3A_1054 = tpu.vector_load %arg12[%get3A_1052, %get3A_1053] {strides = array<i32>} : memref<256x128xf32, #tpu.memory_space<vmem>>, vector<16xf32>,
        %mul3A_1055 = arith.mulf %get3A_1054, %get3A_99 : vector<16xf32>
        %add3A_1056 = arith.constant 13 : i32
        %add3A_1057 = arith.addi %mul3A_182, %add3A_1056 : i32
        %get3A_1058 = arith.index_cast %add3A_1057 : i32 to index
        %get3A_1059 = arith.constant 112 : index
        %get3A_1060 = tpu.vector_load %arg12[%get3A_1058, %get3A_1059] {strides = array<i32>} : memref<256x128xf32, #tpu.memory_space<vmem>>, vector<16xf32>,
        %mul3A_1061 = arith.mulf %get3A_1060, %get3A_102 : vector<16xf32>
        %add3A_1062 = arith.addf %mul3A_1019, %mul3A_1025 : vector<16xf32>
        %add3A_1063 = arith.addf %mul3A_1031, %mul3A_1037 : vector<16xf32>
        %add3A_1064 = arith.addf %mul3A_1043, %mul3A_1049 : vector<16xf32>
        %add3A_1065 = arith.addf %mul3A_1055, %mul3A_1061 : vector<16xf32>
        %add3A_1066 = arith.addf %add3A_1062, %add3A_1063 : vector<16xf32>
        %add3A_1067 = arith.addf %add3A_1064, %add3A_1065 : vector<16xf32>
        %add3A_1068 = arith.addf %add3A_1066, %add3A_1067 : vector<16xf32>
        %eq3A_1069 = arith.constant 13 : i32
        %eq3A_1070 = vector.broadcast %eq3A_1069 : i32 to vector<16xi32>
        %eq3A_1071 = arith.cmpi eq, %iota3A, %eq3A_1070 : vector<16xi32>
        %reduce_sum3A_1072 = arith.constant true
        %reduce_sum3A_1073 = vector.broadcast %reduce_sum3A_1072 : i1 to vector<16xi1>
        %reduce_sum3A_1074 = tpu.scan <sum>, %add3A_1068 masked %reduce_sum3A_1073 : vector<16xf32>, vector<16xi1> -> vector<16xf32>
        %reduce_sum3A_1075 = vector.extract %reduce_sum3A_1074[15] : f32 from vector<16xf32>
        %broadcast_in_dim3A_1076 = vector.broadcast %reduce_sum3A_1075 : f32 to vector<16xf32>
        %select_n3A_1077 = arith.select %eq3A_1071, %broadcast_in_dim3A_1076, %select_n3A_1013 : vector<16xi1>, vector<16xf32>
        %add3A_1078 = arith.constant 14 : i32
        %add3A_1079 = arith.addi %mul3A_182, %add3A_1078 : i32
        %get3A_1080 = arith.index_cast %add3A_1079 : i32 to index
        %get3A_1081 = arith.constant 0 : index
        %get3A_1082 = tpu.vector_load %arg12[%get3A_1080, %get3A_1081] {strides = array<i32>} : memref<256x128xf32, #tpu.memory_space<vmem>>, vector<16xf32>,
        %mul3A_1083 = arith.mulf %get3A_1082, %get3A_81 : vector<16xf32>
        %add3A_1084 = arith.constant 14 : i32
        %add3A_1085 = arith.addi %mul3A_182, %add3A_1084 : i32
        %get3A_1086 = arith.index_cast %add3A_1085 : i32 to index
        %get3A_1087 = arith.constant 16 : index
        %get3A_1088 = tpu.vector_load %arg12[%get3A_1086, %get3A_1087] {strides = array<i32>} : memref<256x128xf32, #tpu.memory_space<vmem>>, vector<16xf32>,
        %mul3A_1089 = arith.mulf %get3A_1088, %get3A_84 : vector<16xf32>
        %add3A_1090 = arith.constant 14 : i32
        %add3A_1091 = arith.addi %mul3A_182, %add3A_1090 : i32
        %get3A_1092 = arith.index_cast %add3A_1091 : i32 to index
        %get3A_1093 = arith.constant 32 : index
        %get3A_1094 = tpu.vector_load %arg12[%get3A_1092, %get3A_1093] {strides = array<i32>} : memref<256x128xf32, #tpu.memory_space<vmem>>, vector<16xf32>,
        %mul3A_1095 = arith.mulf %get3A_1094, %get3A_87 : vector<16xf32>
        %add3A_1096 = arith.constant 14 : i32
        %add3A_1097 = arith.addi %mul3A_182, %add3A_1096 : i32
        %get3A_1098 = arith.index_cast %add3A_1097 : i32 to index
        %get3A_1099 = arith.constant 48 : index
        %get3A_1100 = tpu.vector_load %arg12[%get3A_1098, %get3A_1099] {strides = array<i32>} : memref<256x128xf32, #tpu.memory_space<vmem>>, vector<16xf32>,
        %mul3A_1101 = arith.mulf %get3A_1100, %get3A_90 : vector<16xf32>
        %add3A_1102 = arith.constant 14 : i32
        %add3A_1103 = arith.addi %mul3A_182, %add3A_1102 : i32
        %get3A_1104 = arith.index_cast %add3A_1103 : i32 to index
        %get3A_1105 = arith.constant 64 : index
        %get3A_1106 = tpu.vector_load %arg12[%get3A_1104, %get3A_1105] {strides = array<i32>} : memref<256x128xf32, #tpu.memory_space<vmem>>, vector<16xf32>,
        %mul3A_1107 = arith.mulf %get3A_1106, %get3A_93 : vector<16xf32>
        %add3A_1108 = arith.constant 14 : i32
        %add3A_1109 = arith.addi %mul3A_182, %add3A_1108 : i32
        %get3A_1110 = arith.index_cast %add3A_1109 : i32 to index
        %get3A_1111 = arith.constant 80 : index
        %get3A_1112 = tpu.vector_load %arg12[%get3A_1110, %get3A_1111] {strides = array<i32>} : memref<256x128xf32, #tpu.memory_space<vmem>>, vector<16xf32>,
        %mul3A_1113 = arith.mulf %get3A_1112, %get3A_96 : vector<16xf32>
        %add3A_1114 = arith.constant 14 : i32
        %add3A_1115 = arith.addi %mul3A_182, %add3A_1114 : i32
        %get3A_1116 = arith.index_cast %add3A_1115 : i32 to index
        %get3A_1117 = arith.constant 96 : index
        %get3A_1118 = tpu.vector_load %arg12[%get3A_1116, %get3A_1117] {strides = array<i32>} : memref<256x128xf32, #tpu.memory_space<vmem>>, vector<16xf32>,
        %mul3A_1119 = arith.mulf %get3A_1118, %get3A_99 : vector<16xf32>
        %add3A_1120 = arith.constant 14 : i32
        %add3A_1121 = arith.addi %mul3A_182, %add3A_1120 : i32
        %get3A_1122 = arith.index_cast %add3A_1121 : i32 to index
        %get3A_1123 = arith.constant 112 : index
        %get3A_1124 = tpu.vector_load %arg12[%get3A_1122, %get3A_1123] {strides = array<i32>} : memref<256x128xf32, #tpu.memory_space<vmem>>, vector<16xf32>,
        %mul3A_1125 = arith.mulf %get3A_1124, %get3A_102 : vector<16xf32>
        %add3A_1126 = arith.addf %mul3A_1083, %mul3A_1089 : vector<16xf32>
        %add3A_1127 = arith.addf %mul3A_1095, %mul3A_1101 : vector<16xf32>
        %add3A_1128 = arith.addf %mul3A_1107, %mul3A_1113 : vector<16xf32>
        %add3A_1129 = arith.addf %mul3A_1119, %mul3A_1125 : vector<16xf32>
        %add3A_1130 = arith.addf %add3A_1126, %add3A_1127 : vector<16xf32>
        %add3A_1131 = arith.addf %add3A_1128, %add3A_1129 : vector<16xf32>
        %add3A_1132 = arith.addf %add3A_1130, %add3A_1131 : vector<16xf32>
        %eq3A_1133 = arith.constant 14 : i32
        %eq3A_1134 = vector.broadcast %eq3A_1133 : i32 to vector<16xi32>
        %eq3A_1135 = arith.cmpi eq, %iota3A, %eq3A_1134 : vector<16xi32>
        %reduce_sum3A_1136 = arith.constant true
        %reduce_sum3A_1137 = vector.broadcast %reduce_sum3A_1136 : i1 to vector<16xi1>
        %reduce_sum3A_1138 = tpu.scan <sum>, %add3A_1132 masked %reduce_sum3A_1137 : vector<16xf32>, vector<16xi1> -> vector<16xf32>
        %reduce_sum3A_1139 = vector.extract %reduce_sum3A_1138[15] : f32 from vector<16xf32>
        %broadcast_in_dim3A_1140 = vector.broadcast %reduce_sum3A_1139 : f32 to vector<16xf32>
        %select_n3A_1141 = arith.select %eq3A_1135, %broadcast_in_dim3A_1140, %select_n3A_1077 : vector<16xi1>, vector<16xf32>
        %add3A_1142 = arith.constant 15 : i32
        %add3A_1143 = arith.addi %mul3A_182, %add3A_1142 : i32
        %get3A_1144 = arith.index_cast %add3A_1143 : i32 to index
        %get3A_1145 = arith.constant 0 : index
        %get3A_1146 = tpu.vector_load %arg12[%get3A_1144, %get3A_1145] {strides = array<i32>} : memref<256x128xf32, #tpu.memory_space<vmem>>, vector<16xf32>,
        %mul3A_1147 = arith.mulf %get3A_1146, %get3A_81 : vector<16xf32>
        %add3A_1148 = arith.constant 15 : i32
        %add3A_1149 = arith.addi %mul3A_182, %add3A_1148 : i32
        %get3A_1150 = arith.index_cast %add3A_1149 : i32 to index
        %get3A_1151 = arith.constant 16 : index
        %get3A_1152 = tpu.vector_load %arg12[%get3A_1150, %get3A_1151] {strides = array<i32>} : memref<256x128xf32, #tpu.memory_space<vmem>>, vector<16xf32>,
        %mul3A_1153 = arith.mulf %get3A_1152, %get3A_84 : vector<16xf32>
        %add3A_1154 = arith.constant 15 : i32
        %add3A_1155 = arith.addi %mul3A_182, %add3A_1154 : i32
        %get3A_1156 = arith.index_cast %add3A_1155 : i32 to index
        %get3A_1157 = arith.constant 32 : index
        %get3A_1158 = tpu.vector_load %arg12[%get3A_1156, %get3A_1157] {strides = array<i32>} : memref<256x128xf32, #tpu.memory_space<vmem>>, vector<16xf32>,
        %mul3A_1159 = arith.mulf %get3A_1158, %get3A_87 : vector<16xf32>
        %add3A_1160 = arith.constant 15 : i32
        %add3A_1161 = arith.addi %mul3A_182, %add3A_1160 : i32
        %get3A_1162 = arith.index_cast %add3A_1161 : i32 to index
        %get3A_1163 = arith.constant 48 : index
        %get3A_1164 = tpu.vector_load %arg12[%get3A_1162, %get3A_1163] {strides = array<i32>} : memref<256x128xf32, #tpu.memory_space<vmem>>, vector<16xf32>,
        %mul3A_1165 = arith.mulf %get3A_1164, %get3A_90 : vector<16xf32>
        %add3A_1166 = arith.constant 15 : i32
        %add3A_1167 = arith.addi %mul3A_182, %add3A_1166 : i32
        %get3A_1168 = arith.index_cast %add3A_1167 : i32 to index
        %get3A_1169 = arith.constant 64 : index
        %get3A_1170 = tpu.vector_load %arg12[%get3A_1168, %get3A_1169] {strides = array<i32>} : memref<256x128xf32, #tpu.memory_space<vmem>>, vector<16xf32>,
        %mul3A_1171 = arith.mulf %get3A_1170, %get3A_93 : vector<16xf32>
        %add3A_1172 = arith.constant 15 : i32
        %add3A_1173 = arith.addi %mul3A_182, %add3A_1172 : i32
        %get3A_1174 = arith.index_cast %add3A_1173 : i32 to index
        %get3A_1175 = arith.constant 80 : index
        %get3A_1176 = tpu.vector_load %arg12[%get3A_1174, %get3A_1175] {strides = array<i32>} : memref<256x128xf32, #tpu.memory_space<vmem>>, vector<16xf32>,
        %mul3A_1177 = arith.mulf %get3A_1176, %get3A_96 : vector<16xf32>
        %add3A_1178 = arith.constant 15 : i32
        %add3A_1179 = arith.addi %mul3A_182, %add3A_1178 : i32
        %get3A_1180 = arith.index_cast %add3A_1179 : i32 to index
        %get3A_1181 = arith.constant 96 : index
        %get3A_1182 = tpu.vector_load %arg12[%get3A_1180, %get3A_1181] {strides = array<i32>} : memref<256x128xf32, #tpu.memory_space<vmem>>, vector<16xf32>,
        %mul3A_1183 = arith.mulf %get3A_1182, %get3A_99 : vector<16xf32>
        %add3A_1184 = arith.constant 15 : i32
        %add3A_1185 = arith.addi %mul3A_182, %add3A_1184 : i32
        %get3A_1186 = arith.index_cast %add3A_1185 : i32 to index
        %get3A_1187 = arith.constant 112 : index
        %get3A_1188 = tpu.vector_load %arg12[%get3A_1186, %get3A_1187] {strides = array<i32>} : memref<256x128xf32, #tpu.memory_space<vmem>>, vector<16xf32>,
        %mul3A_1189 = arith.mulf %get3A_1188, %get3A_102 : vector<16xf32>
        %add3A_1190 = arith.addf %mul3A_1147, %mul3A_1153 : vector<16xf32>
        %add3A_1191 = arith.addf %mul3A_1159, %mul3A_1165 : vector<16xf32>
        %add3A_1192 = arith.addf %mul3A_1171, %mul3A_1177 : vector<16xf32>
        %add3A_1193 = arith.addf %mul3A_1183, %mul3A_1189 : vector<16xf32>
        %add3A_1194 = arith.addf %add3A_1190, %add3A_1191 : vector<16xf32>
        %add3A_1195 = arith.addf %add3A_1192, %add3A_1193 : vector<16xf32>
        %add3A_1196 = arith.addf %add3A_1194, %add3A_1195 : vector<16xf32>
        %eq3A_1197 = arith.constant 15 : i32
        %eq3A_1198 = vector.broadcast %eq3A_1197 : i32 to vector<16xi32>
        %eq3A_1199 = arith.cmpi eq, %iota3A, %eq3A_1198 : vector<16xi32>
        %reduce_sum3A_1200 = arith.constant true
        %reduce_sum3A_1201 = vector.broadcast %reduce_sum3A_1200 : i1 to vector<16xi1>
        %reduce_sum3A_1202 = tpu.scan <sum>, %add3A_1196 masked %reduce_sum3A_1201 : vector<16xf32>, vector<16xi1> -> vector<16xf32>
        %reduce_sum3A_1203 = vector.extract %reduce_sum3A_1202[15] : f32 from vector<16xf32>
        %broadcast_in_dim3A_1204 = vector.broadcast %reduce_sum3A_1203 : f32 to vector<16xf32>
        %select_n3A_1205 = arith.select %eq3A_1199, %broadcast_in_dim3A_1204, %select_n3A_1141 : vector<16xi1>, vector<16xf32>
        %mul3A_1206 = arith.constant 16 : i32
        %mul3A_1207 = arith.muli %scan3A_180, %mul3A_1206 : i32
        %add3A_1208 = arith.addi %mul3A_79, %mul3A_1207 : i32
        %swap3A = arith.index_cast %select_n3A : i32 to index
        %swap3A_1209 = arith.index_cast %add3A_1208 : i32 to index
        %swap3A_1210 = tpu.vector_load %arg14[%swap3A, %swap3A_1209] {strides = array<i32>} : memref<8x2048xf32, #tpu.memory_space<vmem>>, vector<16xf32>,
        tpu.vector_store %arg14[%swap3A, %swap3A_1209], %select_n3A_1205 {strides = array<i32>} : memref<8x2048xf32, #tpu.memory_space<vmem>>, vector<16xf32>,
      }
      %scan3A_108 = arith.constant 16 : i32
      %add3A_109 = arith.constant 2 : i32
      %add3A_110 = arith.addi %mul3A_32, %add3A_109 : i32
      %lt3A = arith.constant 64 : i32
      %lt3A_111 = arith.cmpi slt, %add3A_110, %lt3A : i32
      %convert_element_type3A = arith.extui %lt3A_111 : i1 to i32
      %cond3A = arith.constant 0 : i32
      %cond3A_112 = arith.cmpi ne, %convert_element_type3A, %cond3A : i32
      scf.if %cond3A_112 {
        %add3A_180 = arith.constant 2 : i32
        %add3A_181 = arith.addi %mul3A_32, %add3A_180 : i32
        %mul3A_182 = arith.constant 256 : i32
        %mul3A_183 = arith.muli %add3A_181, %mul3A_182 : i32
        %dma_start3A_184 = arith.constant 0 : i32
        %dma_start3A_185 = arith.constant 0 : i32
        %dma_start3A_186 = tpu.memref_slice %arg12[%dma_start3A_184, %dma_start3A_185] : memref<256x128xf32, #tpu.memory_space<vmem>> -> memref<128x128xf32, #tpu.memory_space<vmem>>
        %dma_start3A_187 = tpu.memref_slice %arg11[%mul3A_183] : memref<16384xi32, #tpu.memory_space<vmem>> -> memref<128xi32, #tpu.memory_space<vmem>>
        %dma_start3A_188 = arith.constant 0 : i32
        %dma_start3A_189 = arith.constant 0 : i32
        %dma_start3A_190 = tpu.memref_slice %arg3[%dma_start3A_188, %dma_start3A_189] : memref<1000000x128xf32, #tpu.memory_space<hbm>> -> memref<1000000x128xf32, #tpu.memory_space<hbm>>
        tpu.enqueue_indirect_dma source(%dma_start3A_190 : memref<1000000x128xf32, #tpu.memory_space<hbm>>) target(%dma_start3A_186 : memref<128x128xf32, #tpu.memory_space<vmem>>) offsets(%dma_start3A_187 : memref<128xi32, #tpu.memory_space<vmem>>) semaphore(%arg15 : memref<!tpu.dma_semaphore, #tpu.memory_space<semaphore_mem>>)
        %add3A_191 = arith.constant 128 : i32
        %add3A_192 = arith.addi %mul3A_183, %add3A_191 : i32
        %dma_start3A_193 = arith.constant 128 : i32
        %dma_start3A_194 = arith.constant 0 : i32
        %dma_start3A_195 = tpu.memref_slice %arg12[%dma_start3A_193, %dma_start3A_194] : memref<256x128xf32, #tpu.memory_space<vmem>> -> memref<128x128xf32, #tpu.memory_space<vmem>>
        %dma_start3A_196 = tpu.memref_slice %arg11[%add3A_192] : memref<16384xi32, #tpu.memory_space<vmem>> -> memref<128xi32, #tpu.memory_space<vmem>>
        %dma_start3A_197 = arith.constant 0 : i32
        %dma_start3A_198 = arith.constant 0 : i32
        %dma_start3A_199 = tpu.memref_slice %arg3[%dma_start3A_197, %dma_start3A_198] : memref<1000000x128xf32, #tpu.memory_space<hbm>> -> memref<1000000x128xf32, #tpu.memory_space<hbm>>
        tpu.enqueue_indirect_dma source(%dma_start3A_199 : memref<1000000x128xf32, #tpu.memory_space<hbm>>) target(%dma_start3A_195 : memref<128x128xf32, #tpu.memory_space<vmem>>) offsets(%dma_start3A_196 : memref<128xi32, #tpu.memory_space<vmem>>) semaphore(%arg15 : memref<!tpu.dma_semaphore, #tpu.memory_space<semaphore_mem>>)
      } else {
      }
      %dma_wait3A_113 = arith.constant 0 : i32
      %dma_wait3A_114 = arith.constant 0 : i32
      %dma_wait3A_115 = tpu.memref_slice %arg3[%dma_wait3A_113, %dma_wait3A_114] : memref<1000000x128xf32, #tpu.memory_space<hbm>> -> memref<256x128xf32, #tpu.memory_space<hbm>>
      %dma_wait3A_116 = arith.constant 0 : i32
      %dma_wait3A_117 = arith.constant 0 : i32
      %dma_wait3A_118 = tpu.memref_slice %arg3[%dma_wait3A_116, %dma_wait3A_117] : memref<1000000x128xf32, #tpu.memory_space<hbm>> -> memref<256x128xf32, #tpu.memory_space<hbm>>
      tpu.wait_dma2 semaphore(%arg15 : memref<!tpu.dma_semaphore, #tpu.memory_space<semaphore_mem>>) src(%dma_wait3A_118 : memref<256x128xf32, #tpu.memory_space<hbm>>) dst(%arg13 : memref<256x128xf32, #tpu.memory_space<vmem>>)
      %add3A_119 = arith.constant 1 : i32
      %add3A_120 = arith.addi %mul3A_32, %add3A_119 : i32
      %jit3A_121 = arith.constant 8 : i32
      %div3A_122 = arith.divsi %add3A_120, %jit3A_121 : i32
      %sign3A_123 = arith.constant 0 : i32
      %sign3A_124 = arith.cmpi sgt, %add3A_120, %sign3A_123 : i32
      %sign3A_125 = arith.extui %sign3A_124 : i1 to i32
      %sign3A_126 = arith.constant 0 : i32
      %sign3A_127 = arith.cmpi slt, %add3A_120, %sign3A_126 : i32
      %sign3A_128 = arith.extui %sign3A_127 : i1 to i32
      %sign3A_129 = arith.subi %sign3A_125, %sign3A_128 : i32
      %sign3A_130 = arith.constant 0 : i32
      %sign3A_131 = arith.cmpi sgt, %jit3A_121, %sign3A_130 : i32
      %sign3A_132 = arith.extui %sign3A_131 : i1 to i32
      %sign3A_133 = arith.constant 0 : i32
      %sign3A_134 = arith.cmpi slt, %jit3A_121, %sign3A_133 : i32
      %sign3A_135 = arith.extui %sign3A_134 : i1 to i32
      %sign3A_136 = arith.subi %sign3A_132, %sign3A_135 : i32
      %ne3A_137 = arith.cmpi ne, %sign3A_129, %sign3A_136 : i32
      %rem3A_138 = arith.remsi %add3A_120, %jit3A_121 : i32
      %ne3A_139 = arith.constant 0 : i32
      %ne3A_140 = arith.cmpi ne, %rem3A_138, %ne3A_139 : i32
      %and3A_141 = arith.andi %ne3A_137, %ne3A_140 : i1
      %sub3A_142 = arith.constant 1 : i32
      %sub3A_143 = arith.subi %div3A_122, %sub3A_142 : i32
      %select_n3A_144 = arith.select %and3A_141, %sub3A_143, %div3A_122 : i32
      %mul3A_145 = arith.constant 8 : i32
      %mul3A_146 = arith.muli %select_n3A_144, %mul3A_145 : i32
      %sub3A_147 = arith.subi %add3A_120, %mul3A_146 : i32
      %mul3A_148 = arith.constant 256 : i32
      %mul3A_149 = arith.muli %sub3A_147, %mul3A_148 : i32
      %get3A_150 = arith.index_cast %select_n3A_144 : i32 to index
      %get3A_151 = arith.constant 0 : index
      %get3A_152 = tpu.vector_load %arg8[%get3A_150, %get3A_151] {strides = array<i32>} : memref<8x128xf32, #tpu.memory_space<vmem>>, vector<16xf32>,
      %get3A_153 = arith.index_cast %select_n3A_144 : i32 to index
      %get3A_154 = arith.constant 16 : index
      %get3A_155 = tpu.vector_load %arg8[%get3A_153, %get3A_154] {strides = array<i32>} : memref<8x128xf32, #tpu.memory_space<vmem>>, vector<16xf32>,
      %get3A_156 = arith.index_cast %select_n3A_144 : i32 to index
      %get3A_157 = arith.constant 32 : index
      %get3A_158 = tpu.vector_load %arg8[%get3A_156, %get3A_157] {strides = array<i32>} : memref<8x128xf32, #tpu.memory_space<vmem>>, vector<16xf32>,
      %get3A_159 = arith.index_cast %select_n3A_144 : i32 to index
      %get3A_160 = arith.constant 48 : index
      %get3A_161 = tpu.vector_load %arg8[%get3A_159, %get3A_160] {strides = array<i32>} : memref<8x128xf32, #tpu.memory_space<vmem>>, vector<16xf32>,
      %get3A_162 = arith.index_cast %select_n3A_144 : i32 to index
      %get3A_163 = arith.constant 64 : index
      %get3A_164 = tpu.vector_load %arg8[%get3A_162, %get3A_163] {strides = array<i32>} : memref<8x128xf32, #tpu.memory_space<vmem>>, vector<16xf32>,
      %get3A_165 = arith.index_cast %select_n3A_144 : i32 to index
      %get3A_166 = arith.constant 80 : index
      %get3A_167 = tpu.vector_load %arg8[%get3A_165, %get3A_166] {strides = array<i32>} : memref<8x128xf32, #tpu.memory_space<vmem>>, vector<16xf32>,
      %get3A_168 = arith.index_cast %select_n3A_144 : i32 to index
      %get3A_169 = arith.constant 96 : index
      %get3A_170 = tpu.vector_load %arg8[%get3A_168, %get3A_169] {strides = array<i32>} : memref<8x128xf32, #tpu.memory_space<vmem>>, vector<16xf32>,
      %get3A_171 = arith.index_cast %select_n3A_144 : i32 to index
      %get3A_172 = arith.constant 112 : index
      %get3A_173 = tpu.vector_load %arg8[%get3A_171, %get3A_172] {strides = array<i32>} : memref<8x128xf32, #tpu.memory_space<vmem>>, vector<16xf32>,
      %scan3A_174 = arith.constant 0 : i32
      %scan3A_175 = arith.constant 0 : i32
      %scan3A_176 = arith.constant 16 : i32
      %scan3A_177 = arith.addi %scan3A_175, %scan3A_176 : i32
      %scan3A_178 = arith.constant 1 : i32
      scf.for %scan3A_180 = %scan3A_175 to %scan3A_177 step %scan3A_178  : i32 {
        %mul3A_181 = arith.constant 16 : i32
        %mul3A_182 = arith.muli %scan3A_180, %mul3A_181 : i32
        %broadcast_in_dim3A = arith.constant 0.000000e+00 : f32
        %broadcast_in_dim3A_183 = vector.broadcast %broadcast_in_dim3A : f32 to vector<16xf32>
        %add3A_184 = arith.constant 0 : i32
        %add3A_185 = arith.addi %mul3A_182, %add3A_184 : i32
        %get3A_186 = arith.index_cast %add3A_185 : i32 to index
        %get3A_187 = arith.constant 0 : index
        %get3A_188 = tpu.vector_load %arg13[%get3A_186, %get3A_187] {strides = array<i32>} : memref<256x128xf32, #tpu.memory_space<vmem>>, vector<16xf32>,
        %mul3A_189 = arith.mulf %get3A_188, %get3A_152 : vector<16xf32>
        %add3A_190 = arith.constant 0 : i32
        %add3A_191 = arith.addi %mul3A_182, %add3A_190 : i32
        %get3A_192 = arith.index_cast %add3A_191 : i32 to index
        %get3A_193 = arith.constant 16 : index
        %get3A_194 = tpu.vector_load %arg13[%get3A_192, %get3A_193] {strides = array<i32>} : memref<256x128xf32, #tpu.memory_space<vmem>>, vector<16xf32>,
        %mul3A_195 = arith.mulf %get3A_194, %get3A_155 : vector<16xf32>
        %add3A_196 = arith.constant 0 : i32
        %add3A_197 = arith.addi %mul3A_182, %add3A_196 : i32
        %get3A_198 = arith.index_cast %add3A_197 : i32 to index
        %get3A_199 = arith.constant 32 : index
        %get3A_200 = tpu.vector_load %arg13[%get3A_198, %get3A_199] {strides = array<i32>} : memref<256x128xf32, #tpu.memory_space<vmem>>, vector<16xf32>,
        %mul3A_201 = arith.mulf %get3A_200, %get3A_158 : vector<16xf32>
        %add3A_202 = arith.constant 0 : i32
        %add3A_203 = arith.addi %mul3A_182, %add3A_202 : i32
        %get3A_204 = arith.index_cast %add3A_203 : i32 to index
        %get3A_205 = arith.constant 48 : index
        %get3A_206 = tpu.vector_load %arg13[%get3A_204, %get3A_205] {strides = array<i32>} : memref<256x128xf32, #tpu.memory_space<vmem>>, vector<16xf32>,
        %mul3A_207 = arith.mulf %get3A_206, %get3A_161 : vector<16xf32>
        %add3A_208 = arith.constant 0 : i32
        %add3A_209 = arith.addi %mul3A_182, %add3A_208 : i32
        %get3A_210 = arith.index_cast %add3A_209 : i32 to index
        %get3A_211 = arith.constant 64 : index
        %get3A_212 = tpu.vector_load %arg13[%get3A_210, %get3A_211] {strides = array<i32>} : memref<256x128xf32, #tpu.memory_space<vmem>>, vector<16xf32>,
        %mul3A_213 = arith.mulf %get3A_212, %get3A_164 : vector<16xf32>
        %add3A_214 = arith.constant 0 : i32
        %add3A_215 = arith.addi %mul3A_182, %add3A_214 : i32
        %get3A_216 = arith.index_cast %add3A_215 : i32 to index
        %get3A_217 = arith.constant 80 : index
        %get3A_218 = tpu.vector_load %arg13[%get3A_216, %get3A_217] {strides = array<i32>} : memref<256x128xf32, #tpu.memory_space<vmem>>, vector<16xf32>,
        %mul3A_219 = arith.mulf %get3A_218, %get3A_167 : vector<16xf32>
        %add3A_220 = arith.constant 0 : i32
        %add3A_221 = arith.addi %mul3A_182, %add3A_220 : i32
        %get3A_222 = arith.index_cast %add3A_221 : i32 to index
        %get3A_223 = arith.constant 96 : index
        %get3A_224 = tpu.vector_load %arg13[%get3A_222, %get3A_223] {strides = array<i32>} : memref<256x128xf32, #tpu.memory_space<vmem>>, vector<16xf32>,
        %mul3A_225 = arith.mulf %get3A_224, %get3A_170 : vector<16xf32>
        %add3A_226 = arith.constant 0 : i32
        %add3A_227 = arith.addi %mul3A_182, %add3A_226 : i32
        %get3A_228 = arith.index_cast %add3A_227 : i32 to index
        %get3A_229 = arith.constant 112 : index
        %get3A_230 = tpu.vector_load %arg13[%get3A_228, %get3A_229] {strides = array<i32>} : memref<256x128xf32, #tpu.memory_space<vmem>>, vector<16xf32>,
        %mul3A_231 = arith.mulf %get3A_230, %get3A_173 : vector<16xf32>
        %add3A_232 = arith.addf %mul3A_189, %mul3A_195 : vector<16xf32>
        %add3A_233 = arith.addf %mul3A_201, %mul3A_207 : vector<16xf32>
        %add3A_234 = arith.addf %mul3A_213, %mul3A_219 : vector<16xf32>
        %add3A_235 = arith.addf %mul3A_225, %mul3A_231 : vector<16xf32>
        %add3A_236 = arith.addf %add3A_232, %add3A_233 : vector<16xf32>
        %add3A_237 = arith.addf %add3A_234, %add3A_235 : vector<16xf32>
        %add3A_238 = arith.addf %add3A_236, %add3A_237 : vector<16xf32>
        %eq3A = arith.constant 0 : i32
        %eq3A_239 = vector.broadcast %eq3A : i32 to vector<16xi32>
        %eq3A_240 = arith.cmpi eq, %iota3A, %eq3A_239 : vector<16xi32>
        %reduce_sum3A = arith.constant true
        %reduce_sum3A_241 = vector.broadcast %reduce_sum3A : i1 to vector<16xi1>
        %reduce_sum3A_242 = tpu.scan <sum>, %add3A_238 masked %reduce_sum3A_241 : vector<16xf32>, vector<16xi1> -> vector<16xf32>
        %reduce_sum3A_243 = vector.extract %reduce_sum3A_242[15] : f32 from vector<16xf32>
        %broadcast_in_dim3A_244 = vector.broadcast %reduce_sum3A_243 : f32 to vector<16xf32>
        %select_n3A_245 = arith.select %eq3A_240, %broadcast_in_dim3A_244, %broadcast_in_dim3A_183 : vector<16xi1>, vector<16xf32>
        %add3A_246 = arith.constant 1 : i32
        %add3A_247 = arith.addi %mul3A_182, %add3A_246 : i32
        %get3A_248 = arith.index_cast %add3A_247 : i32 to index
        %get3A_249 = arith.constant 0 : index
        %get3A_250 = tpu.vector_load %arg13[%get3A_248, %get3A_249] {strides = array<i32>} : memref<256x128xf32, #tpu.memory_space<vmem>>, vector<16xf32>,
        %mul3A_251 = arith.mulf %get3A_250, %get3A_152 : vector<16xf32>
        %add3A_252 = arith.constant 1 : i32
        %add3A_253 = arith.addi %mul3A_182, %add3A_252 : i32
        %get3A_254 = arith.index_cast %add3A_253 : i32 to index
        %get3A_255 = arith.constant 16 : index
        %get3A_256 = tpu.vector_load %arg13[%get3A_254, %get3A_255] {strides = array<i32>} : memref<256x128xf32, #tpu.memory_space<vmem>>, vector<16xf32>,
        %mul3A_257 = arith.mulf %get3A_256, %get3A_155 : vector<16xf32>
        %add3A_258 = arith.constant 1 : i32
        %add3A_259 = arith.addi %mul3A_182, %add3A_258 : i32
        %get3A_260 = arith.index_cast %add3A_259 : i32 to index
        %get3A_261 = arith.constant 32 : index
        %get3A_262 = tpu.vector_load %arg13[%get3A_260, %get3A_261] {strides = array<i32>} : memref<256x128xf32, #tpu.memory_space<vmem>>, vector<16xf32>,
        %mul3A_263 = arith.mulf %get3A_262, %get3A_158 : vector<16xf32>
        %add3A_264 = arith.constant 1 : i32
        %add3A_265 = arith.addi %mul3A_182, %add3A_264 : i32
        %get3A_266 = arith.index_cast %add3A_265 : i32 to index
        %get3A_267 = arith.constant 48 : index
        %get3A_268 = tpu.vector_load %arg13[%get3A_266, %get3A_267] {strides = array<i32>} : memref<256x128xf32, #tpu.memory_space<vmem>>, vector<16xf32>,
        %mul3A_269 = arith.mulf %get3A_268, %get3A_161 : vector<16xf32>
        %add3A_270 = arith.constant 1 : i32
        %add3A_271 = arith.addi %mul3A_182, %add3A_270 : i32
        %get3A_272 = arith.index_cast %add3A_271 : i32 to index
        %get3A_273 = arith.constant 64 : index
        %get3A_274 = tpu.vector_load %arg13[%get3A_272, %get3A_273] {strides = array<i32>} : memref<256x128xf32, #tpu.memory_space<vmem>>, vector<16xf32>,
        %mul3A_275 = arith.mulf %get3A_274, %get3A_164 : vector<16xf32>
        %add3A_276 = arith.constant 1 : i32
        %add3A_277 = arith.addi %mul3A_182, %add3A_276 : i32
        %get3A_278 = arith.index_cast %add3A_277 : i32 to index
        %get3A_279 = arith.constant 80 : index
        %get3A_280 = tpu.vector_load %arg13[%get3A_278, %get3A_279] {strides = array<i32>} : memref<256x128xf32, #tpu.memory_space<vmem>>, vector<16xf32>,
        %mul3A_281 = arith.mulf %get3A_280, %get3A_167 : vector<16xf32>
        %add3A_282 = arith.constant 1 : i32
        %add3A_283 = arith.addi %mul3A_182, %add3A_282 : i32
        %get3A_284 = arith.index_cast %add3A_283 : i32 to index
        %get3A_285 = arith.constant 96 : index
        %get3A_286 = tpu.vector_load %arg13[%get3A_284, %get3A_285] {strides = array<i32>} : memref<256x128xf32, #tpu.memory_space<vmem>>, vector<16xf32>,
        %mul3A_287 = arith.mulf %get3A_286, %get3A_170 : vector<16xf32>
        %add3A_288 = arith.constant 1 : i32
        %add3A_289 = arith.addi %mul3A_182, %add3A_288 : i32
        %get3A_290 = arith.index_cast %add3A_289 : i32 to index
        %get3A_291 = arith.constant 112 : index
        %get3A_292 = tpu.vector_load %arg13[%get3A_290, %get3A_291] {strides = array<i32>} : memref<256x128xf32, #tpu.memory_space<vmem>>, vector<16xf32>,
        %mul3A_293 = arith.mulf %get3A_292, %get3A_173 : vector<16xf32>
        %add3A_294 = arith.addf %mul3A_251, %mul3A_257 : vector<16xf32>
        %add3A_295 = arith.addf %mul3A_263, %mul3A_269 : vector<16xf32>
        %add3A_296 = arith.addf %mul3A_275, %mul3A_281 : vector<16xf32>
        %add3A_297 = arith.addf %mul3A_287, %mul3A_293 : vector<16xf32>
        %add3A_298 = arith.addf %add3A_294, %add3A_295 : vector<16xf32>
        %add3A_299 = arith.addf %add3A_296, %add3A_297 : vector<16xf32>
        %add3A_300 = arith.addf %add3A_298, %add3A_299 : vector<16xf32>
        %eq3A_301 = arith.constant 1 : i32
        %eq3A_302 = vector.broadcast %eq3A_301 : i32 to vector<16xi32>
        %eq3A_303 = arith.cmpi eq, %iota3A, %eq3A_302 : vector<16xi32>
        %reduce_sum3A_304 = arith.constant true
        %reduce_sum3A_305 = vector.broadcast %reduce_sum3A_304 : i1 to vector<16xi1>
        %reduce_sum3A_306 = tpu.scan <sum>, %add3A_300 masked %reduce_sum3A_305 : vector<16xf32>, vector<16xi1> -> vector<16xf32>
        %reduce_sum3A_307 = vector.extract %reduce_sum3A_306[15] : f32 from vector<16xf32>
        %broadcast_in_dim3A_308 = vector.broadcast %reduce_sum3A_307 : f32 to vector<16xf32>
        %select_n3A_309 = arith.select %eq3A_303, %broadcast_in_dim3A_308, %select_n3A_245 : vector<16xi1>, vector<16xf32>
        %add3A_310 = arith.constant 2 : i32
        %add3A_311 = arith.addi %mul3A_182, %add3A_310 : i32
        %get3A_312 = arith.index_cast %add3A_311 : i32 to index
        %get3A_313 = arith.constant 0 : index
        %get3A_314 = tpu.vector_load %arg13[%get3A_312, %get3A_313] {strides = array<i32>} : memref<256x128xf32, #tpu.memory_space<vmem>>, vector<16xf32>,
        %mul3A_315 = arith.mulf %get3A_314, %get3A_152 : vector<16xf32>
        %add3A_316 = arith.constant 2 : i32
        %add3A_317 = arith.addi %mul3A_182, %add3A_316 : i32
        %get3A_318 = arith.index_cast %add3A_317 : i32 to index
        %get3A_319 = arith.constant 16 : index
        %get3A_320 = tpu.vector_load %arg13[%get3A_318, %get3A_319] {strides = array<i32>} : memref<256x128xf32, #tpu.memory_space<vmem>>, vector<16xf32>,
        %mul3A_321 = arith.mulf %get3A_320, %get3A_155 : vector<16xf32>
        %add3A_322 = arith.constant 2 : i32
        %add3A_323 = arith.addi %mul3A_182, %add3A_322 : i32
        %get3A_324 = arith.index_cast %add3A_323 : i32 to index
        %get3A_325 = arith.constant 32 : index
        %get3A_326 = tpu.vector_load %arg13[%get3A_324, %get3A_325] {strides = array<i32>} : memref<256x128xf32, #tpu.memory_space<vmem>>, vector<16xf32>,
        %mul3A_327 = arith.mulf %get3A_326, %get3A_158 : vector<16xf32>
        %add3A_328 = arith.constant 2 : i32
        %add3A_329 = arith.addi %mul3A_182, %add3A_328 : i32
        %get3A_330 = arith.index_cast %add3A_329 : i32 to index
        %get3A_331 = arith.constant 48 : index
        %get3A_332 = tpu.vector_load %arg13[%get3A_330, %get3A_331] {strides = array<i32>} : memref<256x128xf32, #tpu.memory_space<vmem>>, vector<16xf32>,
        %mul3A_333 = arith.mulf %get3A_332, %get3A_161 : vector<16xf32>
        %add3A_334 = arith.constant 2 : i32
        %add3A_335 = arith.addi %mul3A_182, %add3A_334 : i32
        %get3A_336 = arith.index_cast %add3A_335 : i32 to index
        %get3A_337 = arith.constant 64 : index
        %get3A_338 = tpu.vector_load %arg13[%get3A_336, %get3A_337] {strides = array<i32>} : memref<256x128xf32, #tpu.memory_space<vmem>>, vector<16xf32>,
        %mul3A_339 = arith.mulf %get3A_338, %get3A_164 : vector<16xf32>
        %add3A_340 = arith.constant 2 : i32
        %add3A_341 = arith.addi %mul3A_182, %add3A_340 : i32
        %get3A_342 = arith.index_cast %add3A_341 : i32 to index
        %get3A_343 = arith.constant 80 : index
        %get3A_344 = tpu.vector_load %arg13[%get3A_342, %get3A_343] {strides = array<i32>} : memref<256x128xf32, #tpu.memory_space<vmem>>, vector<16xf32>,
        %mul3A_345 = arith.mulf %get3A_344, %get3A_167 : vector<16xf32>
        %add3A_346 = arith.constant 2 : i32
        %add3A_347 = arith.addi %mul3A_182, %add3A_346 : i32
        %get3A_348 = arith.index_cast %add3A_347 : i32 to index
        %get3A_349 = arith.constant 96 : index
        %get3A_350 = tpu.vector_load %arg13[%get3A_348, %get3A_349] {strides = array<i32>} : memref<256x128xf32, #tpu.memory_space<vmem>>, vector<16xf32>,
        %mul3A_351 = arith.mulf %get3A_350, %get3A_170 : vector<16xf32>
        %add3A_352 = arith.constant 2 : i32
        %add3A_353 = arith.addi %mul3A_182, %add3A_352 : i32
        %get3A_354 = arith.index_cast %add3A_353 : i32 to index
        %get3A_355 = arith.constant 112 : index
        %get3A_356 = tpu.vector_load %arg13[%get3A_354, %get3A_355] {strides = array<i32>} : memref<256x128xf32, #tpu.memory_space<vmem>>, vector<16xf32>,
        %mul3A_357 = arith.mulf %get3A_356, %get3A_173 : vector<16xf32>
        %add3A_358 = arith.addf %mul3A_315, %mul3A_321 : vector<16xf32>
        %add3A_359 = arith.addf %mul3A_327, %mul3A_333 : vector<16xf32>
        %add3A_360 = arith.addf %mul3A_339, %mul3A_345 : vector<16xf32>
        %add3A_361 = arith.addf %mul3A_351, %mul3A_357 : vector<16xf32>
        %add3A_362 = arith.addf %add3A_358, %add3A_359 : vector<16xf32>
        %add3A_363 = arith.addf %add3A_360, %add3A_361 : vector<16xf32>
        %add3A_364 = arith.addf %add3A_362, %add3A_363 : vector<16xf32>
        %eq3A_365 = arith.constant 2 : i32
        %eq3A_366 = vector.broadcast %eq3A_365 : i32 to vector<16xi32>
        %eq3A_367 = arith.cmpi eq, %iota3A, %eq3A_366 : vector<16xi32>
        %reduce_sum3A_368 = arith.constant true
        %reduce_sum3A_369 = vector.broadcast %reduce_sum3A_368 : i1 to vector<16xi1>
        %reduce_sum3A_370 = tpu.scan <sum>, %add3A_364 masked %reduce_sum3A_369 : vector<16xf32>, vector<16xi1> -> vector<16xf32>
        %reduce_sum3A_371 = vector.extract %reduce_sum3A_370[15] : f32 from vector<16xf32>
        %broadcast_in_dim3A_372 = vector.broadcast %reduce_sum3A_371 : f32 to vector<16xf32>
        %select_n3A_373 = arith.select %eq3A_367, %broadcast_in_dim3A_372, %select_n3A_309 : vector<16xi1>, vector<16xf32>
        %add3A_374 = arith.constant 3 : i32
        %add3A_375 = arith.addi %mul3A_182, %add3A_374 : i32
        %get3A_376 = arith.index_cast %add3A_375 : i32 to index
        %get3A_377 = arith.constant 0 : index
        %get3A_378 = tpu.vector_load %arg13[%get3A_376, %get3A_377] {strides = array<i32>} : memref<256x128xf32, #tpu.memory_space<vmem>>, vector<16xf32>,
        %mul3A_379 = arith.mulf %get3A_378, %get3A_152 : vector<16xf32>
        %add3A_380 = arith.constant 3 : i32
        %add3A_381 = arith.addi %mul3A_182, %add3A_380 : i32
        %get3A_382 = arith.index_cast %add3A_381 : i32 to index
        %get3A_383 = arith.constant 16 : index
        %get3A_384 = tpu.vector_load %arg13[%get3A_382, %get3A_383] {strides = array<i32>} : memref<256x128xf32, #tpu.memory_space<vmem>>, vector<16xf32>,
        %mul3A_385 = arith.mulf %get3A_384, %get3A_155 : vector<16xf32>
        %add3A_386 = arith.constant 3 : i32
        %add3A_387 = arith.addi %mul3A_182, %add3A_386 : i32
        %get3A_388 = arith.index_cast %add3A_387 : i32 to index
        %get3A_389 = arith.constant 32 : index
        %get3A_390 = tpu.vector_load %arg13[%get3A_388, %get3A_389] {strides = array<i32>} : memref<256x128xf32, #tpu.memory_space<vmem>>, vector<16xf32>,
        %mul3A_391 = arith.mulf %get3A_390, %get3A_158 : vector<16xf32>
        %add3A_392 = arith.constant 3 : i32
        %add3A_393 = arith.addi %mul3A_182, %add3A_392 : i32
        %get3A_394 = arith.index_cast %add3A_393 : i32 to index
        %get3A_395 = arith.constant 48 : index
        %get3A_396 = tpu.vector_load %arg13[%get3A_394, %get3A_395] {strides = array<i32>} : memref<256x128xf32, #tpu.memory_space<vmem>>, vector<16xf32>,
        %mul3A_397 = arith.mulf %get3A_396, %get3A_161 : vector<16xf32>
        %add3A_398 = arith.constant 3 : i32
        %add3A_399 = arith.addi %mul3A_182, %add3A_398 : i32
        %get3A_400 = arith.index_cast %add3A_399 : i32 to index
        %get3A_401 = arith.constant 64 : index
        %get3A_402 = tpu.vector_load %arg13[%get3A_400, %get3A_401] {strides = array<i32>} : memref<256x128xf32, #tpu.memory_space<vmem>>, vector<16xf32>,
        %mul3A_403 = arith.mulf %get3A_402, %get3A_164 : vector<16xf32>
        %add3A_404 = arith.constant 3 : i32
        %add3A_405 = arith.addi %mul3A_182, %add3A_404 : i32
        %get3A_406 = arith.index_cast %add3A_405 : i32 to index
        %get3A_407 = arith.constant 80 : index
        %get3A_408 = tpu.vector_load %arg13[%get3A_406, %get3A_407] {strides = array<i32>} : memref<256x128xf32, #tpu.memory_space<vmem>>, vector<16xf32>,
        %mul3A_409 = arith.mulf %get3A_408, %get3A_167 : vector<16xf32>
        %add3A_410 = arith.constant 3 : i32
        %add3A_411 = arith.addi %mul3A_182, %add3A_410 : i32
        %get3A_412 = arith.index_cast %add3A_411 : i32 to index
        %get3A_413 = arith.constant 96 : index
        %get3A_414 = tpu.vector_load %arg13[%get3A_412, %get3A_413] {strides = array<i32>} : memref<256x128xf32, #tpu.memory_space<vmem>>, vector<16xf32>,
        %mul3A_415 = arith.mulf %get3A_414, %get3A_170 : vector<16xf32>
        %add3A_416 = arith.constant 3 : i32
        %add3A_417 = arith.addi %mul3A_182, %add3A_416 : i32
        %get3A_418 = arith.index_cast %add3A_417 : i32 to index
        %get3A_419 = arith.constant 112 : index
        %get3A_420 = tpu.vector_load %arg13[%get3A_418, %get3A_419] {strides = array<i32>} : memref<256x128xf32, #tpu.memory_space<vmem>>, vector<16xf32>,
        %mul3A_421 = arith.mulf %get3A_420, %get3A_173 : vector<16xf32>
        %add3A_422 = arith.addf %mul3A_379, %mul3A_385 : vector<16xf32>
        %add3A_423 = arith.addf %mul3A_391, %mul3A_397 : vector<16xf32>
        %add3A_424 = arith.addf %mul3A_403, %mul3A_409 : vector<16xf32>
        %add3A_425 = arith.addf %mul3A_415, %mul3A_421 : vector<16xf32>
        %add3A_426 = arith.addf %add3A_422, %add3A_423 : vector<16xf32>
        %add3A_427 = arith.addf %add3A_424, %add3A_425 : vector<16xf32>
        %add3A_428 = arith.addf %add3A_426, %add3A_427 : vector<16xf32>
        %eq3A_429 = arith.constant 3 : i32
        %eq3A_430 = vector.broadcast %eq3A_429 : i32 to vector<16xi32>
        %eq3A_431 = arith.cmpi eq, %iota3A, %eq3A_430 : vector<16xi32>
        %reduce_sum3A_432 = arith.constant true
        %reduce_sum3A_433 = vector.broadcast %reduce_sum3A_432 : i1 to vector<16xi1>
        %reduce_sum3A_434 = tpu.scan <sum>, %add3A_428 masked %reduce_sum3A_433 : vector<16xf32>, vector<16xi1> -> vector<16xf32>
        %reduce_sum3A_435 = vector.extract %reduce_sum3A_434[15] : f32 from vector<16xf32>
        %broadcast_in_dim3A_436 = vector.broadcast %reduce_sum3A_435 : f32 to vector<16xf32>
        %select_n3A_437 = arith.select %eq3A_431, %broadcast_in_dim3A_436, %select_n3A_373 : vector<16xi1>, vector<16xf32>
        %add3A_438 = arith.constant 4 : i32
        %add3A_439 = arith.addi %mul3A_182, %add3A_438 : i32
        %get3A_440 = arith.index_cast %add3A_439 : i32 to index
        %get3A_441 = arith.constant 0 : index
        %get3A_442 = tpu.vector_load %arg13[%get3A_440, %get3A_441] {strides = array<i32>} : memref<256x128xf32, #tpu.memory_space<vmem>>, vector<16xf32>,
        %mul3A_443 = arith.mulf %get3A_442, %get3A_152 : vector<16xf32>
        %add3A_444 = arith.constant 4 : i32
        %add3A_445 = arith.addi %mul3A_182, %add3A_444 : i32
        %get3A_446 = arith.index_cast %add3A_445 : i32 to index
        %get3A_447 = arith.constant 16 : index
        %get3A_448 = tpu.vector_load %arg13[%get3A_446, %get3A_447] {strides = array<i32>} : memref<256x128xf32, #tpu.memory_space<vmem>>, vector<16xf32>,
        %mul3A_449 = arith.mulf %get3A_448, %get3A_155 : vector<16xf32>
        %add3A_450 = arith.constant 4 : i32
        %add3A_451 = arith.addi %mul3A_182, %add3A_450 : i32
        %get3A_452 = arith.index_cast %add3A_451 : i32 to index
        %get3A_453 = arith.constant 32 : index
        %get3A_454 = tpu.vector_load %arg13[%get3A_452, %get3A_453] {strides = array<i32>} : memref<256x128xf32, #tpu.memory_space<vmem>>, vector<16xf32>,
        %mul3A_455 = arith.mulf %get3A_454, %get3A_158 : vector<16xf32>
        %add3A_456 = arith.constant 4 : i32
        %add3A_457 = arith.addi %mul3A_182, %add3A_456 : i32
        %get3A_458 = arith.index_cast %add3A_457 : i32 to index
        %get3A_459 = arith.constant 48 : index
        %get3A_460 = tpu.vector_load %arg13[%get3A_458, %get3A_459] {strides = array<i32>} : memref<256x128xf32, #tpu.memory_space<vmem>>, vector<16xf32>,
        %mul3A_461 = arith.mulf %get3A_460, %get3A_161 : vector<16xf32>
        %add3A_462 = arith.constant 4 : i32
        %add3A_463 = arith.addi %mul3A_182, %add3A_462 : i32
        %get3A_464 = arith.index_cast %add3A_463 : i32 to index
        %get3A_465 = arith.constant 64 : index
        %get3A_466 = tpu.vector_load %arg13[%get3A_464, %get3A_465] {strides = array<i32>} : memref<256x128xf32, #tpu.memory_space<vmem>>, vector<16xf32>,
        %mul3A_467 = arith.mulf %get3A_466, %get3A_164 : vector<16xf32>
        %add3A_468 = arith.constant 4 : i32
        %add3A_469 = arith.addi %mul3A_182, %add3A_468 : i32
        %get3A_470 = arith.index_cast %add3A_469 : i32 to index
        %get3A_471 = arith.constant 80 : index
        %get3A_472 = tpu.vector_load %arg13[%get3A_470, %get3A_471] {strides = array<i32>} : memref<256x128xf32, #tpu.memory_space<vmem>>, vector<16xf32>,
        %mul3A_473 = arith.mulf %get3A_472, %get3A_167 : vector<16xf32>
        %add3A_474 = arith.constant 4 : i32
        %add3A_475 = arith.addi %mul3A_182, %add3A_474 : i32
        %get3A_476 = arith.index_cast %add3A_475 : i32 to index
        %get3A_477 = arith.constant 96 : index
        %get3A_478 = tpu.vector_load %arg13[%get3A_476, %get3A_477] {strides = array<i32>} : memref<256x128xf32, #tpu.memory_space<vmem>>, vector<16xf32>,
        %mul3A_479 = arith.mulf %get3A_478, %get3A_170 : vector<16xf32>
        %add3A_480 = arith.constant 4 : i32
        %add3A_481 = arith.addi %mul3A_182, %add3A_480 : i32
        %get3A_482 = arith.index_cast %add3A_481 : i32 to index
        %get3A_483 = arith.constant 112 : index
        %get3A_484 = tpu.vector_load %arg13[%get3A_482, %get3A_483] {strides = array<i32>} : memref<256x128xf32, #tpu.memory_space<vmem>>, vector<16xf32>,
        %mul3A_485 = arith.mulf %get3A_484, %get3A_173 : vector<16xf32>
        %add3A_486 = arith.addf %mul3A_443, %mul3A_449 : vector<16xf32>
        %add3A_487 = arith.addf %mul3A_455, %mul3A_461 : vector<16xf32>
        %add3A_488 = arith.addf %mul3A_467, %mul3A_473 : vector<16xf32>
        %add3A_489 = arith.addf %mul3A_479, %mul3A_485 : vector<16xf32>
        %add3A_490 = arith.addf %add3A_486, %add3A_487 : vector<16xf32>
        %add3A_491 = arith.addf %add3A_488, %add3A_489 : vector<16xf32>
        %add3A_492 = arith.addf %add3A_490, %add3A_491 : vector<16xf32>
        %eq3A_493 = arith.constant 4 : i32
        %eq3A_494 = vector.broadcast %eq3A_493 : i32 to vector<16xi32>
        %eq3A_495 = arith.cmpi eq, %iota3A, %eq3A_494 : vector<16xi32>
        %reduce_sum3A_496 = arith.constant true
        %reduce_sum3A_497 = vector.broadcast %reduce_sum3A_496 : i1 to vector<16xi1>
        %reduce_sum3A_498 = tpu.scan <sum>, %add3A_492 masked %reduce_sum3A_497 : vector<16xf32>, vector<16xi1> -> vector<16xf32>
        %reduce_sum3A_499 = vector.extract %reduce_sum3A_498[15] : f32 from vector<16xf32>
        %broadcast_in_dim3A_500 = vector.broadcast %reduce_sum3A_499 : f32 to vector<16xf32>
        %select_n3A_501 = arith.select %eq3A_495, %broadcast_in_dim3A_500, %select_n3A_437 : vector<16xi1>, vector<16xf32>
        %add3A_502 = arith.constant 5 : i32
        %add3A_503 = arith.addi %mul3A_182, %add3A_502 : i32
        %get3A_504 = arith.index_cast %add3A_503 : i32 to index
        %get3A_505 = arith.constant 0 : index
        %get3A_506 = tpu.vector_load %arg13[%get3A_504, %get3A_505] {strides = array<i32>} : memref<256x128xf32, #tpu.memory_space<vmem>>, vector<16xf32>,
        %mul3A_507 = arith.mulf %get3A_506, %get3A_152 : vector<16xf32>
        %add3A_508 = arith.constant 5 : i32
        %add3A_509 = arith.addi %mul3A_182, %add3A_508 : i32
        %get3A_510 = arith.index_cast %add3A_509 : i32 to index
        %get3A_511 = arith.constant 16 : index
        %get3A_512 = tpu.vector_load %arg13[%get3A_510, %get3A_511] {strides = array<i32>} : memref<256x128xf32, #tpu.memory_space<vmem>>, vector<16xf32>,
        %mul3A_513 = arith.mulf %get3A_512, %get3A_155 : vector<16xf32>
        %add3A_514 = arith.constant 5 : i32
        %add3A_515 = arith.addi %mul3A_182, %add3A_514 : i32
        %get3A_516 = arith.index_cast %add3A_515 : i32 to index
        %get3A_517 = arith.constant 32 : index
        %get3A_518 = tpu.vector_load %arg13[%get3A_516, %get3A_517] {strides = array<i32>} : memref<256x128xf32, #tpu.memory_space<vmem>>, vector<16xf32>,
        %mul3A_519 = arith.mulf %get3A_518, %get3A_158 : vector<16xf32>
        %add3A_520 = arith.constant 5 : i32
        %add3A_521 = arith.addi %mul3A_182, %add3A_520 : i32
        %get3A_522 = arith.index_cast %add3A_521 : i32 to index
        %get3A_523 = arith.constant 48 : index
        %get3A_524 = tpu.vector_load %arg13[%get3A_522, %get3A_523] {strides = array<i32>} : memref<256x128xf32, #tpu.memory_space<vmem>>, vector<16xf32>,
        %mul3A_525 = arith.mulf %get3A_524, %get3A_161 : vector<16xf32>
        %add3A_526 = arith.constant 5 : i32
        %add3A_527 = arith.addi %mul3A_182, %add3A_526 : i32
        %get3A_528 = arith.index_cast %add3A_527 : i32 to index
        %get3A_529 = arith.constant 64 : index
        %get3A_530 = tpu.vector_load %arg13[%get3A_528, %get3A_529] {strides = array<i32>} : memref<256x128xf32, #tpu.memory_space<vmem>>, vector<16xf32>,
        %mul3A_531 = arith.mulf %get3A_530, %get3A_164 : vector<16xf32>
        %add3A_532 = arith.constant 5 : i32
        %add3A_533 = arith.addi %mul3A_182, %add3A_532 : i32
        %get3A_534 = arith.index_cast %add3A_533 : i32 to index
        %get3A_535 = arith.constant 80 : index
        %get3A_536 = tpu.vector_load %arg13[%get3A_534, %get3A_535] {strides = array<i32>} : memref<256x128xf32, #tpu.memory_space<vmem>>, vector<16xf32>,
        %mul3A_537 = arith.mulf %get3A_536, %get3A_167 : vector<16xf32>
        %add3A_538 = arith.constant 5 : i32
        %add3A_539 = arith.addi %mul3A_182, %add3A_538 : i32
        %get3A_540 = arith.index_cast %add3A_539 : i32 to index
        %get3A_541 = arith.constant 96 : index
        %get3A_542 = tpu.vector_load %arg13[%get3A_540, %get3A_541] {strides = array<i32>} : memref<256x128xf32, #tpu.memory_space<vmem>>, vector<16xf32>,
        %mul3A_543 = arith.mulf %get3A_542, %get3A_170 : vector<16xf32>
        %add3A_544 = arith.constant 5 : i32
        %add3A_545 = arith.addi %mul3A_182, %add3A_544 : i32
        %get3A_546 = arith.index_cast %add3A_545 : i32 to index
        %get3A_547 = arith.constant 112 : index
        %get3A_548 = tpu.vector_load %arg13[%get3A_546, %get3A_547] {strides = array<i32>} : memref<256x128xf32, #tpu.memory_space<vmem>>, vector<16xf32>,
        %mul3A_549 = arith.mulf %get3A_548, %get3A_173 : vector<16xf32>
        %add3A_550 = arith.addf %mul3A_507, %mul3A_513 : vector<16xf32>
        %add3A_551 = arith.addf %mul3A_519, %mul3A_525 : vector<16xf32>
        %add3A_552 = arith.addf %mul3A_531, %mul3A_537 : vector<16xf32>
        %add3A_553 = arith.addf %mul3A_543, %mul3A_549 : vector<16xf32>
        %add3A_554 = arith.addf %add3A_550, %add3A_551 : vector<16xf32>
        %add3A_555 = arith.addf %add3A_552, %add3A_553 : vector<16xf32>
        %add3A_556 = arith.addf %add3A_554, %add3A_555 : vector<16xf32>
        %eq3A_557 = arith.constant 5 : i32
        %eq3A_558 = vector.broadcast %eq3A_557 : i32 to vector<16xi32>
        %eq3A_559 = arith.cmpi eq, %iota3A, %eq3A_558 : vector<16xi32>
        %reduce_sum3A_560 = arith.constant true
        %reduce_sum3A_561 = vector.broadcast %reduce_sum3A_560 : i1 to vector<16xi1>
        %reduce_sum3A_562 = tpu.scan <sum>, %add3A_556 masked %reduce_sum3A_561 : vector<16xf32>, vector<16xi1> -> vector<16xf32>
        %reduce_sum3A_563 = vector.extract %reduce_sum3A_562[15] : f32 from vector<16xf32>
        %broadcast_in_dim3A_564 = vector.broadcast %reduce_sum3A_563 : f32 to vector<16xf32>
        %select_n3A_565 = arith.select %eq3A_559, %broadcast_in_dim3A_564, %select_n3A_501 : vector<16xi1>, vector<16xf32>
        %add3A_566 = arith.constant 6 : i32
        %add3A_567 = arith.addi %mul3A_182, %add3A_566 : i32
        %get3A_568 = arith.index_cast %add3A_567 : i32 to index
        %get3A_569 = arith.constant 0 : index
        %get3A_570 = tpu.vector_load %arg13[%get3A_568, %get3A_569] {strides = array<i32>} : memref<256x128xf32, #tpu.memory_space<vmem>>, vector<16xf32>,
        %mul3A_571 = arith.mulf %get3A_570, %get3A_152 : vector<16xf32>
        %add3A_572 = arith.constant 6 : i32
        %add3A_573 = arith.addi %mul3A_182, %add3A_572 : i32
        %get3A_574 = arith.index_cast %add3A_573 : i32 to index
        %get3A_575 = arith.constant 16 : index
        %get3A_576 = tpu.vector_load %arg13[%get3A_574, %get3A_575] {strides = array<i32>} : memref<256x128xf32, #tpu.memory_space<vmem>>, vector<16xf32>,
        %mul3A_577 = arith.mulf %get3A_576, %get3A_155 : vector<16xf32>
        %add3A_578 = arith.constant 6 : i32
        %add3A_579 = arith.addi %mul3A_182, %add3A_578 : i32
        %get3A_580 = arith.index_cast %add3A_579 : i32 to index
        %get3A_581 = arith.constant 32 : index
        %get3A_582 = tpu.vector_load %arg13[%get3A_580, %get3A_581] {strides = array<i32>} : memref<256x128xf32, #tpu.memory_space<vmem>>, vector<16xf32>,
        %mul3A_583 = arith.mulf %get3A_582, %get3A_158 : vector<16xf32>
        %add3A_584 = arith.constant 6 : i32
        %add3A_585 = arith.addi %mul3A_182, %add3A_584 : i32
        %get3A_586 = arith.index_cast %add3A_585 : i32 to index
        %get3A_587 = arith.constant 48 : index
        %get3A_588 = tpu.vector_load %arg13[%get3A_586, %get3A_587] {strides = array<i32>} : memref<256x128xf32, #tpu.memory_space<vmem>>, vector<16xf32>,
        %mul3A_589 = arith.mulf %get3A_588, %get3A_161 : vector<16xf32>
        %add3A_590 = arith.constant 6 : i32
        %add3A_591 = arith.addi %mul3A_182, %add3A_590 : i32
        %get3A_592 = arith.index_cast %add3A_591 : i32 to index
        %get3A_593 = arith.constant 64 : index
        %get3A_594 = tpu.vector_load %arg13[%get3A_592, %get3A_593] {strides = array<i32>} : memref<256x128xf32, #tpu.memory_space<vmem>>, vector<16xf32>,
        %mul3A_595 = arith.mulf %get3A_594, %get3A_164 : vector<16xf32>
        %add3A_596 = arith.constant 6 : i32
        %add3A_597 = arith.addi %mul3A_182, %add3A_596 : i32
        %get3A_598 = arith.index_cast %add3A_597 : i32 to index
        %get3A_599 = arith.constant 80 : index
        %get3A_600 = tpu.vector_load %arg13[%get3A_598, %get3A_599] {strides = array<i32>} : memref<256x128xf32, #tpu.memory_space<vmem>>, vector<16xf32>,
        %mul3A_601 = arith.mulf %get3A_600, %get3A_167 : vector<16xf32>
        %add3A_602 = arith.constant 6 : i32
        %add3A_603 = arith.addi %mul3A_182, %add3A_602 : i32
        %get3A_604 = arith.index_cast %add3A_603 : i32 to index
        %get3A_605 = arith.constant 96 : index
        %get3A_606 = tpu.vector_load %arg13[%get3A_604, %get3A_605] {strides = array<i32>} : memref<256x128xf32, #tpu.memory_space<vmem>>, vector<16xf32>,
        %mul3A_607 = arith.mulf %get3A_606, %get3A_170 : vector<16xf32>
        %add3A_608 = arith.constant 6 : i32
        %add3A_609 = arith.addi %mul3A_182, %add3A_608 : i32
        %get3A_610 = arith.index_cast %add3A_609 : i32 to index
        %get3A_611 = arith.constant 112 : index
        %get3A_612 = tpu.vector_load %arg13[%get3A_610, %get3A_611] {strides = array<i32>} : memref<256x128xf32, #tpu.memory_space<vmem>>, vector<16xf32>,
        %mul3A_613 = arith.mulf %get3A_612, %get3A_173 : vector<16xf32>
        %add3A_614 = arith.addf %mul3A_571, %mul3A_577 : vector<16xf32>
        %add3A_615 = arith.addf %mul3A_583, %mul3A_589 : vector<16xf32>
        %add3A_616 = arith.addf %mul3A_595, %mul3A_601 : vector<16xf32>
        %add3A_617 = arith.addf %mul3A_607, %mul3A_613 : vector<16xf32>
        %add3A_618 = arith.addf %add3A_614, %add3A_615 : vector<16xf32>
        %add3A_619 = arith.addf %add3A_616, %add3A_617 : vector<16xf32>
        %add3A_620 = arith.addf %add3A_618, %add3A_619 : vector<16xf32>
        %eq3A_621 = arith.constant 6 : i32
        %eq3A_622 = vector.broadcast %eq3A_621 : i32 to vector<16xi32>
        %eq3A_623 = arith.cmpi eq, %iota3A, %eq3A_622 : vector<16xi32>
        %reduce_sum3A_624 = arith.constant true
        %reduce_sum3A_625 = vector.broadcast %reduce_sum3A_624 : i1 to vector<16xi1>
        %reduce_sum3A_626 = tpu.scan <sum>, %add3A_620 masked %reduce_sum3A_625 : vector<16xf32>, vector<16xi1> -> vector<16xf32>
        %reduce_sum3A_627 = vector.extract %reduce_sum3A_626[15] : f32 from vector<16xf32>
        %broadcast_in_dim3A_628 = vector.broadcast %reduce_sum3A_627 : f32 to vector<16xf32>
        %select_n3A_629 = arith.select %eq3A_623, %broadcast_in_dim3A_628, %select_n3A_565 : vector<16xi1>, vector<16xf32>
        %add3A_630 = arith.constant 7 : i32
        %add3A_631 = arith.addi %mul3A_182, %add3A_630 : i32
        %get3A_632 = arith.index_cast %add3A_631 : i32 to index
        %get3A_633 = arith.constant 0 : index
        %get3A_634 = tpu.vector_load %arg13[%get3A_632, %get3A_633] {strides = array<i32>} : memref<256x128xf32, #tpu.memory_space<vmem>>, vector<16xf32>,
        %mul3A_635 = arith.mulf %get3A_634, %get3A_152 : vector<16xf32>
        %add3A_636 = arith.constant 7 : i32
        %add3A_637 = arith.addi %mul3A_182, %add3A_636 : i32
        %get3A_638 = arith.index_cast %add3A_637 : i32 to index
        %get3A_639 = arith.constant 16 : index
        %get3A_640 = tpu.vector_load %arg13[%get3A_638, %get3A_639] {strides = array<i32>} : memref<256x128xf32, #tpu.memory_space<vmem>>, vector<16xf32>,
        %mul3A_641 = arith.mulf %get3A_640, %get3A_155 : vector<16xf32>
        %add3A_642 = arith.constant 7 : i32
        %add3A_643 = arith.addi %mul3A_182, %add3A_642 : i32
        %get3A_644 = arith.index_cast %add3A_643 : i32 to index
        %get3A_645 = arith.constant 32 : index
        %get3A_646 = tpu.vector_load %arg13[%get3A_644, %get3A_645] {strides = array<i32>} : memref<256x128xf32, #tpu.memory_space<vmem>>, vector<16xf32>,
        %mul3A_647 = arith.mulf %get3A_646, %get3A_158 : vector<16xf32>
        %add3A_648 = arith.constant 7 : i32
        %add3A_649 = arith.addi %mul3A_182, %add3A_648 : i32
        %get3A_650 = arith.index_cast %add3A_649 : i32 to index
        %get3A_651 = arith.constant 48 : index
        %get3A_652 = tpu.vector_load %arg13[%get3A_650, %get3A_651] {strides = array<i32>} : memref<256x128xf32, #tpu.memory_space<vmem>>, vector<16xf32>,
        %mul3A_653 = arith.mulf %get3A_652, %get3A_161 : vector<16xf32>
        %add3A_654 = arith.constant 7 : i32
        %add3A_655 = arith.addi %mul3A_182, %add3A_654 : i32
        %get3A_656 = arith.index_cast %add3A_655 : i32 to index
        %get3A_657 = arith.constant 64 : index
        %get3A_658 = tpu.vector_load %arg13[%get3A_656, %get3A_657] {strides = array<i32>} : memref<256x128xf32, #tpu.memory_space<vmem>>, vector<16xf32>,
        %mul3A_659 = arith.mulf %get3A_658, %get3A_164 : vector<16xf32>
        %add3A_660 = arith.constant 7 : i32
        %add3A_661 = arith.addi %mul3A_182, %add3A_660 : i32
        %get3A_662 = arith.index_cast %add3A_661 : i32 to index
        %get3A_663 = arith.constant 80 : index
        %get3A_664 = tpu.vector_load %arg13[%get3A_662, %get3A_663] {strides = array<i32>} : memref<256x128xf32, #tpu.memory_space<vmem>>, vector<16xf32>,
        %mul3A_665 = arith.mulf %get3A_664, %get3A_167 : vector<16xf32>
        %add3A_666 = arith.constant 7 : i32
        %add3A_667 = arith.addi %mul3A_182, %add3A_666 : i32
        %get3A_668 = arith.index_cast %add3A_667 : i32 to index
        %get3A_669 = arith.constant 96 : index
        %get3A_670 = tpu.vector_load %arg13[%get3A_668, %get3A_669] {strides = array<i32>} : memref<256x128xf32, #tpu.memory_space<vmem>>, vector<16xf32>,
        %mul3A_671 = arith.mulf %get3A_670, %get3A_170 : vector<16xf32>
        %add3A_672 = arith.constant 7 : i32
        %add3A_673 = arith.addi %mul3A_182, %add3A_672 : i32
        %get3A_674 = arith.index_cast %add3A_673 : i32 to index
        %get3A_675 = arith.constant 112 : index
        %get3A_676 = tpu.vector_load %arg13[%get3A_674, %get3A_675] {strides = array<i32>} : memref<256x128xf32, #tpu.memory_space<vmem>>, vector<16xf32>,
        %mul3A_677 = arith.mulf %get3A_676, %get3A_173 : vector<16xf32>
        %add3A_678 = arith.addf %mul3A_635, %mul3A_641 : vector<16xf32>
        %add3A_679 = arith.addf %mul3A_647, %mul3A_653 : vector<16xf32>
        %add3A_680 = arith.addf %mul3A_659, %mul3A_665 : vector<16xf32>
        %add3A_681 = arith.addf %mul3A_671, %mul3A_677 : vector<16xf32>
        %add3A_682 = arith.addf %add3A_678, %add3A_679 : vector<16xf32>
        %add3A_683 = arith.addf %add3A_680, %add3A_681 : vector<16xf32>
        %add3A_684 = arith.addf %add3A_682, %add3A_683 : vector<16xf32>
        %eq3A_685 = arith.constant 7 : i32
        %eq3A_686 = vector.broadcast %eq3A_685 : i32 to vector<16xi32>
        %eq3A_687 = arith.cmpi eq, %iota3A, %eq3A_686 : vector<16xi32>
        %reduce_sum3A_688 = arith.constant true
        %reduce_sum3A_689 = vector.broadcast %reduce_sum3A_688 : i1 to vector<16xi1>
        %reduce_sum3A_690 = tpu.scan <sum>, %add3A_684 masked %reduce_sum3A_689 : vector<16xf32>, vector<16xi1> -> vector<16xf32>
        %reduce_sum3A_691 = vector.extract %reduce_sum3A_690[15] : f32 from vector<16xf32>
        %broadcast_in_dim3A_692 = vector.broadcast %reduce_sum3A_691 : f32 to vector<16xf32>
        %select_n3A_693 = arith.select %eq3A_687, %broadcast_in_dim3A_692, %select_n3A_629 : vector<16xi1>, vector<16xf32>
        %add3A_694 = arith.constant 8 : i32
        %add3A_695 = arith.addi %mul3A_182, %add3A_694 : i32
        %get3A_696 = arith.index_cast %add3A_695 : i32 to index
        %get3A_697 = arith.constant 0 : index
        %get3A_698 = tpu.vector_load %arg13[%get3A_696, %get3A_697] {strides = array<i32>} : memref<256x128xf32, #tpu.memory_space<vmem>>, vector<16xf32>,
        %mul3A_699 = arith.mulf %get3A_698, %get3A_152 : vector<16xf32>
        %add3A_700 = arith.constant 8 : i32
        %add3A_701 = arith.addi %mul3A_182, %add3A_700 : i32
        %get3A_702 = arith.index_cast %add3A_701 : i32 to index
        %get3A_703 = arith.constant 16 : index
        %get3A_704 = tpu.vector_load %arg13[%get3A_702, %get3A_703] {strides = array<i32>} : memref<256x128xf32, #tpu.memory_space<vmem>>, vector<16xf32>,
        %mul3A_705 = arith.mulf %get3A_704, %get3A_155 : vector<16xf32>
        %add3A_706 = arith.constant 8 : i32
        %add3A_707 = arith.addi %mul3A_182, %add3A_706 : i32
        %get3A_708 = arith.index_cast %add3A_707 : i32 to index
        %get3A_709 = arith.constant 32 : index
        %get3A_710 = tpu.vector_load %arg13[%get3A_708, %get3A_709] {strides = array<i32>} : memref<256x128xf32, #tpu.memory_space<vmem>>, vector<16xf32>,
        %mul3A_711 = arith.mulf %get3A_710, %get3A_158 : vector<16xf32>
        %add3A_712 = arith.constant 8 : i32
        %add3A_713 = arith.addi %mul3A_182, %add3A_712 : i32
        %get3A_714 = arith.index_cast %add3A_713 : i32 to index
        %get3A_715 = arith.constant 48 : index
        %get3A_716 = tpu.vector_load %arg13[%get3A_714, %get3A_715] {strides = array<i32>} : memref<256x128xf32, #tpu.memory_space<vmem>>, vector<16xf32>,
        %mul3A_717 = arith.mulf %get3A_716, %get3A_161 : vector<16xf32>
        %add3A_718 = arith.constant 8 : i32
        %add3A_719 = arith.addi %mul3A_182, %add3A_718 : i32
        %get3A_720 = arith.index_cast %add3A_719 : i32 to index
        %get3A_721 = arith.constant 64 : index
        %get3A_722 = tpu.vector_load %arg13[%get3A_720, %get3A_721] {strides = array<i32>} : memref<256x128xf32, #tpu.memory_space<vmem>>, vector<16xf32>,
        %mul3A_723 = arith.mulf %get3A_722, %get3A_164 : vector<16xf32>
        %add3A_724 = arith.constant 8 : i32
        %add3A_725 = arith.addi %mul3A_182, %add3A_724 : i32
        %get3A_726 = arith.index_cast %add3A_725 : i32 to index
        %get3A_727 = arith.constant 80 : index
        %get3A_728 = tpu.vector_load %arg13[%get3A_726, %get3A_727] {strides = array<i32>} : memref<256x128xf32, #tpu.memory_space<vmem>>, vector<16xf32>,
        %mul3A_729 = arith.mulf %get3A_728, %get3A_167 : vector<16xf32>
        %add3A_730 = arith.constant 8 : i32
        %add3A_731 = arith.addi %mul3A_182, %add3A_730 : i32
        %get3A_732 = arith.index_cast %add3A_731 : i32 to index
        %get3A_733 = arith.constant 96 : index
        %get3A_734 = tpu.vector_load %arg13[%get3A_732, %get3A_733] {strides = array<i32>} : memref<256x128xf32, #tpu.memory_space<vmem>>, vector<16xf32>,
        %mul3A_735 = arith.mulf %get3A_734, %get3A_170 : vector<16xf32>
        %add3A_736 = arith.constant 8 : i32
        %add3A_737 = arith.addi %mul3A_182, %add3A_736 : i32
        %get3A_738 = arith.index_cast %add3A_737 : i32 to index
        %get3A_739 = arith.constant 112 : index
        %get3A_740 = tpu.vector_load %arg13[%get3A_738, %get3A_739] {strides = array<i32>} : memref<256x128xf32, #tpu.memory_space<vmem>>, vector<16xf32>,
        %mul3A_741 = arith.mulf %get3A_740, %get3A_173 : vector<16xf32>
        %add3A_742 = arith.addf %mul3A_699, %mul3A_705 : vector<16xf32>
        %add3A_743 = arith.addf %mul3A_711, %mul3A_717 : vector<16xf32>
        %add3A_744 = arith.addf %mul3A_723, %mul3A_729 : vector<16xf32>
        %add3A_745 = arith.addf %mul3A_735, %mul3A_741 : vector<16xf32>
        %add3A_746 = arith.addf %add3A_742, %add3A_743 : vector<16xf32>
        %add3A_747 = arith.addf %add3A_744, %add3A_745 : vector<16xf32>
        %add3A_748 = arith.addf %add3A_746, %add3A_747 : vector<16xf32>
        %eq3A_749 = arith.constant 8 : i32
        %eq3A_750 = vector.broadcast %eq3A_749 : i32 to vector<16xi32>
        %eq3A_751 = arith.cmpi eq, %iota3A, %eq3A_750 : vector<16xi32>
        %reduce_sum3A_752 = arith.constant true
        %reduce_sum3A_753 = vector.broadcast %reduce_sum3A_752 : i1 to vector<16xi1>
        %reduce_sum3A_754 = tpu.scan <sum>, %add3A_748 masked %reduce_sum3A_753 : vector<16xf32>, vector<16xi1> -> vector<16xf32>
        %reduce_sum3A_755 = vector.extract %reduce_sum3A_754[15] : f32 from vector<16xf32>
        %broadcast_in_dim3A_756 = vector.broadcast %reduce_sum3A_755 : f32 to vector<16xf32>
        %select_n3A_757 = arith.select %eq3A_751, %broadcast_in_dim3A_756, %select_n3A_693 : vector<16xi1>, vector<16xf32>
        %add3A_758 = arith.constant 9 : i32
        %add3A_759 = arith.addi %mul3A_182, %add3A_758 : i32
        %get3A_760 = arith.index_cast %add3A_759 : i32 to index
        %get3A_761 = arith.constant 0 : index
        %get3A_762 = tpu.vector_load %arg13[%get3A_760, %get3A_761] {strides = array<i32>} : memref<256x128xf32, #tpu.memory_space<vmem>>, vector<16xf32>,
        %mul3A_763 = arith.mulf %get3A_762, %get3A_152 : vector<16xf32>
        %add3A_764 = arith.constant 9 : i32
        %add3A_765 = arith.addi %mul3A_182, %add3A_764 : i32
        %get3A_766 = arith.index_cast %add3A_765 : i32 to index
        %get3A_767 = arith.constant 16 : index
        %get3A_768 = tpu.vector_load %arg13[%get3A_766, %get3A_767] {strides = array<i32>} : memref<256x128xf32, #tpu.memory_space<vmem>>, vector<16xf32>,
        %mul3A_769 = arith.mulf %get3A_768, %get3A_155 : vector<16xf32>
        %add3A_770 = arith.constant 9 : i32
        %add3A_771 = arith.addi %mul3A_182, %add3A_770 : i32
        %get3A_772 = arith.index_cast %add3A_771 : i32 to index
        %get3A_773 = arith.constant 32 : index
        %get3A_774 = tpu.vector_load %arg13[%get3A_772, %get3A_773] {strides = array<i32>} : memref<256x128xf32, #tpu.memory_space<vmem>>, vector<16xf32>,
        %mul3A_775 = arith.mulf %get3A_774, %get3A_158 : vector<16xf32>
        %add3A_776 = arith.constant 9 : i32
        %add3A_777 = arith.addi %mul3A_182, %add3A_776 : i32
        %get3A_778 = arith.index_cast %add3A_777 : i32 to index
        %get3A_779 = arith.constant 48 : index
        %get3A_780 = tpu.vector_load %arg13[%get3A_778, %get3A_779] {strides = array<i32>} : memref<256x128xf32, #tpu.memory_space<vmem>>, vector<16xf32>,
        %mul3A_781 = arith.mulf %get3A_780, %get3A_161 : vector<16xf32>
        %add3A_782 = arith.constant 9 : i32
        %add3A_783 = arith.addi %mul3A_182, %add3A_782 : i32
        %get3A_784 = arith.index_cast %add3A_783 : i32 to index
        %get3A_785 = arith.constant 64 : index
        %get3A_786 = tpu.vector_load %arg13[%get3A_784, %get3A_785] {strides = array<i32>} : memref<256x128xf32, #tpu.memory_space<vmem>>, vector<16xf32>,
        %mul3A_787 = arith.mulf %get3A_786, %get3A_164 : vector<16xf32>
        %add3A_788 = arith.constant 9 : i32
        %add3A_789 = arith.addi %mul3A_182, %add3A_788 : i32
        %get3A_790 = arith.index_cast %add3A_789 : i32 to index
        %get3A_791 = arith.constant 80 : index
        %get3A_792 = tpu.vector_load %arg13[%get3A_790, %get3A_791] {strides = array<i32>} : memref<256x128xf32, #tpu.memory_space<vmem>>, vector<16xf32>,
        %mul3A_793 = arith.mulf %get3A_792, %get3A_167 : vector<16xf32>
        %add3A_794 = arith.constant 9 : i32
        %add3A_795 = arith.addi %mul3A_182, %add3A_794 : i32
        %get3A_796 = arith.index_cast %add3A_795 : i32 to index
        %get3A_797 = arith.constant 96 : index
        %get3A_798 = tpu.vector_load %arg13[%get3A_796, %get3A_797] {strides = array<i32>} : memref<256x128xf32, #tpu.memory_space<vmem>>, vector<16xf32>,
        %mul3A_799 = arith.mulf %get3A_798, %get3A_170 : vector<16xf32>
        %add3A_800 = arith.constant 9 : i32
        %add3A_801 = arith.addi %mul3A_182, %add3A_800 : i32
        %get3A_802 = arith.index_cast %add3A_801 : i32 to index
        %get3A_803 = arith.constant 112 : index
        %get3A_804 = tpu.vector_load %arg13[%get3A_802, %get3A_803] {strides = array<i32>} : memref<256x128xf32, #tpu.memory_space<vmem>>, vector<16xf32>,
        %mul3A_805 = arith.mulf %get3A_804, %get3A_173 : vector<16xf32>
        %add3A_806 = arith.addf %mul3A_763, %mul3A_769 : vector<16xf32>
        %add3A_807 = arith.addf %mul3A_775, %mul3A_781 : vector<16xf32>
        %add3A_808 = arith.addf %mul3A_787, %mul3A_793 : vector<16xf32>
        %add3A_809 = arith.addf %mul3A_799, %mul3A_805 : vector<16xf32>
        %add3A_810 = arith.addf %add3A_806, %add3A_807 : vector<16xf32>
        %add3A_811 = arith.addf %add3A_808, %add3A_809 : vector<16xf32>
        %add3A_812 = arith.addf %add3A_810, %add3A_811 : vector<16xf32>
        %eq3A_813 = arith.constant 9 : i32
        %eq3A_814 = vector.broadcast %eq3A_813 : i32 to vector<16xi32>
        %eq3A_815 = arith.cmpi eq, %iota3A, %eq3A_814 : vector<16xi32>
        %reduce_sum3A_816 = arith.constant true
        %reduce_sum3A_817 = vector.broadcast %reduce_sum3A_816 : i1 to vector<16xi1>
        %reduce_sum3A_818 = tpu.scan <sum>, %add3A_812 masked %reduce_sum3A_817 : vector<16xf32>, vector<16xi1> -> vector<16xf32>
        %reduce_sum3A_819 = vector.extract %reduce_sum3A_818[15] : f32 from vector<16xf32>
        %broadcast_in_dim3A_820 = vector.broadcast %reduce_sum3A_819 : f32 to vector<16xf32>
        %select_n3A_821 = arith.select %eq3A_815, %broadcast_in_dim3A_820, %select_n3A_757 : vector<16xi1>, vector<16xf32>
        %add3A_822 = arith.constant 10 : i32
        %add3A_823 = arith.addi %mul3A_182, %add3A_822 : i32
        %get3A_824 = arith.index_cast %add3A_823 : i32 to index
        %get3A_825 = arith.constant 0 : index
        %get3A_826 = tpu.vector_load %arg13[%get3A_824, %get3A_825] {strides = array<i32>} : memref<256x128xf32, #tpu.memory_space<vmem>>, vector<16xf32>,
        %mul3A_827 = arith.mulf %get3A_826, %get3A_152 : vector<16xf32>
        %add3A_828 = arith.constant 10 : i32
        %add3A_829 = arith.addi %mul3A_182, %add3A_828 : i32
        %get3A_830 = arith.index_cast %add3A_829 : i32 to index
        %get3A_831 = arith.constant 16 : index
        %get3A_832 = tpu.vector_load %arg13[%get3A_830, %get3A_831] {strides = array<i32>} : memref<256x128xf32, #tpu.memory_space<vmem>>, vector<16xf32>,
        %mul3A_833 = arith.mulf %get3A_832, %get3A_155 : vector<16xf32>
        %add3A_834 = arith.constant 10 : i32
        %add3A_835 = arith.addi %mul3A_182, %add3A_834 : i32
        %get3A_836 = arith.index_cast %add3A_835 : i32 to index
        %get3A_837 = arith.constant 32 : index
        %get3A_838 = tpu.vector_load %arg13[%get3A_836, %get3A_837] {strides = array<i32>} : memref<256x128xf32, #tpu.memory_space<vmem>>, vector<16xf32>,
        %mul3A_839 = arith.mulf %get3A_838, %get3A_158 : vector<16xf32>
        %add3A_840 = arith.constant 10 : i32
        %add3A_841 = arith.addi %mul3A_182, %add3A_840 : i32
        %get3A_842 = arith.index_cast %add3A_841 : i32 to index
        %get3A_843 = arith.constant 48 : index
        %get3A_844 = tpu.vector_load %arg13[%get3A_842, %get3A_843] {strides = array<i32>} : memref<256x128xf32, #tpu.memory_space<vmem>>, vector<16xf32>,
        %mul3A_845 = arith.mulf %get3A_844, %get3A_161 : vector<16xf32>
        %add3A_846 = arith.constant 10 : i32
        %add3A_847 = arith.addi %mul3A_182, %add3A_846 : i32
        %get3A_848 = arith.index_cast %add3A_847 : i32 to index
        %get3A_849 = arith.constant 64 : index
        %get3A_850 = tpu.vector_load %arg13[%get3A_848, %get3A_849] {strides = array<i32>} : memref<256x128xf32, #tpu.memory_space<vmem>>, vector<16xf32>,
        %mul3A_851 = arith.mulf %get3A_850, %get3A_164 : vector<16xf32>
        %add3A_852 = arith.constant 10 : i32
        %add3A_853 = arith.addi %mul3A_182, %add3A_852 : i32
        %get3A_854 = arith.index_cast %add3A_853 : i32 to index
        %get3A_855 = arith.constant 80 : index
        %get3A_856 = tpu.vector_load %arg13[%get3A_854, %get3A_855] {strides = array<i32>} : memref<256x128xf32, #tpu.memory_space<vmem>>, vector<16xf32>,
        %mul3A_857 = arith.mulf %get3A_856, %get3A_167 : vector<16xf32>
        %add3A_858 = arith.constant 10 : i32
        %add3A_859 = arith.addi %mul3A_182, %add3A_858 : i32
        %get3A_860 = arith.index_cast %add3A_859 : i32 to index
        %get3A_861 = arith.constant 96 : index
        %get3A_862 = tpu.vector_load %arg13[%get3A_860, %get3A_861] {strides = array<i32>} : memref<256x128xf32, #tpu.memory_space<vmem>>, vector<16xf32>,
        %mul3A_863 = arith.mulf %get3A_862, %get3A_170 : vector<16xf32>
        %add3A_864 = arith.constant 10 : i32
        %add3A_865 = arith.addi %mul3A_182, %add3A_864 : i32
        %get3A_866 = arith.index_cast %add3A_865 : i32 to index
        %get3A_867 = arith.constant 112 : index
        %get3A_868 = tpu.vector_load %arg13[%get3A_866, %get3A_867] {strides = array<i32>} : memref<256x128xf32, #tpu.memory_space<vmem>>, vector<16xf32>,
        %mul3A_869 = arith.mulf %get3A_868, %get3A_173 : vector<16xf32>
        %add3A_870 = arith.addf %mul3A_827, %mul3A_833 : vector<16xf32>
        %add3A_871 = arith.addf %mul3A_839, %mul3A_845 : vector<16xf32>
        %add3A_872 = arith.addf %mul3A_851, %mul3A_857 : vector<16xf32>
        %add3A_873 = arith.addf %mul3A_863, %mul3A_869 : vector<16xf32>
        %add3A_874 = arith.addf %add3A_870, %add3A_871 : vector<16xf32>
        %add3A_875 = arith.addf %add3A_872, %add3A_873 : vector<16xf32>
        %add3A_876 = arith.addf %add3A_874, %add3A_875 : vector<16xf32>
        %eq3A_877 = arith.constant 10 : i32
        %eq3A_878 = vector.broadcast %eq3A_877 : i32 to vector<16xi32>
        %eq3A_879 = arith.cmpi eq, %iota3A, %eq3A_878 : vector<16xi32>
        %reduce_sum3A_880 = arith.constant true
        %reduce_sum3A_881 = vector.broadcast %reduce_sum3A_880 : i1 to vector<16xi1>
        %reduce_sum3A_882 = tpu.scan <sum>, %add3A_876 masked %reduce_sum3A_881 : vector<16xf32>, vector<16xi1> -> vector<16xf32>
        %reduce_sum3A_883 = vector.extract %reduce_sum3A_882[15] : f32 from vector<16xf32>
        %broadcast_in_dim3A_884 = vector.broadcast %reduce_sum3A_883 : f32 to vector<16xf32>
        %select_n3A_885 = arith.select %eq3A_879, %broadcast_in_dim3A_884, %select_n3A_821 : vector<16xi1>, vector<16xf32>
        %add3A_886 = arith.constant 11 : i32
        %add3A_887 = arith.addi %mul3A_182, %add3A_886 : i32
        %get3A_888 = arith.index_cast %add3A_887 : i32 to index
        %get3A_889 = arith.constant 0 : index
        %get3A_890 = tpu.vector_load %arg13[%get3A_888, %get3A_889] {strides = array<i32>} : memref<256x128xf32, #tpu.memory_space<vmem>>, vector<16xf32>,
        %mul3A_891 = arith.mulf %get3A_890, %get3A_152 : vector<16xf32>
        %add3A_892 = arith.constant 11 : i32
        %add3A_893 = arith.addi %mul3A_182, %add3A_892 : i32
        %get3A_894 = arith.index_cast %add3A_893 : i32 to index
        %get3A_895 = arith.constant 16 : index
        %get3A_896 = tpu.vector_load %arg13[%get3A_894, %get3A_895] {strides = array<i32>} : memref<256x128xf32, #tpu.memory_space<vmem>>, vector<16xf32>,
        %mul3A_897 = arith.mulf %get3A_896, %get3A_155 : vector<16xf32>
        %add3A_898 = arith.constant 11 : i32
        %add3A_899 = arith.addi %mul3A_182, %add3A_898 : i32
        %get3A_900 = arith.index_cast %add3A_899 : i32 to index
        %get3A_901 = arith.constant 32 : index
        %get3A_902 = tpu.vector_load %arg13[%get3A_900, %get3A_901] {strides = array<i32>} : memref<256x128xf32, #tpu.memory_space<vmem>>, vector<16xf32>,
        %mul3A_903 = arith.mulf %get3A_902, %get3A_158 : vector<16xf32>
        %add3A_904 = arith.constant 11 : i32
        %add3A_905 = arith.addi %mul3A_182, %add3A_904 : i32
        %get3A_906 = arith.index_cast %add3A_905 : i32 to index
        %get3A_907 = arith.constant 48 : index
        %get3A_908 = tpu.vector_load %arg13[%get3A_906, %get3A_907] {strides = array<i32>} : memref<256x128xf32, #tpu.memory_space<vmem>>, vector<16xf32>,
        %mul3A_909 = arith.mulf %get3A_908, %get3A_161 : vector<16xf32>
        %add3A_910 = arith.constant 11 : i32
        %add3A_911 = arith.addi %mul3A_182, %add3A_910 : i32
        %get3A_912 = arith.index_cast %add3A_911 : i32 to index
        %get3A_913 = arith.constant 64 : index
        %get3A_914 = tpu.vector_load %arg13[%get3A_912, %get3A_913] {strides = array<i32>} : memref<256x128xf32, #tpu.memory_space<vmem>>, vector<16xf32>,
        %mul3A_915 = arith.mulf %get3A_914, %get3A_164 : vector<16xf32>
        %add3A_916 = arith.constant 11 : i32
        %add3A_917 = arith.addi %mul3A_182, %add3A_916 : i32
        %get3A_918 = arith.index_cast %add3A_917 : i32 to index
        %get3A_919 = arith.constant 80 : index
        %get3A_920 = tpu.vector_load %arg13[%get3A_918, %get3A_919] {strides = array<i32>} : memref<256x128xf32, #tpu.memory_space<vmem>>, vector<16xf32>,
        %mul3A_921 = arith.mulf %get3A_920, %get3A_167 : vector<16xf32>
        %add3A_922 = arith.constant 11 : i32
        %add3A_923 = arith.addi %mul3A_182, %add3A_922 : i32
        %get3A_924 = arith.index_cast %add3A_923 : i32 to index
        %get3A_925 = arith.constant 96 : index
        %get3A_926 = tpu.vector_load %arg13[%get3A_924, %get3A_925] {strides = array<i32>} : memref<256x128xf32, #tpu.memory_space<vmem>>, vector<16xf32>,
        %mul3A_927 = arith.mulf %get3A_926, %get3A_170 : vector<16xf32>
        %add3A_928 = arith.constant 11 : i32
        %add3A_929 = arith.addi %mul3A_182, %add3A_928 : i32
        %get3A_930 = arith.index_cast %add3A_929 : i32 to index
        %get3A_931 = arith.constant 112 : index
        %get3A_932 = tpu.vector_load %arg13[%get3A_930, %get3A_931] {strides = array<i32>} : memref<256x128xf32, #tpu.memory_space<vmem>>, vector<16xf32>,
        %mul3A_933 = arith.mulf %get3A_932, %get3A_173 : vector<16xf32>
        %add3A_934 = arith.addf %mul3A_891, %mul3A_897 : vector<16xf32>
        %add3A_935 = arith.addf %mul3A_903, %mul3A_909 : vector<16xf32>
        %add3A_936 = arith.addf %mul3A_915, %mul3A_921 : vector<16xf32>
        %add3A_937 = arith.addf %mul3A_927, %mul3A_933 : vector<16xf32>
        %add3A_938 = arith.addf %add3A_934, %add3A_935 : vector<16xf32>
        %add3A_939 = arith.addf %add3A_936, %add3A_937 : vector<16xf32>
        %add3A_940 = arith.addf %add3A_938, %add3A_939 : vector<16xf32>
        %eq3A_941 = arith.constant 11 : i32
        %eq3A_942 = vector.broadcast %eq3A_941 : i32 to vector<16xi32>
        %eq3A_943 = arith.cmpi eq, %iota3A, %eq3A_942 : vector<16xi32>
        %reduce_sum3A_944 = arith.constant true
        %reduce_sum3A_945 = vector.broadcast %reduce_sum3A_944 : i1 to vector<16xi1>
        %reduce_sum3A_946 = tpu.scan <sum>, %add3A_940 masked %reduce_sum3A_945 : vector<16xf32>, vector<16xi1> -> vector<16xf32>
        %reduce_sum3A_947 = vector.extract %reduce_sum3A_946[15] : f32 from vector<16xf32>
        %broadcast_in_dim3A_948 = vector.broadcast %reduce_sum3A_947 : f32 to vector<16xf32>
        %select_n3A_949 = arith.select %eq3A_943, %broadcast_in_dim3A_948, %select_n3A_885 : vector<16xi1>, vector<16xf32>
        %add3A_950 = arith.constant 12 : i32
        %add3A_951 = arith.addi %mul3A_182, %add3A_950 : i32
        %get3A_952 = arith.index_cast %add3A_951 : i32 to index
        %get3A_953 = arith.constant 0 : index
        %get3A_954 = tpu.vector_load %arg13[%get3A_952, %get3A_953] {strides = array<i32>} : memref<256x128xf32, #tpu.memory_space<vmem>>, vector<16xf32>,
        %mul3A_955 = arith.mulf %get3A_954, %get3A_152 : vector<16xf32>
        %add3A_956 = arith.constant 12 : i32
        %add3A_957 = arith.addi %mul3A_182, %add3A_956 : i32
        %get3A_958 = arith.index_cast %add3A_957 : i32 to index
        %get3A_959 = arith.constant 16 : index
        %get3A_960 = tpu.vector_load %arg13[%get3A_958, %get3A_959] {strides = array<i32>} : memref<256x128xf32, #tpu.memory_space<vmem>>, vector<16xf32>,
        %mul3A_961 = arith.mulf %get3A_960, %get3A_155 : vector<16xf32>
        %add3A_962 = arith.constant 12 : i32
        %add3A_963 = arith.addi %mul3A_182, %add3A_962 : i32
        %get3A_964 = arith.index_cast %add3A_963 : i32 to index
        %get3A_965 = arith.constant 32 : index
        %get3A_966 = tpu.vector_load %arg13[%get3A_964, %get3A_965] {strides = array<i32>} : memref<256x128xf32, #tpu.memory_space<vmem>>, vector<16xf32>,
        %mul3A_967 = arith.mulf %get3A_966, %get3A_158 : vector<16xf32>
        %add3A_968 = arith.constant 12 : i32
        %add3A_969 = arith.addi %mul3A_182, %add3A_968 : i32
        %get3A_970 = arith.index_cast %add3A_969 : i32 to index
        %get3A_971 = arith.constant 48 : index
        %get3A_972 = tpu.vector_load %arg13[%get3A_970, %get3A_971] {strides = array<i32>} : memref<256x128xf32, #tpu.memory_space<vmem>>, vector<16xf32>,
        %mul3A_973 = arith.mulf %get3A_972, %get3A_161 : vector<16xf32>
        %add3A_974 = arith.constant 12 : i32
        %add3A_975 = arith.addi %mul3A_182, %add3A_974 : i32
        %get3A_976 = arith.index_cast %add3A_975 : i32 to index
        %get3A_977 = arith.constant 64 : index
        %get3A_978 = tpu.vector_load %arg13[%get3A_976, %get3A_977] {strides = array<i32>} : memref<256x128xf32, #tpu.memory_space<vmem>>, vector<16xf32>,
        %mul3A_979 = arith.mulf %get3A_978, %get3A_164 : vector<16xf32>
        %add3A_980 = arith.constant 12 : i32
        %add3A_981 = arith.addi %mul3A_182, %add3A_980 : i32
        %get3A_982 = arith.index_cast %add3A_981 : i32 to index
        %get3A_983 = arith.constant 80 : index
        %get3A_984 = tpu.vector_load %arg13[%get3A_982, %get3A_983] {strides = array<i32>} : memref<256x128xf32, #tpu.memory_space<vmem>>, vector<16xf32>,
        %mul3A_985 = arith.mulf %get3A_984, %get3A_167 : vector<16xf32>
        %add3A_986 = arith.constant 12 : i32
        %add3A_987 = arith.addi %mul3A_182, %add3A_986 : i32
        %get3A_988 = arith.index_cast %add3A_987 : i32 to index
        %get3A_989 = arith.constant 96 : index
        %get3A_990 = tpu.vector_load %arg13[%get3A_988, %get3A_989] {strides = array<i32>} : memref<256x128xf32, #tpu.memory_space<vmem>>, vector<16xf32>,
        %mul3A_991 = arith.mulf %get3A_990, %get3A_170 : vector<16xf32>
        %add3A_992 = arith.constant 12 : i32
        %add3A_993 = arith.addi %mul3A_182, %add3A_992 : i32
        %get3A_994 = arith.index_cast %add3A_993 : i32 to index
        %get3A_995 = arith.constant 112 : index
        %get3A_996 = tpu.vector_load %arg13[%get3A_994, %get3A_995] {strides = array<i32>} : memref<256x128xf32, #tpu.memory_space<vmem>>, vector<16xf32>,
        %mul3A_997 = arith.mulf %get3A_996, %get3A_173 : vector<16xf32>
        %add3A_998 = arith.addf %mul3A_955, %mul3A_961 : vector<16xf32>
        %add3A_999 = arith.addf %mul3A_967, %mul3A_973 : vector<16xf32>
        %add3A_1000 = arith.addf %mul3A_979, %mul3A_985 : vector<16xf32>
        %add3A_1001 = arith.addf %mul3A_991, %mul3A_997 : vector<16xf32>
        %add3A_1002 = arith.addf %add3A_998, %add3A_999 : vector<16xf32>
        %add3A_1003 = arith.addf %add3A_1000, %add3A_1001 : vector<16xf32>
        %add3A_1004 = arith.addf %add3A_1002, %add3A_1003 : vector<16xf32>
        %eq3A_1005 = arith.constant 12 : i32
        %eq3A_1006 = vector.broadcast %eq3A_1005 : i32 to vector<16xi32>
        %eq3A_1007 = arith.cmpi eq, %iota3A, %eq3A_1006 : vector<16xi32>
        %reduce_sum3A_1008 = arith.constant true
        %reduce_sum3A_1009 = vector.broadcast %reduce_sum3A_1008 : i1 to vector<16xi1>
        %reduce_sum3A_1010 = tpu.scan <sum>, %add3A_1004 masked %reduce_sum3A_1009 : vector<16xf32>, vector<16xi1> -> vector<16xf32>
        %reduce_sum3A_1011 = vector.extract %reduce_sum3A_1010[15] : f32 from vector<16xf32>
        %broadcast_in_dim3A_1012 = vector.broadcast %reduce_sum3A_1011 : f32 to vector<16xf32>
        %select_n3A_1013 = arith.select %eq3A_1007, %broadcast_in_dim3A_1012, %select_n3A_949 : vector<16xi1>, vector<16xf32>
        %add3A_1014 = arith.constant 13 : i32
        %add3A_1015 = arith.addi %mul3A_182, %add3A_1014 : i32
        %get3A_1016 = arith.index_cast %add3A_1015 : i32 to index
        %get3A_1017 = arith.constant 0 : index
        %get3A_1018 = tpu.vector_load %arg13[%get3A_1016, %get3A_1017] {strides = array<i32>} : memref<256x128xf32, #tpu.memory_space<vmem>>, vector<16xf32>,
        %mul3A_1019 = arith.mulf %get3A_1018, %get3A_152 : vector<16xf32>
        %add3A_1020 = arith.constant 13 : i32
        %add3A_1021 = arith.addi %mul3A_182, %add3A_1020 : i32
        %get3A_1022 = arith.index_cast %add3A_1021 : i32 to index
        %get3A_1023 = arith.constant 16 : index
        %get3A_1024 = tpu.vector_load %arg13[%get3A_1022, %get3A_1023] {strides = array<i32>} : memref<256x128xf32, #tpu.memory_space<vmem>>, vector<16xf32>,
        %mul3A_1025 = arith.mulf %get3A_1024, %get3A_155 : vector<16xf32>
        %add3A_1026 = arith.constant 13 : i32
        %add3A_1027 = arith.addi %mul3A_182, %add3A_1026 : i32
        %get3A_1028 = arith.index_cast %add3A_1027 : i32 to index
        %get3A_1029 = arith.constant 32 : index
        %get3A_1030 = tpu.vector_load %arg13[%get3A_1028, %get3A_1029] {strides = array<i32>} : memref<256x128xf32, #tpu.memory_space<vmem>>, vector<16xf32>,
        %mul3A_1031 = arith.mulf %get3A_1030, %get3A_158 : vector<16xf32>
        %add3A_1032 = arith.constant 13 : i32
        %add3A_1033 = arith.addi %mul3A_182, %add3A_1032 : i32
        %get3A_1034 = arith.index_cast %add3A_1033 : i32 to index
        %get3A_1035 = arith.constant 48 : index
        %get3A_1036 = tpu.vector_load %arg13[%get3A_1034, %get3A_1035] {strides = array<i32>} : memref<256x128xf32, #tpu.memory_space<vmem>>, vector<16xf32>,
        %mul3A_1037 = arith.mulf %get3A_1036, %get3A_161 : vector<16xf32>
        %add3A_1038 = arith.constant 13 : i32
        %add3A_1039 = arith.addi %mul3A_182, %add3A_1038 : i32
        %get3A_1040 = arith.index_cast %add3A_1039 : i32 to index
        %get3A_1041 = arith.constant 64 : index
        %get3A_1042 = tpu.vector_load %arg13[%get3A_1040, %get3A_1041] {strides = array<i32>} : memref<256x128xf32, #tpu.memory_space<vmem>>, vector<16xf32>,
        %mul3A_1043 = arith.mulf %get3A_1042, %get3A_164 : vector<16xf32>
        %add3A_1044 = arith.constant 13 : i32
        %add3A_1045 = arith.addi %mul3A_182, %add3A_1044 : i32
        %get3A_1046 = arith.index_cast %add3A_1045 : i32 to index
        %get3A_1047 = arith.constant 80 : index
        %get3A_1048 = tpu.vector_load %arg13[%get3A_1046, %get3A_1047] {strides = array<i32>} : memref<256x128xf32, #tpu.memory_space<vmem>>, vector<16xf32>,
        %mul3A_1049 = arith.mulf %get3A_1048, %get3A_167 : vector<16xf32>
        %add3A_1050 = arith.constant 13 : i32
        %add3A_1051 = arith.addi %mul3A_182, %add3A_1050 : i32
        %get3A_1052 = arith.index_cast %add3A_1051 : i32 to index
        %get3A_1053 = arith.constant 96 : index
        %get3A_1054 = tpu.vector_load %arg13[%get3A_1052, %get3A_1053] {strides = array<i32>} : memref<256x128xf32, #tpu.memory_space<vmem>>, vector<16xf32>,
        %mul3A_1055 = arith.mulf %get3A_1054, %get3A_170 : vector<16xf32>
        %add3A_1056 = arith.constant 13 : i32
        %add3A_1057 = arith.addi %mul3A_182, %add3A_1056 : i32
        %get3A_1058 = arith.index_cast %add3A_1057 : i32 to index
        %get3A_1059 = arith.constant 112 : index
        %get3A_1060 = tpu.vector_load %arg13[%get3A_1058, %get3A_1059] {strides = array<i32>} : memref<256x128xf32, #tpu.memory_space<vmem>>, vector<16xf32>,
        %mul3A_1061 = arith.mulf %get3A_1060, %get3A_173 : vector<16xf32>
        %add3A_1062 = arith.addf %mul3A_1019, %mul3A_1025 : vector<16xf32>
        %add3A_1063 = arith.addf %mul3A_1031, %mul3A_1037 : vector<16xf32>
        %add3A_1064 = arith.addf %mul3A_1043, %mul3A_1049 : vector<16xf32>
        %add3A_1065 = arith.addf %mul3A_1055, %mul3A_1061 : vector<16xf32>
        %add3A_1066 = arith.addf %add3A_1062, %add3A_1063 : vector<16xf32>
        %add3A_1067 = arith.addf %add3A_1064, %add3A_1065 : vector<16xf32>
        %add3A_1068 = arith.addf %add3A_1066, %add3A_1067 : vector<16xf32>
        %eq3A_1069 = arith.constant 13 : i32
        %eq3A_1070 = vector.broadcast %eq3A_1069 : i32 to vector<16xi32>
        %eq3A_1071 = arith.cmpi eq, %iota3A, %eq3A_1070 : vector<16xi32>
        %reduce_sum3A_1072 = arith.constant true
        %reduce_sum3A_1073 = vector.broadcast %reduce_sum3A_1072 : i1 to vector<16xi1>
        %reduce_sum3A_1074 = tpu.scan <sum>, %add3A_1068 masked %reduce_sum3A_1073 : vector<16xf32>, vector<16xi1> -> vector<16xf32>
        %reduce_sum3A_1075 = vector.extract %reduce_sum3A_1074[15] : f32 from vector<16xf32>
        %broadcast_in_dim3A_1076 = vector.broadcast %reduce_sum3A_1075 : f32 to vector<16xf32>
        %select_n3A_1077 = arith.select %eq3A_1071, %broadcast_in_dim3A_1076, %select_n3A_1013 : vector<16xi1>, vector<16xf32>
        %add3A_1078 = arith.constant 14 : i32
        %add3A_1079 = arith.addi %mul3A_182, %add3A_1078 : i32
        %get3A_1080 = arith.index_cast %add3A_1079 : i32 to index
        %get3A_1081 = arith.constant 0 : index
        %get3A_1082 = tpu.vector_load %arg13[%get3A_1080, %get3A_1081] {strides = array<i32>} : memref<256x128xf32, #tpu.memory_space<vmem>>, vector<16xf32>,
        %mul3A_1083 = arith.mulf %get3A_1082, %get3A_152 : vector<16xf32>
        %add3A_1084 = arith.constant 14 : i32
        %add3A_1085 = arith.addi %mul3A_182, %add3A_1084 : i32
        %get3A_1086 = arith.index_cast %add3A_1085 : i32 to index
        %get3A_1087 = arith.constant 16 : index
        %get3A_1088 = tpu.vector_load %arg13[%get3A_1086, %get3A_1087] {strides = array<i32>} : memref<256x128xf32, #tpu.memory_space<vmem>>, vector<16xf32>,
        %mul3A_1089 = arith.mulf %get3A_1088, %get3A_155 : vector<16xf32>
        %add3A_1090 = arith.constant 14 : i32
        %add3A_1091 = arith.addi %mul3A_182, %add3A_1090 : i32
        %get3A_1092 = arith.index_cast %add3A_1091 : i32 to index
        %get3A_1093 = arith.constant 32 : index
        %get3A_1094 = tpu.vector_load %arg13[%get3A_1092, %get3A_1093] {strides = array<i32>} : memref<256x128xf32, #tpu.memory_space<vmem>>, vector<16xf32>,
        %mul3A_1095 = arith.mulf %get3A_1094, %get3A_158 : vector<16xf32>
        %add3A_1096 = arith.constant 14 : i32
        %add3A_1097 = arith.addi %mul3A_182, %add3A_1096 : i32
        %get3A_1098 = arith.index_cast %add3A_1097 : i32 to index
        %get3A_1099 = arith.constant 48 : index
        %get3A_1100 = tpu.vector_load %arg13[%get3A_1098, %get3A_1099] {strides = array<i32>} : memref<256x128xf32, #tpu.memory_space<vmem>>, vector<16xf32>,
        %mul3A_1101 = arith.mulf %get3A_1100, %get3A_161 : vector<16xf32>
        %add3A_1102 = arith.constant 14 : i32
        %add3A_1103 = arith.addi %mul3A_182, %add3A_1102 : i32
        %get3A_1104 = arith.index_cast %add3A_1103 : i32 to index
        %get3A_1105 = arith.constant 64 : index
        %get3A_1106 = tpu.vector_load %arg13[%get3A_1104, %get3A_1105] {strides = array<i32>} : memref<256x128xf32, #tpu.memory_space<vmem>>, vector<16xf32>,
        %mul3A_1107 = arith.mulf %get3A_1106, %get3A_164 : vector<16xf32>
        %add3A_1108 = arith.constant 14 : i32
        %add3A_1109 = arith.addi %mul3A_182, %add3A_1108 : i32
        %get3A_1110 = arith.index_cast %add3A_1109 : i32 to index
        %get3A_1111 = arith.constant 80 : index
        %get3A_1112 = tpu.vector_load %arg13[%get3A_1110, %get3A_1111] {strides = array<i32>} : memref<256x128xf32, #tpu.memory_space<vmem>>, vector<16xf32>,
        %mul3A_1113 = arith.mulf %get3A_1112, %get3A_167 : vector<16xf32>
        %add3A_1114 = arith.constant 14 : i32
        %add3A_1115 = arith.addi %mul3A_182, %add3A_1114 : i32
        %get3A_1116 = arith.index_cast %add3A_1115 : i32 to index
        %get3A_1117 = arith.constant 96 : index
        %get3A_1118 = tpu.vector_load %arg13[%get3A_1116, %get3A_1117] {strides = array<i32>} : memref<256x128xf32, #tpu.memory_space<vmem>>, vector<16xf32>,
        %mul3A_1119 = arith.mulf %get3A_1118, %get3A_170 : vector<16xf32>
        %add3A_1120 = arith.constant 14 : i32
        %add3A_1121 = arith.addi %mul3A_182, %add3A_1120 : i32
        %get3A_1122 = arith.index_cast %add3A_1121 : i32 to index
        %get3A_1123 = arith.constant 112 : index
        %get3A_1124 = tpu.vector_load %arg13[%get3A_1122, %get3A_1123] {strides = array<i32>} : memref<256x128xf32, #tpu.memory_space<vmem>>, vector<16xf32>,
        %mul3A_1125 = arith.mulf %get3A_1124, %get3A_173 : vector<16xf32>
        %add3A_1126 = arith.addf %mul3A_1083, %mul3A_1089 : vector<16xf32>
        %add3A_1127 = arith.addf %mul3A_1095, %mul3A_1101 : vector<16xf32>
        %add3A_1128 = arith.addf %mul3A_1107, %mul3A_1113 : vector<16xf32>
        %add3A_1129 = arith.addf %mul3A_1119, %mul3A_1125 : vector<16xf32>
        %add3A_1130 = arith.addf %add3A_1126, %add3A_1127 : vector<16xf32>
        %add3A_1131 = arith.addf %add3A_1128, %add3A_1129 : vector<16xf32>
        %add3A_1132 = arith.addf %add3A_1130, %add3A_1131 : vector<16xf32>
        %eq3A_1133 = arith.constant 14 : i32
        %eq3A_1134 = vector.broadcast %eq3A_1133 : i32 to vector<16xi32>
        %eq3A_1135 = arith.cmpi eq, %iota3A, %eq3A_1134 : vector<16xi32>
        %reduce_sum3A_1136 = arith.constant true
        %reduce_sum3A_1137 = vector.broadcast %reduce_sum3A_1136 : i1 to vector<16xi1>
        %reduce_sum3A_1138 = tpu.scan <sum>, %add3A_1132 masked %reduce_sum3A_1137 : vector<16xf32>, vector<16xi1> -> vector<16xf32>
        %reduce_sum3A_1139 = vector.extract %reduce_sum3A_1138[15] : f32 from vector<16xf32>
        %broadcast_in_dim3A_1140 = vector.broadcast %reduce_sum3A_1139 : f32 to vector<16xf32>
        %select_n3A_1141 = arith.select %eq3A_1135, %broadcast_in_dim3A_1140, %select_n3A_1077 : vector<16xi1>, vector<16xf32>
        %add3A_1142 = arith.constant 15 : i32
        %add3A_1143 = arith.addi %mul3A_182, %add3A_1142 : i32
        %get3A_1144 = arith.index_cast %add3A_1143 : i32 to index
        %get3A_1145 = arith.constant 0 : index
        %get3A_1146 = tpu.vector_load %arg13[%get3A_1144, %get3A_1145] {strides = array<i32>} : memref<256x128xf32, #tpu.memory_space<vmem>>, vector<16xf32>,
        %mul3A_1147 = arith.mulf %get3A_1146, %get3A_152 : vector<16xf32>
        %add3A_1148 = arith.constant 15 : i32
        %add3A_1149 = arith.addi %mul3A_182, %add3A_1148 : i32
        %get3A_1150 = arith.index_cast %add3A_1149 : i32 to index
        %get3A_1151 = arith.constant 16 : index
        %get3A_1152 = tpu.vector_load %arg13[%get3A_1150, %get3A_1151] {strides = array<i32>} : memref<256x128xf32, #tpu.memory_space<vmem>>, vector<16xf32>,
        %mul3A_1153 = arith.mulf %get3A_1152, %get3A_155 : vector<16xf32>
        %add3A_1154 = arith.constant 15 : i32
        %add3A_1155 = arith.addi %mul3A_182, %add3A_1154 : i32
        %get3A_1156 = arith.index_cast %add3A_1155 : i32 to index
        %get3A_1157 = arith.constant 32 : index
        %get3A_1158 = tpu.vector_load %arg13[%get3A_1156, %get3A_1157] {strides = array<i32>} : memref<256x128xf32, #tpu.memory_space<vmem>>, vector<16xf32>,
        %mul3A_1159 = arith.mulf %get3A_1158, %get3A_158 : vector<16xf32>
        %add3A_1160 = arith.constant 15 : i32
        %add3A_1161 = arith.addi %mul3A_182, %add3A_1160 : i32
        %get3A_1162 = arith.index_cast %add3A_1161 : i32 to index
        %get3A_1163 = arith.constant 48 : index
        %get3A_1164 = tpu.vector_load %arg13[%get3A_1162, %get3A_1163] {strides = array<i32>} : memref<256x128xf32, #tpu.memory_space<vmem>>, vector<16xf32>,
        %mul3A_1165 = arith.mulf %get3A_1164, %get3A_161 : vector<16xf32>
        %add3A_1166 = arith.constant 15 : i32
        %add3A_1167 = arith.addi %mul3A_182, %add3A_1166 : i32
        %get3A_1168 = arith.index_cast %add3A_1167 : i32 to index
        %get3A_1169 = arith.constant 64 : index
        %get3A_1170 = tpu.vector_load %arg13[%get3A_1168, %get3A_1169] {strides = array<i32>} : memref<256x128xf32, #tpu.memory_space<vmem>>, vector<16xf32>,
        %mul3A_1171 = arith.mulf %get3A_1170, %get3A_164 : vector<16xf32>
        %add3A_1172 = arith.constant 15 : i32
        %add3A_1173 = arith.addi %mul3A_182, %add3A_1172 : i32
        %get3A_1174 = arith.index_cast %add3A_1173 : i32 to index
        %get3A_1175 = arith.constant 80 : index
        %get3A_1176 = tpu.vector_load %arg13[%get3A_1174, %get3A_1175] {strides = array<i32>} : memref<256x128xf32, #tpu.memory_space<vmem>>, vector<16xf32>,
        %mul3A_1177 = arith.mulf %get3A_1176, %get3A_167 : vector<16xf32>
        %add3A_1178 = arith.constant 15 : i32
        %add3A_1179 = arith.addi %mul3A_182, %add3A_1178 : i32
        %get3A_1180 = arith.index_cast %add3A_1179 : i32 to index
        %get3A_1181 = arith.constant 96 : index
        %get3A_1182 = tpu.vector_load %arg13[%get3A_1180, %get3A_1181] {strides = array<i32>} : memref<256x128xf32, #tpu.memory_space<vmem>>, vector<16xf32>,
        %mul3A_1183 = arith.mulf %get3A_1182, %get3A_170 : vector<16xf32>
        %add3A_1184 = arith.constant 15 : i32
        %add3A_1185 = arith.addi %mul3A_182, %add3A_1184 : i32
        %get3A_1186 = arith.index_cast %add3A_1185 : i32 to index
        %get3A_1187 = arith.constant 112 : index
        %get3A_1188 = tpu.vector_load %arg13[%get3A_1186, %get3A_1187] {strides = array<i32>} : memref<256x128xf32, #tpu.memory_space<vmem>>, vector<16xf32>,
        %mul3A_1189 = arith.mulf %get3A_1188, %get3A_173 : vector<16xf32>
        %add3A_1190 = arith.addf %mul3A_1147, %mul3A_1153 : vector<16xf32>
        %add3A_1191 = arith.addf %mul3A_1159, %mul3A_1165 : vector<16xf32>
        %add3A_1192 = arith.addf %mul3A_1171, %mul3A_1177 : vector<16xf32>
        %add3A_1193 = arith.addf %mul3A_1183, %mul3A_1189 : vector<16xf32>
        %add3A_1194 = arith.addf %add3A_1190, %add3A_1191 : vector<16xf32>
        %add3A_1195 = arith.addf %add3A_1192, %add3A_1193 : vector<16xf32>
        %add3A_1196 = arith.addf %add3A_1194, %add3A_1195 : vector<16xf32>
        %eq3A_1197 = arith.constant 15 : i32
        %eq3A_1198 = vector.broadcast %eq3A_1197 : i32 to vector<16xi32>
        %eq3A_1199 = arith.cmpi eq, %iota3A, %eq3A_1198 : vector<16xi32>
        %reduce_sum3A_1200 = arith.constant true
        %reduce_sum3A_1201 = vector.broadcast %reduce_sum3A_1200 : i1 to vector<16xi1>
        %reduce_sum3A_1202 = tpu.scan <sum>, %add3A_1196 masked %reduce_sum3A_1201 : vector<16xf32>, vector<16xi1> -> vector<16xf32>
        %reduce_sum3A_1203 = vector.extract %reduce_sum3A_1202[15] : f32 from vector<16xf32>
        %broadcast_in_dim3A_1204 = vector.broadcast %reduce_sum3A_1203 : f32 to vector<16xf32>
        %select_n3A_1205 = arith.select %eq3A_1199, %broadcast_in_dim3A_1204, %select_n3A_1141 : vector<16xi1>, vector<16xf32>
        %mul3A_1206 = arith.constant 16 : i32
        %mul3A_1207 = arith.muli %scan3A_180, %mul3A_1206 : i32
        %add3A_1208 = arith.addi %mul3A_149, %mul3A_1207 : i32
        %swap3A = arith.index_cast %select_n3A_144 : i32 to index
        %swap3A_1209 = arith.index_cast %add3A_1208 : i32 to index
        %swap3A_1210 = tpu.vector_load %arg14[%swap3A, %swap3A_1209] {strides = array<i32>} : memref<8x2048xf32, #tpu.memory_space<vmem>>, vector<16xf32>,
        tpu.vector_store %arg14[%swap3A, %swap3A_1209], %select_n3A_1205 {strides = array<i32>} : memref<8x2048xf32, #tpu.memory_space<vmem>>, vector<16xf32>,
      }
      %scan3A_179 = arith.constant 16 : i32
    }
    %scan3A_29 = arith.constant 32 : i32
    "tpu.region"() ({
      %run_scoped3A = tpu.sem_alloc : memref<!tpu.dma_semaphore, #tpu.memory_space<semaphore_mem>>
      %dma_start3A_30 = arith.constant 0 : i32
      %dma_start3A_31 = tpu.memref_slice %arg6[%mul3A_2, %dma_start3A_30] : memref<256x2048xf32, #tpu.memory_space<hbm>> -> memref<8x2048xf32, #tpu.memory_space<hbm>>
      %dma_start3A_32 = arith.constant 0 : i32
      %dma_start3A_33 = tpu.memref_slice %arg6[%mul3A_2, %dma_start3A_32] : memref<256x2048xf32, #tpu.memory_space<hbm>> -> memref<8x2048xf32, #tpu.memory_space<hbm>>
      tpu.enqueue_dma source(%arg14 : memref<8x2048xf32, #tpu.memory_space<vmem>>) target(%dma_start3A_33 : memref<8x2048xf32, #tpu.memory_space<hbm>>) target_semaphore(%run_scoped3A : memref<!tpu.dma_semaphore, #tpu.memory_space<semaphore_mem>>)
      %dma_wait3A_34 = arith.constant 0 : i32
      %dma_wait3A_35 = tpu.memref_slice %arg6[%mul3A_2, %dma_wait3A_34] : memref<256x2048xf32, #tpu.memory_space<hbm>> -> memref<8x2048xf32, #tpu.memory_space<hbm>>
      %dma_wait3A_36 = arith.constant 0 : i32
      %dma_wait3A_37 = tpu.memref_slice %arg6[%mul3A_2, %dma_wait3A_36] : memref<256x2048xf32, #tpu.memory_space<hbm>> -> memref<8x2048xf32, #tpu.memory_space<hbm>>
      tpu.wait_dma2 semaphore(%run_scoped3A : memref<!tpu.dma_semaphore, #tpu.memory_space<semaphore_mem>>) src(%arg14 : memref<8x2048xf32, #tpu.memory_space<vmem>>) dst(%dma_wait3A_37 : memref<8x2048xf32, #tpu.memory_space<hbm>>)
      tpu.yield
    }) : () -> ()
    return
  }
}

</mosaic_0001>

<sc_bundles>
// kernel: _sc_dots.3.cloned.1.call-start
scs
__scs_entry_jumppad:
0x0: {  	(pc) =	sbr.rel $0x88, $3  }
0x1: {  	(tag) =	ssettag $0x0;
	lr =	simm.s32 $0x1  }
0x2: {  	[smem:$0x3F9D] =	sst lr;
	_ =	strace $0xD0000000  }
0x3: {  	_ = 	snop  }
0x4: {  	_ = 	snop  }
0x5: {  	_ = 	snop  }
0x6: {  	_ = 	snop  }
0x7: {  	_ = 	snop  }
__scs_overlays_trampoline_lowered:
0x8: {  	[smem:$0x3FAC] =	sst s0  }
0x9: {  	[smem:$0x3FAD] =	sst s1  }
0xa: {  	[smem:$0x3FAE] =	sst s2  }
0xb: {  	[smem:$0x3FAF] =	sst s3  }
0xc: {  	[smem:$0x3FB0] =	sst s4  }
0xd: {  	[smem:$0x3FB1] =	sst s5  }
0xe: {  	[smem:$0x3FB2] =	sst s6  }
0xf: {  	[smem:$0x3FB3] =	sst s7  }
0x10: {  	[smem:$0x3FB4] =	sst s8  }
0x11: {  	[smem:$0x3FB5] =	sst s9;
	s0 =	simm.s32 @!p0 $0x0  }
0x12: {  	s1 =	sld [smem:$0x3F9B];
	s0 =	simm.s32 @p0 $0x1  }
0x13: {  	[smem:$0x3FB6] =	sst s0;
	s0 =	simm.s32 @!p1 $0x0  }
0x14: {  	s2 =	sld [smem:$0x3F9A];
	s0 =	simm.s32 @p1 $0x1  }
0x15: {  	[smem:$0x3FB7] =	sst s0;
	s0 =	simm.s32 @!p2 $0x0  }
0x16: {  	s3 =	sld [smem:$0x3FDB];
	s0 =	simm.s32 @p2 $0x1  }
0x17: {  	s4 =	simm.s32 $0x1BF5;
	[smem:$0x3FB9] =	sst s0  }
0x18: {  	s0 =	sld [smem:$0x3F9C];
	_ =	swait.ge [sflag:s4], $0x0  }
0x19: {  	s7 =	sld [smem:$0x3F9D]  }
0x1a: {  	s8 =	sadd.s32 $0xFFFFE003, lr  }
0x1b: {  	s9 =	sadd.s32 $0xFFFFFEF7, lr;
	s5 =	simm.s32 $0xFFFFFFFF;
	p2 =	slt.u32 s8, $0xFFFFF086  }
0x1c: {  	p1 =	slt.u32 s9, $0xF7A;
	s5 =	simm.s32 @!p2 $0x0  }
0x1d: {  	s5 =	simm.s32 @p1 $0x1;
	p0 =	seq.s32 s7, s2  }
0x1e: {  	s7 =	smul.u32 @!p0 $0xF7A, s2;
	p2 =	seq.s32 @!p0 s5, $0x0  }
0x1f: {  	s9 =	smul.u32 $0xF7A, s1;
	s8 =	simm.s32 @!p0 $0x1BF5;
	p2 =	por !p2, p0  }
0x20: {  	[sflag:s8] =	ssyncset.s32 @!p0 $0xFFFFF086;
	s6 =	sadd.s32 @!p0 s3, s7;
	s7 =	simm.s32 @!p0 $0x108  }
0x21: {  	s3 =	sadd.s32 s3, s9;
	s6 =	sadd.s32 @!p0 $0x88, s6;
	s7 =	simm.s32 @p2 $0x1082  }
0x22: {  	[simem:s7], [sflag:s8] =	dma.local @!p0 [hbm:s6], $0xF7A  }
0x23: {  	s9 =	sor.u32 $0xD0000000, s2;
	s6 =	simm.s32 $0x108;
	_ =	swait.ge @!p0 [sflag:s8], $0x0  }
0x24: {  	s3 =	sadd.s32 $0x88, s3;
	s6 =	simm.s32 @!p1 $0x1082;
	[sflag:s4] =	ssyncset.s32 $0xFFFFF086  }
0x25: {  	[simem:s6], [sflag:s4] =	dma.local [hbm:s3], $0xF7A  }
0x26: {  	[smem:$0x3F9D] =	sst s1;
	(tag) =	ssettag s2;
	_ =	strace s9  }
0x27: {  	s1 =	sld [smem:$0x3FAD]  }
0x28: {  	s2 =	sld [smem:$0x3FAE]  }
0x29: {  	s4 =	sld [smem:$0x3FB0]  }
0x2a: {  	p0 =	seq.s32 s5, $0x0;
	s5 =	sld [smem:$0x3FB1]  }
0x2b: {  	s6 =	sld [smem:$0x3FB2]  }
0x2c: {  	s7 =	sld [smem:$0x3FB3]  }
0x2d: {  	s3 =	simm.s32 $0x108;
	s8 =	sld [smem:$0x3FB4]  }
0x2e: {  	s3 =	simm.s32 @!p0 $0x1082;
	s9 =	sld [smem:$0x3FB5]  }
0x2f: {  	lr =	sadd.s32 s0, s3;
	s0 =	sld [smem:$0x3FAC]  }
0x30: {  	s3 =	sld [smem:$0x3FAF]  }
0x31: {  	[smem:$0x3FB8] =	sst s10  }
0x32: {  	s10 =	sld [smem:$0x3FB6];
	_ =	sdelay $0x3  }
0x33: {  	p0 =	seq.s32 s10, $0x1;
	s10 =	sld [smem:$0x3FB8];
	_ =	sdelay $0x3  }
0x34: {  	[smem:$0x3FB8] =	sst s10  }
0x35: {  	s10 =	sld [smem:$0x3FB7];
	_ =	sdelay $0x3  }
0x36: {  	p1 =	seq.s32 s10, $0x1;
	s10 =	sld [smem:$0x3FB8];
	_ =	sdelay $0x3  }
0x37: {  	[smem:$0x3FB8] =	sst s10  }
0x38: {  	s10 =	sld [smem:$0x3FB9]  }
0x39: {  	_ = 	snop;
	(pc) =	sbr.ind lr, $3  }
0x3a: {  	_ = 	snop  }
0x3b: {  	_ = 	snop  }
0x3c: {  	p2 =	seq.s32 s10, $0x1;
	s10 =	sld [smem:$0x3FB8]  }
0x3d: {  	_ =	shalt  }
0x3e: {  	_ =	shalt  }
0x3f: {  	_ =	shalt  }
0x40: {  	_ =	shalt  }
0x41: {  	_ =	shalt  }
0x42: {  	_ =	shalt  }
0x43: {  	_ =	shalt  }
0x44: {  	_ =	shalt  }
0x45: {  	_ =	shalt  }
0x46: {  	_ =	shalt  }
0x47: {  	_ =	shalt  }
0x48: {  	_ =	shalt  }
0x49: {  	_ =	shalt  }
0x4a: {  	_ =	shalt  }
0x4b: {  	_ =	shalt  }
0x4c: {  	_ =	shalt  }
0x4d: {  	_ =	shalt  }
0x4e: {  	_ =	shalt  }
0x4f: {  	_ =	shalt  }
0x50: {  	_ =	shalt  }
0x51: {  	_ =	shalt  }
0x52: {  	_ =	shalt  }
0x53: {  	_ =	shalt  }
0x54: {  	_ =	shalt  }
0x55: {  	_ =	shalt  }
0x56: {  	_ =	shalt  }
0x57: {  	_ =	shalt  }
0x58: {  	_ =	shalt  }
0x59: {  	_ =	shalt  }
0x5a: {  	_ =	shalt  }
0x5b: {  	_ =	shalt  }
0x5c: {  	_ =	shalt  }
0x5d: {  	_ =	shalt  }
0x5e: {  	_ =	shalt  }
0x5f: {  	_ =	shalt  }
0x60: {  	_ =	shalt  }
0x61: {  	_ =	shalt  }
0x62: {  	_ =	shalt  }
0x63: {  	_ =	shalt  }
0x64: {  	_ =	shalt  }
0x65: {  	_ =	shalt  }
0x66: {  	_ =	shalt  }
0x67: {  	_ =	shalt  }
0x68: {  	_ =	shalt  }
0x69: {  	_ =	shalt  }
0x6a: {  	_ =	shalt  }
0x6b: {  	_ =	shalt  }
0x6c: {  	_ =	shalt  }
0x6d: {  	_ =	shalt  }
0x6e: {  	_ =	shalt  }
0x6f: {  	_ =	shalt  }
0x70: {  	_ =	shalt  }
0x71: {  	_ =	shalt  }
0x72: {  	_ =	shalt  }
0x73: {  	_ =	shalt  }
0x74: {  	_ =	shalt  }
0x75: {  	_ =	shalt  }
0x76: {  	_ =	shalt  }
0x77: {  	_ =	shalt  }
0x78: {  	_ =	shalt  }
0x79: {  	_ =	shalt  }
0x7a: {  	_ =	shalt  }
0x7b: {  	_ =	shalt  }
0x7c: {  	_ =	shalt  }
0x7d: {  	_ =	shalt  }
0x7e: {  	_ =	shalt  }
0x7f: {  	_ =	shalt  }
0x80: {  	_ =	shalt  }
0x81: {  	_ =	shalt  }
0x82: {  	_ =	shalt  }
0x83: {  	_ =	shalt  }
0x84: {  	_ =	shalt  }
0x85: {  	_ =	shalt  }
0x86: {  	_ =	shalt  }
0x87: {  	_ =	shalt  }
.Lfunc_end0:
.L_simem_size_0:
called_computation_lowered:
.L_overlay_start_0:
0x88: {  	s2 =	sld [smem:$0x3FD9]  }
0x89: {  	s3 =	sld [smem:$0x3FFE];
	_ =	sdelay $0x1  }
0x8a: {  	s1 =	srdreg.scid  }
0x8b: {  	s0 =	sand.u32 $0x1, s1  }
0x8c: {  	s15 =	sshll.u32 s0, $0xA;
	s2 =	sadd.s32 s3, s2  }
0x8d: {  	s2 =	sadd.s32 s2, s15  }
0x8e: {  	[smem:$0x3FC4] =	sst s2  }
0x8f: {  	_ = 	snop  }
0x90: {  	s2 =	sld [smem:$0x3FC9]  }
0x91: {  	s16 =	sld [smem:$0x3FD0]  }
0x92: {  	s4 =	sld [smem:$0x3FC8]  }
0x93: {  	s5 =	sld [smem:$0x3FC7]  }
0x94: {  	s7 =	simm.s32 $0xA;
	s8 =	simm.s32 $0x10;
	s6 =	sld [smem:$0x3FC6]  }
0x95: {  	[smem:s8], [sflag:s7] =	dma.local [hbm:s16], $0x1  }
0x96: {  	_ =	swait.eq [sflag:s7], $0x1  }
0x97: {  	[sflag:s7] =	ssyncset.done $0x0  }
0x98: {  	s17 =	sld [smem:$0x10];
	[sflag:s7] =	ssyncadd.s32 $0xFFFFFFFF  }
0x99: {  	s18 =	sld [smem:$0x11];
	(tm) =	ssettm $0x1  }
0x9a: {  	s19 =	sld [smem:$0x3FFB];
	_ =	sdelay $0x3  }
0x9b: {  	_ =	strace s19  }
0x9c: {  	s8 =	sld [smem:$0x3FFC];
	_ =	sdelay $0x3  }
0x9d: {  	_ =	strace s8  }
0x9e: {  	s8 =	sld [smem:$0x3FFD];
	_ =	sdelay $0x3  }
0x9f: {  	_ =	strace s8  }
0xa0: {  	_ =	strace $0x8FFFFFFF  }
0xa1: {  	s20 =	sld [smem:$0x3FDB];
	_ =	sdelay $0x1  }
0xa2: {  	s9 =	simm.s32 $_scs_section_size  }
0xa3: {  	s10 =	simm.s32 $_size__tile_overlayer_lowered;
	s11 =	simm.s32 $_tile_overlayer_lowered  }
0xa4: {  	s23 =	simm.s32 $0x1BFF;
	s22 =	sshll.u32 s11, $0x1;
	s8 =	sadd.s32 s9, s20  }
0xa5: {  	s12 =	simm.s32 $0x0;
	s21 =	sshll.u32 s10, $0x1;
	s10 =	sadd.s32 s22, s8  }
0xa6: {  	[timem:s12], [sflag:s23] =	dma.local [hbm:s10], s21  }
0xa7: {  	_ =	swait.ge [sflag:s23], s21  }
0xa8: {  	s9 =	ssub.s32 $0x0, s21;
	[sflag:s23] =	ssyncset.done $0x0  }
0xa9: {  	[sflag:s23] =	ssyncadd.s32 s9;
	_ =	sdelay $0x1  }
0xaa: {  	s24 =	simm.s32 $0x1B8B  }
0xab: {  	_ =	swait.ge [sflag:s24], $0x1  }
0xac: {  	[sflag:s24] =	ssyncset.done $0x0  }
0xad: {  	s25 =	simm.s32 $0x1B8E;
	[sflag:s24] =	ssyncadd.s32 $0xFFFFFFFF  }
0xae: {  	s26 =	simm.s32 $execute0_lowered;
	[smem:$0x3FD2] =	sst s25  }
0xaf: {  	s9 =	sshll.u32 s26, $0x1;
	_ =	strace $0x80000046;
	[dreg:$0x1] =	wrdreg $0xFFFFFFFF  }
0xb0: {  	s28 =	simm.s32 $_size_execute0_lowered;
	s8 =	sadd.s32 s8, s9;
	[dreg:$0x0] =	wrdreg $0x0  }
0xb1: {  	s9 =	sshll.u32 s28, $0x1;
	[dreg:$0x2] =	wrdreg s8  }
0xb2: {  	[dreg:$0x3] =	wrdreg s9  }
0xb3: {  	[dreg:$0x4] =	wrdreg $0xC0  }
0xb4: {  	_ =	task [dreg:s12], $0x5FFFF  }
0xb5: {  	[dreg:$0x1] =	wrdreg $0xFFFFFFFF  }
0xb6: {  	[dreg:$0x0] =	wrdreg $0x60  }
0xb7: {  	[dreg:$0x2] =	wrdreg s2  }
0xb8: {  	[dreg:$0x3] =	wrdreg s4  }
0xb9: {  	[dreg:$0x4] =	wrdreg s5  }
0xba: {  	[dreg:$0x5] =	wrdreg s6  }
0xbb: {  	[dreg:$0x6] =	wrdreg s17  }
0xbc: {  	[dreg:$0x7] =	wrdreg s18  }
0xbd: {  	[dreg:$0x8] =	wrdreg $0x9  }
0xbe: {  	_ =	task.clear_ibuf [dreg:s12], $0x9FFFF;
	_ =	strace $0x90000046  }
0xbf: {  	s29 =	simm.s32 $0x9;
	_ =	strace $0x80000048  }
0xc0: {  	_ =	swait.ge [sflag:s29], $0x1  }
0xc1: {  	[sflag:s29] =	ssyncadd.s32 $0xFFFFFFFF  }
0xc2: {  	_ =	strace $0x90000048  }
0xc3: {  	_ =	sfence  }
0xc4: {  	s30 =	sld [smem:$0x0];
	_ =	sdelay $0x2  }
0xc5: {  	s31 =	sshll.u32 s1, $0xD;
	s1 =	sshrl.u32 s1, $0x2  }
0xc6: {  	s3 =	sand.u32 $0x4000, s31;
	s1 =	sadd.s32 s1, s30  }
0xc7: {  	s0 =	sor.u32 s3, s0;
	s1 =	sshll.u32 s1, $0x11  }
0xc8: {  	s0 =	sor.u32 s1, s0  }
0xc9: {  	s0 =	sadd.s32 $0x8F2B, s0  }
0xca: {  	[sflag:s0] =	ssyncadd.remote.s32 $0x1  }
0xcb: {  	_ =	sfence.sel $0xFFFF  }
0xcc: {  	[dreg:$0x0] =	wrdreg $0xFFFFFFFF;
	(pc) =	sbr.abs _section_cstart, $3  }
0xcd: {  	[dreg:$0x1] =	wrdreg $0xFFFFFFFF  }
0xce: {  	_ =	task.clear_ibuf [dreg:s12], $0x2FFFF;
	_ =	strace $0x9FFFFFFF  }
0xcf: {  	(tm) =	ssettm $0x7FFFFFFF  }
tec
execute0_lowered:
.L_overlay_start_1:
0x0: {  	(tag) =	ssettag $0x1  }
0x1: {  	s0 =	rddreg [dreg:$0x0]  }
0x2: {  	s1 =	rddreg [dreg:$0x1]  }
0x3: {  	s2 =	rddreg [dreg:$0x2]  }
0x4: {  	s7 =	rddreg [dreg:$0x3]  }
0x5: {  	s8 =	rddreg [dreg:$0x4]  }
0x6: {  	s6 =	rddreg [dreg:$0x5]  }
0x7: {  	s3 =	srdreg.scid;
	s9 =	stileid.u32  }
0x8: {  	s13 =	simm.s32 $0x480;
	s14 =	simm.s32 $0x1;
	s15 =	simm.s32 $0x880  }
0x9: {  	s16 =	simm.s32 $0x80;
	s20 =	simm.s32 $0xC880;
	s21 =	simm.s32 $0x10880  }
0xa: {  	s22 =	simm.s32 $0x14880;
	s23 =	simm.s32 $0x0;
	s4 =	sand.u32 $0x1, s3  }
0xb: {  	s3 =	simm.s32 $0x0;
	s9 =	sshll.u32 s9, $0x1;
	s5 =	ssub.s32 $0x2, s4  }
0xc: {  	vm0 =	vmmov $0x1;
	vm1 =	vmmov $0x3;
	vm2 =	vmmov $0x7;
	[smem:$0x7FF] =	sst s3;
	s9 =	sor.u32 s4, s9;
	s10 =	sshrl.u32 s5, $0x1  }
0xd: {  	vm3 =	vmmov $0xf;
	vm4 =	vmmov $0x1f;
	vm5 =	vmmov $0x3f;
	_ =	strace $0x80000047;
	s11 =	sshll.u32 s9, $0x7;
	s31 =	sshll.u32 s9, $0xB  }
0xe: {  	vm6 =	vmmov $0x7f;
	vm7 =	vmmov $0xff;
	vm8 =	vmmov $0x1ff;
	s10 =	ssub.s32 s5, s10;
	s4 =	sadd.s32 s0, s11;
	s5 =	sadd.s32 s2, s9  }
0xf: {  	vm9 =	vmmov $0x3ff;
	vm10 =	vmmov $0x7ff;
	vm11 =	vmmov $0xfff;
	s6 =	sadd.s32 s6, s11;
	s7 =	sadd.s32 s7, s31;
	s8 =	sadd.s32 s8, s31  }
0x10: {  	vm12 =	vmmov $0x1fff;
	vm13 =	vmmov $0x3fff;
	vm14 =	vmmov $0x7fff;
	s11 =	simm.s32 $0x400;
	s9 =	smax.u32 s10, $0x1;
	s10 =	simm.s32 $0x2  }
.LBB2_1:
0x11: {  	[tilespmem:s3], [sflag:$0x2] =	stream.linear.gather [hbm4b:s4+s3], $0x400, $0x38;
	[tilespmem:$0x18880] =	vst v63  }
0x12: {  	_ =	swait.ge [sflag:s10], $0x400  }
0x13: {  	[sflag:s10] =	ssyncset.done $0x0  }
0x14: {  	[sflag:s10] =	ssyncadd.s32 $0xFFFFFC00  }
0x15: {  	[tilespmem:s11], [sflag:$0x2] =	stream.linear.gather [hbm4b:s5+s3], $0x8, $0x38;
	[tilespmem:$0x18880] =	vst v63  }
0x16: {  	_ =	swait.ge [sflag:s10], $0x8  }
0x17: {  	[sflag:s10] =	ssyncset.done $0x0  }
0x18: {  	s0 =	simm.s32 $0x8;
	[sflag:s10] =	ssyncadd.s32 $0xFFFFFFF8  }
0x19: {  	[tilespmem:s13], [sflag:$0x1] =	stream.indirect.gather [hbm4b:s1+s0], $0x80, s11, s0, $0xb8;
	[tilespmem:$0x18880] =	vst v63  }
0x1a: {  	_ =	swait.ge [sflag:s14], $0x400  }
0x1b: {  	[sflag:s14] =	ssyncset.done $0x0  }
0x1c: {  	[sflag:s14] =	ssyncadd.s32 $0xFFFFFC00  }
0x1d: {  	[hbm4b:s6+s3] =	stream.linear.scatter [tilespmem:s13], [sflag:$0x2], $0x400, $0x38;
	[tilespmem:$0x18880] =	vst v63  }
0x1e: {  	_ =	swait.ge [sflag:s10], $0x400  }
0x1f: {  	[sflag:s10] =	ssyncset.done $0x0  }
0x20: {  	[sflag:s10] =	ssyncadd.s32 $0xFFFFFC00  }
0x21: {  	[tilespmem:s15], [sflag:$0x2] =	stream.linear.gather [hbm4b:s7+s3], $0x4000, $0x38;
	[tilespmem:$0x18880] =	vst v63  }
0x22: {  	_ =	swait.ge [sflag:s10], $0x4000  }
0x23: {  	s30 =	simm.s32 $0x4880;
	[sflag:s10] =	ssyncset.done $0x0  }
0x24: {  	s31 =	simm.s32 $0x900;
	s2 =	simm.s32 $0x8880;
	[sflag:s10] =	ssyncadd.s32 $0xFFFFC000  }
0x25: {  	[tilespmem:s30], [sflag:$0x1] =	stream.indirect.gather [hbm4b:s1+s16], $0x80, s15, s16, $0xb8;
	[tilespmem:$0x18880] =	vst v63  }
0x26: {  	s24 =	simm.s32 $0x800;
	s25 =	simm.s32 $0x0;
	s26 =	simm.s32 $0x0  }
0x27: {  	[tilespmem:s2], [sflag:$0x1] =	stream.indirect.gather [hbm4b:s1+s16], $0x80, s31, s16, $0xb8;
	[tilespmem:$0x18880] =	vst v63  }
.LBB2_2:
0x28: {  	s31 =	sshll.u32 s26, $0x9  }
0x29: {  	s0 =	sadd.s32 $0x980, s31  }
0x2a: {  	[tilespmem:s20], [sflag:$0x1] =	stream.indirect.gather [hbm4b:s1+s16], $0x80, s0, s16, $0xb8;
	[tilespmem:$0x18880] =	vst v63  }
0x2b: {  	s12 =	sadd.s32 $0xA00, s31  }
0x2c: {  	[tilespmem:s21], [sflag:$0x1] =	stream.indirect.gather [hbm4b:s1+s16], $0x80, s12, s16, $0xb8;
	[tilespmem:$0x18880] =	vst v63  }
0x2d: {  	_ =	swait.ge [sflag:s14], $0x8000  }
0x2e: {  	s17 =	sshll.u32 s26, $0x5;
	[sflag:s14] =	ssyncset.done $0x0  }
0x2f: {  	s30 =	sand.u32 $0x3FFFFF80, s17;
	[sflag:s14] =	ssyncadd.s32 $0xFFFF8000  }
0x30: {  	v6 =	vld [tilespmem:s30+$0x0]  }
0x31: {  	v7 =	vld [tilespmem:s30+$0x10]  }
0x32: {  	v5 =	vld [tilespmem:s30+$0x20]  }
0x33: {  	v4 =	vld [tilespmem:s30+$0x30]  }
0x34: {  	v3 =	vld [tilespmem:s30+$0x40]  }
0x35: {  	v1 =	vld [tilespmem:s30+$0x50]  }
0x36: {  	v2 =	vld [tilespmem:s30+$0x60]  }
0x37: {  	s18 =	simm.s32 $0x4C80;
	v0 =	vld [tilespmem:s30+$0x70]  }
0x38: {  	v10 =	vld [tilespmem:s18+$0x380]  }
0x39: {  	v12 =	vld [tilespmem:s18+$0x390]  }
0x3a: {  	v8 =	vld [tilespmem:s18+$0x3B0]  }
0x3b: {  	v13 =	vld [tilespmem:s18+$0x300]  }
0x3c: {  	v15 =	vld [tilespmem:s18+$0x310]  }
0x3d: {  	v16 =	vld [tilespmem:s18+$0x320]  }
0x3e: {  	v17 =	vld [tilespmem:s18+$0x330]  }
0x3f: {  	v18 =	vld [tilespmem:s18+$0x340]  }
0x40: {  	v19 =	vld [tilespmem:s18+$0x350]  }
0x41: {  	v20 =	vld [tilespmem:s18+$0x360]  }
0x42: {  	v21 =	vld [tilespmem:s18+$0x370]  }
0x43: {  	v22 =	vld [tilespmem:s18+$0x280]  }
0x44: {  	v23 =	vld [tilespmem:s18+$0x290]  }
0x45: {  	v24 =	vld [tilespmem:s18+$0x2A0]  }
0x46: {  	v25 =	vld [tilespmem:s18+$0x2B0]  }
0x47: {  	v26 =	vld [tilespmem:s18+$0x200]  }
0x48: {  	v27 =	vld [tilespmem:s18+$0x210]  }
0x49: {  	v28 =	vld [tilespmem:s18+$0x220]  }
0x4a: {  	v29 =	vld [tilespmem:s18+$0x230]  }
0x4b: {  	v30 =	vld [tilespmem:s18+$0x240]  }
0x4c: {  	v31 =	vld [tilespmem:s18+$0x250]  }
0x4d: {  	v32 =	vld [tilespmem:s18+$0x260]  }
0x4e: {  	v33 =	vld [tilespmem:s18+$0x270]  }
0x4f: {  	v34 =	vld [tilespmem:s18+$0x180]  }
0x50: {  	v35 =	vld [tilespmem:s18+$0x190]  }
0x51: {  	v36 =	vld [tilespmem:s18+$0x1A0]  }
0x52: {  	v37 =	vld [tilespmem:s18+$0x1B0]  }
0x53: {  	v38 =	vld [tilespmem:s18+$0x1C0]  }
0x54: {  	v39 =	vld [tilespmem:s18+$0x1D0]  }
0x55: {  	v40 =	vld [tilespmem:s18+$0x1E0]  }
0x56: {  	v41 =	vld [tilespmem:s18+$0x1F0]  }
0x57: {  	v42 =	vld [tilespmem:s18+$0x100]  }
0x58: {  	v43 =	vld [tilespmem:s18+$0x110]  }
0x59: {  	v44 =	vld [tilespmem:s18+$0x120]  }
0x5a: {  	v45 =	vld [tilespmem:s18+$0x130]  }
0x5b: {  	v11 =	vld [tilespmem:s18+$0x140]  }
0x5c: {  	v46 =	vld [tilespmem:s18+$0x80]  }
0x5d: {  	v47 =	vld [tilespmem:s18+$0x90]  }
0x5e: {  	v48 =	vld [tilespmem:s18+$0xA0]  }
0x5f: {  	v49 =	vld [tilespmem:s18+$0xB0]  }
0x60: {  	v50 =	vld [tilespmem:s18+$0xC0]  }
0x61: {  	v51 =	vld [tilespmem:s18+$0xD0]  }
0x62: {  	v52 =	vld [tilespmem:s18+$0xE0]  }
0x63: {  	v53 =	vld [tilespmem:s18+$0xF0]  }
0x64: {  	v54 =	vld [tilespmem:s18+$0x0]  }
0x65: {  	v55 =	vld [tilespmem:s18+$0x10]  }
0x66: {  	v56 =	vld [tilespmem:s18+$0x20]  }
0x67: {  	v58 =	vld [tilespmem:s18+$0x40]  }
0x68: {  	v59 =	vld [tilespmem:s18+$0x50]  }
0x69: {  	v60 =	vld [tilespmem:s18+$0x60];
	v13 =	vmul.f32 v13, v6  }
0x6a: {  	v61 =	vld [tilespmem:s18+$0x70];
	v15 =	vmul.f32 v15, v7;
	v16 =	vmul.f32 v16, v5  }
0x6b: {  	v57 =	vld [tilespmem:s18+$0x30];
	v17 =	vmul.f32 v17, v4;
	v18 =	vmul.f32 v18, v3  }
0x6c: {  	v62 =	vld [tilespmem:s18+$0xFFFFFF80];
	v19 =	vmul.f32 v19, v1;
	v20 =	vmul.f32 v20, v2  }
0x6d: {  	v63 =	vld [tilespmem:s18+$0xFFFFFFB0];
	v21 =	vmul.f32 v21, v0;
	v58 =	vmul.f32 v58, v3  }
0x6e: {  	[tilespmem:$0x1FFF0] =	vst v8;
	v8 =	vld [tilespmem:s18+$0xFFFFFF00];
	v59 =	vmul.f32 v59, v1;
	v60 =	vmul.f32 v60, v2;
	v13 =	vadd.f32 v15, v13  }
0x6f: {  	v61 =	vmul.f32 v61, v0;
	v15 =	vadd.f32 v17, v16;
	v16 =	vadd.f32 v19, v18;
	v19 =	vld [tilespmem:s18+$0xFFFFFF90]  }
0x70: {  	v17 =	vadd.f32 v21, v20;
	v21 =	vld [tilespmem:s18+$0xFFFFFFA0];
	v20 =	vmul.f32 v23, v7;
	v23 =	vmul.f32 v25, v4  }
0x71: {  	v25 =	vmul.f32 v33, v0;
	v33 =	vld [tilespmem:s18+$0xFFFFFF60];
	v58 =	vadd.f32 v59, v58;
	v59 =	vadd.f32 v61, v60  }
0x72: {  	v13 =	vadd.f32 v15, v13;
	v16 =	vadd.f32 v17, v16;
	v17 =	vmul.f32 v22, v6;
	v15 =	vld [tilespmem:s18+$0xFFFFFFC0]  }
0x73: {  	v22 =	vmul.f32 v24, v5;
	v24 =	vmul.f32 v27, v7;
	v27 =	vld [tilespmem:s18+$0xFFFFFF20]  }
0x74: {  	v10 =	vmul.f32 v10, v6;
	v12 =	vmul.f32 v12, v7;
	v61 =	vadd.f32 v59, v58;
	v58 =	vld [tilespmem:s18+$0xFFFFFD30]  }
0x75: {  	v18 =	vadd.f32 v16, v13;
	v16 =	vmul.f32 v26, v6;
	v26 =	vld [tilespmem:s18+$0xFFFFFF10]  }
0x76: {  	v10 =	vadd.f32 v12, v10;
	v12 =	vadd.f32 v20, v17;
	v17 =	vmul.f32 v28, v5;
	v28 =	vld [tilespmem:s18+$0xFFFFFF30]  }
0x77: {  	v41 =	vmul.f32 v41, v0;
	v20 =	vmul.f32 v29, v4;
	v29 =	vld [tilespmem:s18+$0xFFFFFF40]  }
0x78: {  	v8 =	vmul.f32 v8, v6;
	v13 =	vadd.f32 v23, v22;
	v23 =	vmul.f32 v31, v1;
	v31 =	vld [tilespmem:s18+$0xFFFFFF50]  }
0x79: {  	v22 =	vmul.f32 v30, v3;
	v30 =	vmul.f32 v35, v7;
	v35 =	vld [tilespmem:s18+$0xFFFFFF70];
	v16 =	vadd.f32 v24, v16  }
0x7a: {  	v24 =	vmul.f32 v32, v2;
	v17 =	vadd.f32 v20, v17;
	v32 =	vmul.f32 v37, v4;
	v37 =	vld [tilespmem:s18+$0xFFFFFE80]  }
0x7b: {  	v20 =	vmul.f32 v34, v6;
	v22 =	vadd.f32 v23, v22;
	v23 =	vmul.f32 v36, v5;
	v36 =	vld [tilespmem:s18+$0xFFFFFEB0]  }
0x7c: {  	v34 =	vmul.f32 v39, v1;
	v39 =	vld [tilespmem:s18+$0xFFFFFEC0];
	v27 =	vmul.f32 v27, v5;
	v24 =	vadd.f32 v25, v24  }
0x7d: {  	v25 =	vmul.f32 v38, v3;
	v16 =	vadd.f32 v17, v16;
	v20 =	vadd.f32 v30, v20;
	v30 =	vld [tilespmem:s18+$0xFFFFFE90]  }
0x7e: {  	v17 =	vmul.f32 v40, v2;
	v23 =	vadd.f32 v32, v23;
	v32 =	vld [tilespmem:s18+$0xFFFFFEA0];
	v40 =	vmul.f32 v47, v7  }
0x7f: {  	v47 =	vmul.f32 v53, v0;
	v53 =	vld [tilespmem:s18+$0xFFFFFC30];
	v26 =	vmul.f32 v26, v7;
	v22 =	vadd.f32 v24, v22  }
0x80: {  	v28 =	vmul.f32 v28, v4;
	v24 =	vadd.f32 v34, v25;
	v17 =	vadd.f32 v41, v17;
	v41 =	vld [tilespmem:s18+$0xFFFFFED0]  }
0x81: {  	v34 =	vmul.f32 v43, v7;
	v20 =	vadd.f32 v23, v20;
	v23 =	vmul.f32 v44, v5;
	v44 =	vld [tilespmem:s18+$0xFFFFFEE0]  }
0x82: {  	v43 =	vmul.f32 v49, v4;
	v49 =	vmul.f32 v55, v7;
	v55 =	vld [tilespmem:s18+$0xFFFFFDD0]  }
0x83: {  	v29 =	vmul.f32 v29, v3;
	v31 =	vmul.f32 v31, v1;
	v8 =	vadd.f32 v26, v8;
	v26 =	vld [tilespmem:s18+$0xFFFFFD00]  }
0x84: {  	v33 =	vmul.f32 v33, v2;
	v35 =	vmul.f32 v35, v0;
	v27 =	vadd.f32 v28, v27;
	v28 =	vld [tilespmem:s18+$0xFFFFFD10]  }
0x85: {  	v62 =	vmul.f32 v62, v6;
	v25 =	vmul.f32 v42, v6;
	v29 =	vadd.f32 v31, v29;
	v31 =	vld [tilespmem:s18+$0xFFFFFD20]  }
0x86: {  	v42 =	vmul.f32 v48, v5;
	v33 =	vadd.f32 v35, v33;
	v35 =	vmul.f32 v58, v4;
	v58 =	vld [tilespmem:s18+$0xFFFFFC70]  }
0x87: {  	v48 =	vmul.f32 v54, v6;
	v22 =	vadd.f32 v22, v16;
	v16 =	vadd.f32 v34, v25;
	v34 =	vld [tilespmem:s18+$0xFFFFFEF0]  }
0x88: {  	v19 =	vmul.f32 v19, v7;
	v38 =	vmul.f32 v45, v4;
	v42 =	vadd.f32 v43, v42;
	v43 =	vld [tilespmem:s18+$0xFFFFFE20]  }
0x89: {  	v45 =	vmul.f32 v50, v3;
	v50 =	vmul.f32 v56, v5;
	v56 =	vadd.f32 v49, v48;
	v49 =	vld [tilespmem:s18+$0xFFFFFD80]  }
0x8a: {  	v57 =	vmul.f32 v57, v4;
	v25 =	vmul.f32 v52, v2;
	v52 =	vld [tilespmem:s18+$0xFFFFFD90]  }
0x8b: {  	v63 =	vmul.f32 v63, v4;
	v21 =	vmul.f32 v21, v5;
	v19 =	vadd.f32 v19, v62;
	v48 =	vld [tilespmem:s18+$0xFFFFFDB0]  }
0x8c: {  	v17 =	vadd.f32 v17, v24;
	v24 =	vmul.f32 v46, v6;
	v46 =	vmul.f32 v51, v1;
	v51 =	vld [tilespmem:s18+$0xFFFFFDC0]  }
0x8d: {  	v21 =	vadd.f32 v63, v21;
	v8 =	vadd.f32 v27, v8;
	v27 =	vld [tilespmem:s18+$0xFFFFFD40]  }
0x8e: {  	v57 =	vadd.f32 v57, v50;
	v29 =	vadd.f32 v33, v29;
	v33 =	vld [tilespmem:s18+$0xFFFFFD50]  }
0x8f: {  	v20 =	vadd.f32 v17, v20;
	v17 =	vadd.f32 v38, v23;
	v38 =	vld [tilespmem:s18+$0xFFFFFE00]  }
0x90: {  	v37 =	vmul.f32 v37, v6;
	v36 =	vmul.f32 v36, v4;
	v24 =	vadd.f32 v40, v24;
	v40 =	vld [tilespmem:s18+$0xFFFFFE10]  }
0x91: {  	v39 =	vmul.f32 v39, v3;
	v30 =	vmul.f32 v30, v7;
	v45 =	vadd.f32 v46, v45;
	v46 =	vld [tilespmem:s18+$0xFFFFFE30]  }
0x92: {  	v32 =	vmul.f32 v32, v5;
	v25 =	vadd.f32 v47, v25;
	v23 =	vld [tilespmem:s18+$0xFFFFFE40];
	v60 =	vadd.f32 v57, v56  }
0x93: {  	v56 =	vld [tilespmem:s18+$0xFFFFFDE0];
	v41 =	vmul.f32 v41, v1;
	v44 =	vmul.f32 v44, v2;
	v30 =	vadd.f32 v30, v37  }
0x94: {  	v57 =	vld [tilespmem:s18+$0xFFFFFDF0];
	v32 =	vadd.f32 v36, v32;
	v25 =	vadd.f32 v25, v45;
	v45 =	vmul.f32 v55, v1  }
0x95: {  	v36 =	vld [tilespmem:s18+$0xFFFFFD60];
	v8 =	vadd.f32 v29, v8;
	v26 =	vmul.f32 v26, v6;
	v28 =	vmul.f32 v28, v7  }
0x96: {  	v37 =	vld [tilespmem:s18+$0xFFFFFC10];
	v24 =	vadd.f32 v42, v24;
	v31 =	vmul.f32 v31, v5;
	v34 =	vmul.f32 v34, v0  }
0x97: {  	v29 =	vld [tilespmem:s18+$0xFFFFFC20];
	v59 =	vadd.f32 v41, v39;
	v63 =	vmul.f32 v49, v6;
	v52 =	vmul.f32 v52, v7  }
0x98: {  	v42 =	vld [tilespmem:s18+$0xFFFFFDA0];
	v30 =	vadd.f32 v32, v30;
	v48 =	vmul.f32 v48, v4;
	v54 =	vmul.f32 v51, v3  }
0x99: {  	v55 =	vld [tilespmem:s18+$0xFFFFFC40];
	v25 =	vadd.f32 v25, v24;
	v24 =	vadd.f32 v61, v60;
	v61 =	vmul.f32 v43, v5  }
0x9a: {  	v60 =	vld [tilespmem:s18+$0xFFFFFD70];
	v27 =	vmul.f32 v27, v3;
	v33 =	vmul.f32 v33, v1;
	v26 =	vadd.f32 v28, v26  }
0x9b: {  	v32 =	vld [tilespmem:s18+$0xFFFFFC00];
	v28 =	vadd.f32 v35, v31;
	v38 =	vmul.f32 v38, v6;
	v40 =	vmul.f32 v40, v7  }
0x9c: {  	v31 =	vld [tilespmem:s18+$0xFFFFFCA0];
	v34 =	vadd.f32 v34, v44;
	v62 =	vmul.f32 v46, v4;
	v47 =	vmul.f32 v56, v2  }
0x9d: {  	v35 =	vld [tilespmem:s18+$0xFFFFFCB0];
	v50 =	vmul.f32 v57, v0;
	v44 =	vadd.f32 v52, v63;
	v45 =	vadd.f32 v45, v54  }
0x9e: {  	v56 =	vld [tilespmem:s18+$0xFFFFFC50];
	v36 =	vmul.f32 v36, v2;
	v27 =	vadd.f32 v33, v27;
	v26 =	vadd.f32 v28, v26  }
0x9f: {  	v57 =	vld [tilespmem:s18+$0xFFFFFC60];
	v51 =	vmul.f32 v37, v7;
	v34 =	vadd.f32 v34, v59;
	v39 =	vmul.f32 v60, v0  }
0xa0: {  	v63 =	vld [tilespmem:s18+$0xFFFFFCC0];
	v42 =	vmul.f32 v42, v5;
	v41 =	vadd.f32 v62, v61;
	v47 =	vadd.f32 v50, v47  }
0xa1: {  	v52 =	vld [tilespmem:s18+$0xFFFFFCD0];
	v29 =	vmul.f32 v29, v5;
	v30 =	vadd.f32 v34, v30;
	v60 =	vadd.f32 v39, v36  }
0xa2: {  	v59 =	vld [tilespmem:s18+$0xFFFFFC80];
	v28 =	vmul.f32 v32, v6;
	v42 =	vadd.f32 v48, v42;
	v62 =	vadd.f32 v47, v45  }
0xa3: {  	v50 =	vld [tilespmem:s18+$0xFFFFFC90];
	v34 =	vmul.f32 v53, v4;
	v31 =	vmul.f32 v31, v5;
	v27 =	vadd.f32 v60, v27  }
0xa4: {  	v53 =	vld [tilespmem:s18+$0xFFFFFCE0];
	v35 =	vmul.f32 v35, v4;
	v54 =	vmul.f32 v56, v1;
	v28 =	vadd.f32 v51, v28  }
0xa5: {  	v61 =	vadd.f32 v42, v44;
	v26 =	vadd.f32 v27, v26;
	v27 =	vmul.f32 v55, v3;
	v55 =	vld [tilespmem:s18+$0xFFFFFCF0]  }
0xa6: {  	v56 =	vmul.f32 v57, v2;
	v57 =	vmul.f32 v58, v0;
	v58 =	vld [tilespmem:s18+$0xFFFFFE50];
	v29 =	vadd.f32 v34, v29  }
0xa7: {  	(xrf2) =	vadd.scan.msk.f32 $0xffff, v18;
	v31 =	vadd.f32 v35, v31;
	v59 =	vmul.f32 v59, v6;
	v36 =	vadd.f32 v62, v61;
	v61 =	vld [tilespmem:s18+$0xFFFFFE60]  }
0xa8: {  	(xrf2) =	vadd.scan.msk.f32 $0xffff, v22;
	v18 =	vadd.f32 v57, v56;
	v60 =	vmul.f32 v50, v7;
	v62 =	vld [tilespmem:s18+$0xFFFFFE70];
	v27 =	vadd.f32 v54, v27  }
0xa9: {  	(xrf2) =	vadd.scan.msk.f32 $0xffff, v20;
	v37 =	vld [tilespmem:s18+$0xFFFFFFE0];
	v22 =	vadd.f32 v29, v28;
	v28 =	vmul.f32 v63, v3;
	v29 =	vmul.f32 v52, v1  }
0xaa: {  	(xrf2) =	vadd.scan.msk.f32 $0xffff, v25;
	v39 =	vld [tilespmem:s18+$0xFFFFFFF0];
	v20 =	vmul.f32 v53, v2;
	v18 =	vadd.f32 v18, v27;
	v27 =	vmul.f32 v55, v0  }
0xab: {  	v23 =	vmul.f32 v23, v3;
	(xrf2) =	vadd.scan.msk.f32 $0xffff, v24;
	v63 =	vld [tilespmem:s18+$0xFFFFFFD0];
	v25 =	vadd.f32 v60, v59;
	v24 =	vadd.f32 v29, v28  }
0xac: {  	(xrf2) =	vadd.scan.msk.f32 $0xffff, v8;
	v28 =	vld [tilespmem:s18+$0x150];
	v8 =	vadd.f32 v18, v22;
	v18 =	vmul.f32 v61, v2;
	v20 =	vadd.f32 v27, v20  }
0xad: {  	v38 =	vadd.f32 v40, v38;
	(xrf2) =	vadd.scan.msk.f32 $0xffff, v30;
	v29 =	vld [tilespmem:s18+$0x160];
	v22 =	vmul.f32 v62, v0;
	v27 =	vmul.f32 v58, v1  }
0xae: {  	v15 =	vmul.f32 v15, v3;
	(xrf2) =	vadd.scan.msk.f32 $0xffff, v36;
	v25 =	vadd.f32 v31, v25;
	v20 =	vadd.f32 v20, v24;
	v24 =	vld [tilespmem:s18+$0x170]  }
0xaf: {  	(xrf2) =	vadd.scan.msk.f32 $0xffff, v26;
	v26 =	vmul.f32 v39, v0;
	v18 =	vadd.f32 v22, v18;
	v23 =	vadd.f32 v27, v23  }
0xb0: {  	v30 =	vld [tilespmem:s18+$0x2E0];
	v22 =	vmul.f32 v63, v1;
	v20 =	vadd.f32 v20, v25;
	v25 =	vmul.f32 v37, v2  }
0xb1: {  	v11 =	vmul.f32 v11, v3;
	(xrf2) =	vadd.scan.msk.f32 $0xffff, v8;
	v8 =	vadd.f32 v41, v38;
	v18 =	vadd.f32 v18, v23;
	v23 =	vld [tilespmem:s18+$0x2F0]  }
0xb2: {  	v27 =	vld [tilespmem:s18+$0x2D0];
	v15 =	vadd.f32 v22, v15;
	v22 =	vadd.f32 v26, v25;
	v25 =	vmul.f32 v28, v1  }
0xb3: {  	v9 =	vld [tilespmem:s18+$0x2C0];
	v31, _, _ =	vpop (xrf2);
	v8 =	vadd.f32 v18, v8;
	v18 =	vmul.f32 v29, v2;
	v24 =	vmul.f32 v24, v0  }
0xb4: {  	v19 =	vadd.f32 v21, v19;
	(xrf2) =	vadd.scan.msk.f32 $0xffff, v20;
	v20, _, _ =	vpop (xrf2);
	v15 =	vadd.f32 v22, v15  }
0xb5: {  	v21 =	vld [tilespmem:s18+$0x3E0];
	v11 =	vadd.f32 v25, v11;
	v29, _, _ =	vpop (xrf2);
	v18 =	vadd.f32 v24, v18  }
0xb6: {  	v25 =	vld [tilespmem:s18+$0x3F0];
	v23 =	vmul.f32 v23, v0;
	v22, _, _ =	vpop (xrf2);
	v15 =	vadd.f32 v15, v19;
	v19 =	vmul.f32 v30, v2  }
0xb7: {  	v14 =	vld [tilespmem:s18+$0x3A0];
	(xrf2) =	vadd.scan.msk.f32 $0xffff, v8;
	v24 =	vmul.f32 v27, v1;
	v8, _, _ =	vpop (xrf2)  }
0xb8: {  	v9 =	vmul.f32 v9, v3;
	v16 =	vadd.f32 v17, v16;
	v17 =	vld [tilespmem:$0x1FFF0];
	v27, _, _ =	vpop (xrf2);
	v19 =	vadd.f32 v23, v19  }
0xb9: {  	v26 =	vld [tilespmem:s18+$0x3C0];
	v11 =	vadd.f32 v18, v11;
	v18, _, _ =	vpop (xrf2)  }
0xba: {  	v12 =	vadd.f32 v13, v12;
	v28 =	vld [tilespmem:s18+$0x3D0];
	v9 =	vadd.f32 v24, v9;
	(xrf2) =	vadd.scan.msk.f32 $0xffff, v15;
	v15, _, _ =	vpop (xrf2)  }
0xbb: {  	v21 =	vmul.f32 v21, v2;
	v11 =	vadd.f32 v11, v16;
	v13 =	vmul.f32 v25, v0;
	v24, _, _ =	vpop (xrf2)  }
0xbc: {  	v9 =	vadd.f32 v19, v9;
	v19, _, _ =	vpop (xrf2)  }
0xbd: {  	v14 =	vmul.f32 v14, v5;
	(xrf2) =	vadd.scan.msk.f32 $0xffff, v11;
	v11 =	vadd.f32 v13, v21;
	v13 =	vbroadcast v19, $0xF  }
0xbe: {  	v17 =	vmul.f32 v17, v4;
	v23 =	vmul.f32 v26, v3;
	v9 =	vadd.f32 v9, v12;
	v12, _, _ =	vpop (xrf2)  }
0xbf: {  	v16 =	vmul.f32 v28, v1;
	v12 =	vbroadcast v12, $0xF;
	_ =	sdelay $0x1  }
0xc0: {  	v14 =	vadd.f32 v17, v14;
	v16 =	vadd.f32 v16, v23;
	(xrf2) =	vadd.scan.msk.f32 $0xffff, v9;
	v9 =	vsel vm0, v13, v12;
	v13, _, _ =	vpop (xrf2)  }
0xc1: {  	v17 =	vbroadcast v24, $0xF;
	v13 =	vbroadcast v13, $0xF  }
0xc2: {  	v10 =	vadd.f32 v14, v10;
	v11 =	vadd.f32 v11, v16;
	v12 =	vbroadcast v15, $0xF  }
0xc3: {  	v9 =	vsel vm1, v9, v17  }
0xc4: {  	v10 =	vadd.f32 v11, v10;
	v11 =	vbroadcast v18, $0xF;
	v9 =	vsel vm2, v9, v12  }
0xc5: {  	v12 =	vbroadcast v27, $0xF;
	v9 =	vsel vm3, v9, v13;
	v13, _, _ =	vpop (xrf2)  }
0xc6: {  	v9 =	vsel vm4, v9, v11;
	(xrf2) =	vadd.scan.msk.f32 $0xffff, v10;
	v10 =	vbroadcast v13, $0xF  }
0xc7: {  	v8 =	vbroadcast v8, $0xF;
	v9 =	vsel vm5, v9, v12  }
0xc8: {  	v11, _, _ =	vpop (xrf2);
	v9 =	vsel vm6, v9, v10;
	v10 =	vbroadcast v22, $0xF  }
0xc9: {  	v8 =	vsel vm7, v9, v8;
	v9 =	vbroadcast v11, $0xF  }
0xca: {  	v8 =	vsel vm8, v8, v10;
	v10 =	vbroadcast v29, $0xF  }
0xcb: {  	v8 =	vsel vm9, v8, v9;
	v9 =	vbroadcast v20, $0xF  }
0xcc: {  	v8 =	vsel vm10, v8, v10  }
0xcd: {  	s19 =	sshll.u32 s26, $0xC;
	v11, _, _ =	vpop (xrf2);
	v8 =	vsel vm11, v8, v9;
	v9 =	vbroadcast v31, $0xF  }
0xce: {  	s12 =	sand.u32 $0xFFFFC000, s19;
	v10 =	vbroadcast v11, $0xF  }
0xcf: {  	s0 =	ssub.s32 s25, s12  }
0xd0: {  	s2 =	simm.s32 $0x0;
	s28 =	sadd.s32 $0x14880, s30;
	s17 =	sand.u32 $0xFFFFF400, s0;
	v8 =	vsel vm12, v8, v10  }
0xd1: {  	s2 =	sand.u32 $0x70, s2;
	s17 =	sadd.s32 s17, s28;
	v8 =	vsel vm13, v8, v9;
	v9, _, _ =	vpop (xrf2)  }
0xd2: {  	s2 =	sadd.s32 s2, s17;
	v8 =	vsel vm14, v8, v9  }
0xd3: {  	[tilespmem:s2+$0x0] =	vst v8;
	s2 =	simm.s32 $0x5480  }
0xd4: {  	v10 =	vld [tilespmem:s2+$0x380]  }
0xd5: {  	v12 =	vld [tilespmem:s2+$0x390]  }
0xd6: {  	v19 =	vld [tilespmem:s2+$0x3A0]  }
0xd7: {  	v8 =	vld [tilespmem:s2+$0x3B0]  }
0xd8: {  	v13 =	vld [tilespmem:s2+$0x300]  }
0xd9: {  	v14 =	vld [tilespmem:s2+$0x310]  }
0xda: {  	v15 =	vld [tilespmem:s2+$0x320]  }
0xdb: {  	v16 =	vld [tilespmem:s2+$0x330]  }
0xdc: {  	v17 =	vld [tilespmem:s2+$0x340]  }
0xdd: {  	v18 =	vld [tilespmem:s2+$0x350]  }
0xde: {  	v20 =	vld [tilespmem:s2+$0x360]  }
0xdf: {  	v21 =	vld [tilespmem:s2+$0x370]  }
0xe0: {  	v22 =	vld [tilespmem:s2+$0x280]  }
0xe1: {  	v23 =	vld [tilespmem:s2+$0x290]  }
0xe2: {  	v24 =	vld [tilespmem:s2+$0x2A0]  }
0xe3: {  	v25 =	vld [tilespmem:s2+$0x2B0]  }
0xe4: {  	v9 =	vld [tilespmem:s2+$0x2C0]  }
0xe5: {  	v26 =	vld [tilespmem:s2+$0x200]  }
0xe6: {  	v27 =	vld [tilespmem:s2+$0x210]  }
0xe7: {  	v28 =	vld [tilespmem:s2+$0x220]  }
0xe8: {  	v29 =	vld [tilespmem:s2+$0x230]  }
0xe9: {  	v30 =	vld [tilespmem:s2+$0x240]  }
0xea: {  	v31 =	vld [tilespmem:s2+$0x250]  }
0xeb: {  	v32 =	vld [tilespmem:s2+$0x260]  }
0xec: {  	v33 =	vld [tilespmem:s2+$0x270]  }
0xed: {  	v34 =	vld [tilespmem:s2+$0x180]  }
0xee: {  	v35 =	vld [tilespmem:s2+$0x190]  }
0xef: {  	v36 =	vld [tilespmem:s2+$0x1A0]  }
0xf0: {  	v37 =	vld [tilespmem:s2+$0x1B0]  }
0xf1: {  	v38 =	vld [tilespmem:s2+$0x1C0]  }
0xf2: {  	v39 =	vld [tilespmem:s2+$0x1D0]  }
0xf3: {  	v40 =	vld [tilespmem:s2+$0x1E0]  }
0xf4: {  	v41 =	vld [tilespmem:s2+$0x1F0]  }
0xf5: {  	v42 =	vld [tilespmem:s2+$0x100]  }
0xf6: {  	v43 =	vld [tilespmem:s2+$0x110]  }
0xf7: {  	v44 =	vld [tilespmem:s2+$0x120]  }
0xf8: {  	v45 =	vld [tilespmem:s2+$0x130]  }
0xf9: {  	v11 =	vld [tilespmem:s2+$0x140]  }
0xfa: {  	v46 =	vld [tilespmem:s2+$0x80]  }
0xfb: {  	v47 =	vld [tilespmem:s2+$0x90]  }
0xfc: {  	v48 =	vld [tilespmem:s2+$0xA0]  }
0xfd: {  	v49 =	vld [tilespmem:s2+$0xB0]  }
0xfe: {  	v50 =	vld [tilespmem:s2+$0xC0]  }
0xff: {  	v51 =	vld [tilespmem:s2+$0xD0]  }
0x100: {  	v52 =	vld [tilespmem:s2+$0xE0]  }
0x101: {  	v53 =	vld [tilespmem:s2+$0xF0]  }
0x102: {  	v54 =	vld [tilespmem:s2+$0x0]  }
0x103: {  	v55 =	vld [tilespmem:s2+$0x10];
	v13 =	vmul.f32 v13, v6  }
0x104: {  	v60 =	vld [tilespmem:s2+$0x60];
	v14 =	vmul.f32 v14, v7;
	v15 =	vmul.f32 v15, v5  }
0x105: {  	v61 =	vld [tilespmem:s2+$0x70];
	v16 =	vmul.f32 v16, v4;
	v17 =	vmul.f32 v17, v3  }
0x106: {  	v56 =	vld [tilespmem:s2+$0x20];
	v18 =	vmul.f32 v18, v1;
	v20 =	vmul.f32 v20, v2  }
0x107: {  	v57 =	vld [tilespmem:s2+$0x30];
	v21 =	vmul.f32 v21, v0;
	v10 =	vmul.f32 v10, v6  }
0x108: {  	v58 =	vld [tilespmem:s2+$0x40];
	v12 =	vmul.f32 v12, v7;
	v13 =	vadd.f32 v14, v13;
	v14 =	vadd.f32 v16, v15  }
0x109: {  	v59 =	vld [tilespmem:s2+$0x50];
	v60 =	vmul.f32 v60, v2;
	v15 =	vadd.f32 v18, v17;
	v16 =	vadd.f32 v21, v20  }
0x10a: {  	v62 =	vld [tilespmem:s2+$0xFFFFFF80];
	v61 =	vmul.f32 v61, v0;
	v21 =	vmul.f32 v23, v7  }
0x10b: {  	v63 =	vld [tilespmem:s2+$0xFFFFFFB0];
	v23 =	vmul.f32 v25, v4;
	v13 =	vadd.f32 v14, v13;
	v15 =	vadd.f32 v16, v15  }
0x10c: {  	v17 =	vld [tilespmem:s2+$0xFFFFFF90];
	v10 =	vadd.f32 v12, v10;
	v25 =	vmul.f32 v27, v7;
	v16 =	vmul.f32 v22, v6  }
0x10d: {  	v18 =	vld [tilespmem:s2+$0xFFFFFFA0];
	v27 =	vmul.f32 v31, v1;
	v22 =	vmul.f32 v24, v5;
	v20 =	vadd.f32 v15, v13  }
0x10e: {  	v14 =	vld [tilespmem:s2+$0xFFFFFFC0];
	v15 =	vmul.f32 v26, v6;
	v12 =	vadd.f32 v21, v16;
	v16 =	vmul.f32 v28, v5  }
0x10f: {  	v24 =	vld [tilespmem:s2+$0xFFFFFF00];
	v21 =	vmul.f32 v29, v4;
	v13 =	vadd.f32 v23, v22;
	v23 =	vmul.f32 v30, v3  }
0x110: {  	v26 =	vld [tilespmem:s2+$0xFFFFFF10];
	v28 =	vmul.f32 v32, v2;
	v29 =	vmul.f32 v33, v0  }
0x111: {  	v22 =	vld [tilespmem:s2+$0xFFFFFF20];
	v32 =	vmul.f32 v36, v5;
	v33 =	vmul.f32 v37, v4  }
0x112: {  	v30 =	vld [tilespmem:s2+$0xFFFFFF40];
	v37 =	vmul.f32 v43, v7;
	v43 =	vmul.f32 v48, v5  }
0x113: {  	v36 =	vld [tilespmem:s2+$0xFFFFFF70];
	v48 =	vmul.f32 v53, v0;
	v53 =	vmul.f32 v59, v1  }
0x114: {  	v59 =	vadd.f32 v61, v60;
	v61 =	vmul.f32 v62, v6;
	v62 =	vmul.f32 v63, v4;
	v63 =	vld [tilespmem:s2+$0xFFFFFDD0]  }
0x115: {  	v15 =	vadd.f32 v25, v15;
	v25 =	vld [tilespmem:s2+$0xFFFFFF30]  }
0x116: {  	v23 =	vadd.f32 v27, v23;
	v27 =	vld [tilespmem:s2+$0xFFFFFF50];
	v28 =	vadd.f32 v29, v28  }
0x117: {  	v31 =	vmul.f32 v35, v7;
	v16 =	vadd.f32 v21, v16;
	v21 =	vmul.f32 v34, v6;
	v29 =	vld [tilespmem:s2+$0xFFFFFF60]  }
0x118: {  	v35 =	vmul.f32 v39, v1;
	v34 =	vmul.f32 v38, v3;
	v23 =	vadd.f32 v28, v23;
	v28 =	vld [tilespmem:s2+$0xFFFFFE80]  }
0x119: {  	v21 =	vadd.f32 v31, v21;
	v31 =	vadd.f32 v33, v32;
	v32 =	vld [tilespmem:s2+$0xFFFFFE90]  }
0x11a: {  	v41 =	vmul.f32 v41, v0;
	v38 =	vmul.f32 v44, v5;
	v33 =	vadd.f32 v35, v34;
	v34 =	vld [tilespmem:s2+$0xFFFFFEA0]  }
0x11b: {  	v44 =	vmul.f32 v49, v4;
	v35 =	vmul.f32 v42, v6;
	v42 =	vld [tilespmem:s2+$0xFFFFFED0]  }
0x11c: {  	v15 =	vadd.f32 v16, v15;
	v16 =	vmul.f32 v40, v2;
	v40 =	vmul.f32 v46, v6;
	v46 =	vld [tilespmem:s2+$0xFFFFFEE0]  }
0x11d: {  	v24 =	vmul.f32 v24, v6;
	v43 =	vadd.f32 v44, v43;
	v44 =	vld [tilespmem:s2+$0xFFFFFE20]  }
0x11e: {  	v26 =	vmul.f32 v26, v7;
	v16 =	vadd.f32 v41, v16;
	v21 =	vadd.f32 v31, v21;
	v31 =	vld [tilespmem:s2+$0xFFFFFEB0]  }
0x11f: {  	v41 =	vmul.f32 v47, v7;
	v23 =	vadd.f32 v23, v15;
	v15 =	vadd.f32 v37, v35;
	v35 =	vld [tilespmem:s2+$0xFFFFFEF0]  }
0x120: {  	v24 =	vadd.f32 v26, v24;
	v26 =	vmul.f32 v29, v2;
	v29 =	vmul.f32 v36, v0;
	v36 =	vld [tilespmem:s2+$0xFFFFFD10]  }
0x121: {  	v37 =	vmul.f32 v52, v2;
	v52 =	vmul.f32 v58, v3;
	v16 =	vadd.f32 v16, v33;
	v33 =	vld [tilespmem:s2+$0xFFFFFEC0]  }
0x122: {  	v40 =	vadd.f32 v41, v40;
	v41 =	vld [tilespmem:s2+$0xFFFFFE10]  }
0x123: {  	v58 =	vadd.f32 v53, v52;
	v52 =	vld [tilespmem:s2+$0xFFFFFD90]  }
0x124: {  	v30 =	vmul.f32 v30, v3;
	v27 =	vmul.f32 v27, v1;
	v37 =	vadd.f32 v48, v37;
	v48 =	vld [tilespmem:s2+$0xFFFFFDB0]  }
0x125: {  	v39 =	vmul.f32 v45, v4;
	v17 =	vmul.f32 v17, v7;
	v53 =	vld [tilespmem:s2+$0xFFFFFD00]  }
0x126: {  	v22 =	vmul.f32 v22, v5;
	v25 =	vmul.f32 v25, v4;
	v27 =	vadd.f32 v27, v30;
	v30 =	vld [tilespmem:s2+$0xFFFFFD20]  }
0x127: {  	v18 =	vmul.f32 v18, v5;
	v49 =	vmul.f32 v55, v7;
	v26 =	vadd.f32 v29, v26;
	v29 =	vld [tilespmem:s2+$0xFFFFFD30]  }
0x128: {  	v22 =	vadd.f32 v25, v22;
	v25 =	vmul.f32 v28, v6;
	v28 =	vmul.f32 v32, v7;
	v32 =	vld [tilespmem:s2+$0xFFFFFD70]  }
0x129: {  	v17 =	vadd.f32 v17, v61;
	v63 =	vmul.f32 v63, v1;
	v55 =	vmul.f32 v34, v5;
	v34 =	vld [tilespmem:s2+$0xFFFFFCB0]  }
0x12a: {  	v47 =	vmul.f32 v51, v1;
	v45 =	vadd.f32 v16, v21;
	v16 =	vadd.f32 v39, v38;
	v38 =	vld [tilespmem:s2+$0xFFFFFE00]  }
0x12b: {  	v18 =	vadd.f32 v62, v18;
	v51 =	vmul.f32 v57, v4;
	v39 =	vmul.f32 v54, v6;
	v54 =	vld [tilespmem:s2+$0xFFFFFE30]  }
0x12c: {  	v21 =	vmul.f32 v50, v3;
	v50 =	vmul.f32 v56, v5;
	v40 =	vadd.f32 v43, v40;
	v43 =	vld [tilespmem:s2+$0xFFFFFDA0]  }
0x12d: {  	v60 =	vadd.f32 v59, v58;
	v56 =	vmul.f32 v42, v1;
	v42 =	vld [tilespmem:s2+$0xFFFFFD40];
	v31 =	vmul.f32 v31, v4  }
0x12e: {  	v22 =	vadd.f32 v22, v24;
	v24 =	vmul.f32 v46, v2;
	v26 =	vadd.f32 v26, v27;
	v46 =	vld [tilespmem:s2+$0xFFFFFD50]  }
0x12f: {  	v35 =	vmul.f32 v35, v0;
	v25 =	vadd.f32 v28, v25;
	v28 =	vld [tilespmem:s2+$0xFFFFFD60];
	v47 =	vadd.f32 v47, v21  }
0x130: {  	v21 =	vld [tilespmem:s2+$0xFFFFFE40];
	v39 =	vadd.f32 v49, v39;
	v57 =	vadd.f32 v51, v50;
	v33 =	vmul.f32 v33, v3  }
0x131: {  	v49 =	vld [tilespmem:s2+$0xFFFFFD80];
	v27 =	vadd.f32 v31, v55;
	v58 =	vmul.f32 v41, v7;
	v37 =	vadd.f32 v37, v47  }
0x132: {  	v50 =	vld [tilespmem:s2+$0xFFFFFDE0];
	v24 =	vadd.f32 v35, v24;
	v61 =	vmul.f32 v52, v7;
	v62 =	vmul.f32 v48, v4  }
0x133: {  	v53 =	vmul.f32 v53, v6;
	v39 =	vadd.f32 v57, v39;
	v37 =	vadd.f32 v37, v40;
	v40 =	vld [tilespmem:s2+$0xFFFFFDC0]  }
0x134: {  	(xrf2) =	vadd.scan.msk.f32 $0xffff, v20;
	v51 =	vld [tilespmem:s2+$0xFFFFFDF0];
	v57 =	vmul.f32 v38, v6;
	v25 =	vadd.f32 v27, v25;
	v27 =	vmul.f32 v44, v5  }
0x135: {  	v52 =	vld [tilespmem:s2+$0xFFFFFC20];
	v31 =	vadd.f32 v56, v33;
	v59 =	vmul.f32 v54, v4;
	v54 =	vmul.f32 v36, v7  }
0x136: {  	v48 =	vld [tilespmem:s2+$0xFFFFFC30];
	v56 =	vmul.f32 v30, v5;
	v42 =	vmul.f32 v42, v3  }
0x137: {  	(xrf2) =	vadd.scan.msk.f32 $0xffff, v23;
	v35 =	vld [tilespmem:s2+$0xFFFFFCC0];
	v39 =	vadd.f32 v60, v39;
	v24 =	vadd.f32 v24, v31;
	v60 =	vmul.f32 v49, v6  }
0x138: {  	v47 =	vld [tilespmem:s2+$0xFFFFFC40];
	v49 =	vadd.f32 v26, v22;
	v22 =	vmul.f32 v43, v5;
	v20 =	vmul.f32 v40, v3  }
0x139: {  	(xrf2) =	vadd.scan.msk.f32 $0xffff, v45;
	v38 =	vld [tilespmem:s2+$0xFFFFFC00];
	v23 =	vmul.f32 v50, v2;
	v26 =	vadd.f32 v24, v25;
	v24 =	vadd.f32 v58, v57  }
0x13a: {  	v30 =	vld [tilespmem:s2+$0xFFFFFC80];
	v50 =	vmul.f32 v51, v0;
	v25 =	vadd.f32 v59, v27;
	v20 =	vadd.f32 v63, v20  }
0x13b: {  	v28 =	vmul.f32 v28, v2;
	v51 =	vld [tilespmem:s2+$0xFFFFFC50];
	(xrf2) =	vadd.scan.msk.f32 $0xffff, v37;
	v55 =	vadd.f32 v61, v60;
	v22 =	vadd.f32 v62, v22  }
0x13c: {  	v31 =	vld [tilespmem:s2+$0xFFFFFC10];
	v57 =	vmul.f32 v29, v4;
	v58 =	vmul.f32 v46, v1;
	v23 =	vadd.f32 v50, v23  }
0x13d: {  	v33 =	vld [tilespmem:s2+$0xFFFFFC90];
	v59 =	vmul.f32 v32, v0;
	v60 =	vadd.f32 v54, v53;
	v22 =	vadd.f32 v22, v55  }
0x13e: {  	v27 =	vld [tilespmem:s2+$0xFFFFFC60];
	v41 =	vadd.f32 v57, v56;
	v61 =	vadd.f32 v23, v20;
	v20, _, _ =	vpop (xrf2);
	(xrf2) =	vadd.scan.msk.f32 $0xffff, v39  }
0x13f: {  	v29 =	vld [tilespmem:s2+$0xFFFFFC70];
	v38 =	vmul.f32 v38, v6;
	v42 =	vadd.f32 v58, v42;
	v28 =	vadd.f32 v59, v28  }
0x140: {  	v36 =	vld [tilespmem:s2+$0xFFFFFCD0];
	v40 =	vmul.f32 v52, v5;
	v43 =	vmul.f32 v51, v1;
	v62 =	vadd.f32 v41, v60  }
0x141: {  	v32 =	vld [tilespmem:s2+$0xFFFFFCA0];
	v28 =	vadd.f32 v28, v42;
	v63 =	vmul.f32 v31, v7;
	v31 =	vadd.f32 v61, v22;
	v22, _, _ =	vpop (xrf2);
	(xrf2) =	vadd.scan.msk.f32 $0xffff, v49  }
0x142: {  	v37 =	vld [tilespmem:s2+$0xFFFFFCE0];
	v41 =	vmul.f32 v48, v4;
	v42 =	vmul.f32 v47, v3  }
0x143: {  	s29 =	ssub.s32 s24, s12;
	s12 =	simm.s32 $0x10;
	s17 =	simm.s32 $0x20;
	v23 =	vmul.f32 v19, v5;
	v28 =	vadd.f32 v28, v62;
	v39 =	vadd.f32 v63, v38;
	v38 =	vld [tilespmem:s2+$0xFFFFFCF0];
	v19, _, _ =	vpop (xrf2)  }
.LBB2_3:
0x144: {  	p0 =	sne.s32 s17, $0xF0;
	v27 =	vmul.f32 v27, v2;
	v29 =	vmul.f32 v29, v0;
	v40 =	vadd.f32 v41, v40;
	v41 =	vld [tilespmem:s2+$0xFFFFFE50];
	(xrf2) =	vadd.scan.msk.f32 $0xffff, v26  }
0x145: {  	v30 =	vmul.f32 v30, v6;
	v33 =	vmul.f32 v33, v7;
	v44 =	vadd.f32 v43, v42;
	v43 =	vld [tilespmem:s2+$0xFFFFFE60];
	v26, _, _ =	vpop (xrf2)  }
0x146: {  	v27 =	vadd.f32 v29, v27;
	v29 =	vmul.f32 v32, v5;
	v32 =	vmul.f32 v34, v4;
	v34 =	vld [tilespmem:s2+$0xFFFFFE70]  }
0x147: {  	v35 =	vmul.f32 v35, v3;
	v39 =	vadd.f32 v40, v39;
	v36 =	vmul.f32 v36, v1;
	v40 =	vld [tilespmem:s2+$0xFFFFFFD0];
	(xrf2) =	vadd.scan.msk.f32 $0xffff, v31  }
0x148: {  	v31 =	vmul.f32 v37, v2;
	v27 =	vadd.f32 v27, v44;
	v37 =	vmul.f32 v38, v0;
	v38 =	vld [tilespmem:s2+$0xFFFFFFE0];
	v42, _, _ =	vpop (xrf2)  }
0x149: {  	v21 =	vmul.f32 v21, v3;
	v30 =	vadd.f32 v33, v30;
	v29 =	vadd.f32 v32, v29;
	v32 =	vld [tilespmem:s2+$0xFFFFFFF0]  }
0x14a: {  	v33 =	vadd.f32 v36, v35;
	v35 =	vmul.f32 v41, v1;
	v31 =	vadd.f32 v37, v31;
	v36 =	vld [tilespmem:s2+$0x150];
	(xrf2) =	vadd.scan.msk.f32 $0xffff, v28  }
0x14b: {  	v27 =	vadd.f32 v27, v39;
	v28 =	vmul.f32 v43, v2;
	v34 =	vmul.f32 v34, v0;
	v37 =	vld [tilespmem:s2+$0x160];
	v39, _, _ =	vpop (xrf2)  }
0x14c: {  	v14 =	vmul.f32 v14, v3;
	v29 =	vadd.f32 v29, v30;
	v30 =	vadd.f32 v31, v33;
	v31 =	vld [tilespmem:s2+$0x170]  }
0x14d: {  	v21 =	vadd.f32 v35, v21;
	v33 =	vmul.f32 v40, v1;
	v28 =	vadd.f32 v34, v28;
	v34 =	vld [tilespmem:s2+$0x2D0];
	(xrf2) =	vadd.scan.msk.f32 $0xffff, v27  }
0x14e: {  	v27 =	vadd.f32 v30, v29;
	v29 =	vmul.f32 v38, v2;
	v30 =	vmul.f32 v32, v0;
	v32 =	vld [tilespmem:s2+$0x2E0];
	v35, _, _ =	vpop (xrf2)  }
0x14f: {  	v24 =	vadd.f32 v25, v24;
	v11 =	vmul.f32 v11, v3;
	v21 =	vadd.f32 v28, v21;
	v25 =	vld [tilespmem:s2+$0x2F0]  }
0x150: {  	v14 =	vadd.f32 v33, v14;
	v28 =	vadd.f32 v30, v29;
	v29 =	vmul.f32 v36, v1;
	v30 =	vld [tilespmem:s2+$0x3C0];
	(xrf2) =	vadd.scan.msk.f32 $0xffff, v27  }
0x151: {  	v21 =	vadd.f32 v21, v24;
	v24 =	vmul.f32 v37, v2;
	v27 =	vmul.f32 v31, v0;
	v31 =	vld [tilespmem:s2+$0x3D0];
	v33, _, _ =	vpop (xrf2)  }
0x152: {  	v17 =	vadd.f32 v18, v17;
	v9 =	vmul.f32 v9, v3;
	v14 =	vadd.f32 v28, v14;
	v18 =	vld [tilespmem:s2+$0x3E0]  }
0x153: {  	v11 =	vadd.f32 v29, v11;
	v24 =	vadd.f32 v27, v24;
	v27 =	vmul.f32 v34, v1;
	v28 =	vld [tilespmem:s2+$0x3F0];
	(xrf2) =	vadd.scan.msk.f32 $0xffff, v21  }
0x154: {  	v14 =	vadd.f32 v14, v17;
	v17 =	vmul.f32 v32, v2;
	v21 =	vmul.f32 v25, v0;
	v25, _, _ =	vpop (xrf2)  }
0x155: {  	v15 =	vadd.f32 v16, v15;
	v8 =	vmul.f32 v8, v4;
	v11 =	vadd.f32 v24, v11  }
0x156: {  	v9 =	vadd.f32 v27, v9;
	v16 =	vadd.f32 v21, v17;
	v17 =	vmul.f32 v30, v3;
	(xrf2) =	vadd.scan.msk.f32 $0xffff, v14  }
0x157: {  	v14 =	vmul.f32 v31, v1;
	v11 =	vadd.f32 v11, v15;
	v15 =	vmul.f32 v18, v2;
	v18, _, _ =	vpop (xrf2)  }
0x158: {  	v21 =	vadd.f32 v13, v12;
	v9 =	vadd.f32 v16, v9;
	v13 =	vmul.f32 v28, v0  }
0x159: {  	v8 =	vadd.f32 v8, v23;
	v14 =	vadd.f32 v14, v17;
	(xrf2) =	vadd.scan.msk.f32 $0xffff, v11  }
0x15a: {  	v9 =	vadd.f32 v9, v21;
	v11 =	vadd.f32 v13, v15;
	v12, _, _ =	vpop (xrf2)  }
0x15b: {  	v13 =	vbroadcast v18, $0xF;
	v16 =	vbroadcast v12, $0xF  }
0x15c: {  	v8 =	vadd.f32 v8, v10;
	v15 =	vbroadcast v25, $0xF;
	v10 =	vadd.f32 v11, v14;
	(xrf2) =	vadd.scan.msk.f32 $0xffff, v9  }
0x15d: {  	v11 =	vbroadcast v33, $0xF;
	v9 =	vsel vm0, v13, v16;
	v12, _, _ =	vpop (xrf2)  }
0x15e: {  	v9 =	vsel vm1, v9, v15;
	v13 =	vbroadcast v12, $0xF;
	v8 =	vadd.f32 v10, v8  }
0x15f: {  	v10 =	vbroadcast v35, $0xF;
	v9 =	vsel vm2, v9, v11  }
0x160: {  	v9 =	vsel vm3, v9, v13;
	v13 =	vbroadcast v39, $0xF;
	v12, _, _ =	vpop (xrf2);
	(xrf2) =	vadd.scan.msk.f32 $0xffff, v8  }
0x161: {  	v8 =	vsel vm4, v9, v10;
	v9 =	vbroadcast v12, $0xF  }
0x162: {  	v10 =	vbroadcast v42, $0xF;
	v8 =	vsel vm5, v8, v13  }
0x163: {  	v8 =	vsel vm6, v8, v9;
	v9 =	vbroadcast v26, $0xF;
	v11, _, _ =	vpop (xrf2)  }
0x164: {  	v8 =	vsel vm7, v8, v10;
	v10 =	vbroadcast v11, $0xF  }
0x165: {  	v8 =	vsel vm8, v8, v9;
	v9 =	vbroadcast v19, $0xF  }
0x166: {  	v8 =	vsel vm9, v8, v10;
	v10 =	vbroadcast v22, $0xF;
	v11, _, _ =	vpop (xrf2)  }
0x167: {  	v8 =	vsel vm10, v8, v9;
	v11 =	vbroadcast v11, $0xF  }
0x168: {  	s0 =	sadd.s32 $0x80, s0;
	v8 =	vsel vm11, v8, v10;
	v10 =	vbroadcast v20, $0xF  }
0x169: {  	s18 =	sand.u32 $0xFFFFF400, s0;
	v8 =	vsel vm12, v8, v11  }
0x16a: {  	s19 =	sand.u32 $0x70, s12;
	s12 =	smov.u32 s17;
	s18 =	sadd.s32 s18, s28;
	v8 =	vsel vm13, v8, v10;
	v9, _, _ =	vpop (xrf2)  }
0x16b: {  	s18 =	sadd.s32 s19, s18;
	v8 =	vsel vm14, v8, v9  }
0x16c: {  	s2 =	sadd.s32 $0x800, s2;
	[tilespmem:s18+$0x0] =	vst v8  }
0x16d: {  	v10 =	vld [tilespmem:s2+$0x380]  }
0x16e: {  	v12 =	vld [tilespmem:s2+$0x390]  }
0x16f: {  	v19 =	vld [tilespmem:s2+$0x3A0]  }
0x170: {  	v8 =	vld [tilespmem:s2+$0x3B0]  }
0x171: {  	v13 =	vld [tilespmem:s2+$0x300]  }
0x172: {  	v14 =	vld [tilespmem:s2+$0x310]  }
0x173: {  	v15 =	vld [tilespmem:s2+$0x320]  }
0x174: {  	v16 =	vld [tilespmem:s2+$0x330]  }
0x175: {  	v17 =	vld [tilespmem:s2+$0x340]  }
0x176: {  	v18 =	vld [tilespmem:s2+$0x350]  }
0x177: {  	v20 =	vld [tilespmem:s2+$0x360]  }
0x178: {  	v21 =	vld [tilespmem:s2+$0x370]  }
0x179: {  	v22 =	vld [tilespmem:s2+$0x280]  }
0x17a: {  	v25 =	vld [tilespmem:s2+$0x290]  }
0x17b: {  	v26 =	vld [tilespmem:s2+$0x2A0]  }
0x17c: {  	v27 =	vld [tilespmem:s2+$0x2B0]  }
0x17d: {  	v9 =	vld [tilespmem:s2+$0x2C0]  }
0x17e: {  	v28 =	vld [tilespmem:s2+$0x200]  }
0x17f: {  	v29 =	vld [tilespmem:s2+$0x210]  }
0x180: {  	v30 =	vld [tilespmem:s2+$0x220]  }
0x181: {  	v31 =	vld [tilespmem:s2+$0x230]  }
0x182: {  	v32 =	vld [tilespmem:s2+$0x240]  }
0x183: {  	v33 =	vld [tilespmem:s2+$0x250]  }
0x184: {  	v34 =	vld [tilespmem:s2+$0x260]  }
0x185: {  	v35 =	vld [tilespmem:s2+$0x270]  }
0x186: {  	v36 =	vld [tilespmem:s2+$0x180]  }
0x187: {  	v37 =	vld [tilespmem:s2+$0x190]  }
0x188: {  	v38 =	vld [tilespmem:s2+$0x1A0]  }
0x189: {  	v39 =	vld [tilespmem:s2+$0x1B0]  }
0x18a: {  	v40 =	vld [tilespmem:s2+$0x1C0]  }
0x18b: {  	v41 =	vld [tilespmem:s2+$0x1D0]  }
0x18c: {  	v42 =	vld [tilespmem:s2+$0x1E0]  }
0x18d: {  	v43 =	vld [tilespmem:s2+$0x1F0]  }
0x18e: {  	v44 =	vld [tilespmem:s2+$0x100]  }
0x18f: {  	v45 =	vld [tilespmem:s2+$0x110]  }
0x190: {  	v46 =	vld [tilespmem:s2+$0x120]  }
0x191: {  	v47 =	vld [tilespmem:s2+$0x130]  }
0x192: {  	v11 =	vld [tilespmem:s2+$0x140]  }
0x193: {  	v48 =	vld [tilespmem:s2+$0x80]  }
0x194: {  	v49 =	vld [tilespmem:s2+$0x90]  }
0x195: {  	v50 =	vld [tilespmem:s2+$0xA0]  }
0x196: {  	v51 =	vld [tilespmem:s2+$0xB0]  }
0x197: {  	v52 =	vld [tilespmem:s2+$0xC0]  }
0x198: {  	v53 =	vld [tilespmem:s2+$0xD0]  }
0x199: {  	v54 =	vld [tilespmem:s2+$0xE0]  }
0x19a: {  	v55 =	vld [tilespmem:s2+$0xF0]  }
0x19b: {  	v56 =	vld [tilespmem:s2+$0x0]  }
0x19c: {  	v57 =	vld [tilespmem:s2+$0x10]  }
0x19d: {  	v58 =	vld [tilespmem:s2+$0x20]  }
0x19e: {  	v13 =	vmul.f32 v13, v6;
	v14 =	vmul.f32 v14, v7;
	v59 =	vld [tilespmem:s2+$0x30]  }
0x19f: {  	v15 =	vmul.f32 v15, v5;
	v16 =	vmul.f32 v16, v4;
	v60 =	vld [tilespmem:s2+$0x40]  }
0x1a0: {  	v23 =	vmul.f32 v17, v3;
	v18 =	vmul.f32 v18, v1;
	v61 =	vld [tilespmem:s2+$0x50]  }
0x1a1: {  	v20 =	vmul.f32 v20, v2;
	v21 =	vmul.f32 v21, v0;
	v62 =	vld [tilespmem:s2+$0x60]  }
0x1a2: {  	v13 =	vadd.f32 v14, v13;
	v14 =	vadd.f32 v16, v15;
	v63 =	vld [tilespmem:s2+$0x70]  }
0x1a3: {  	v15 =	vadd.f32 v18, v23;
	v16 =	vadd.f32 v21, v20;
	v17 =	vld [tilespmem:s2+$0xFFFFFF80]  }
0x1a4: {  	v10 =	vmul.f32 v10, v6;
	v12 =	vmul.f32 v12, v7;
	v18 =	vld [tilespmem:s2+$0xFFFFFF90]  }
0x1a5: {  	v13 =	vadd.f32 v14, v13;
	v15 =	vadd.f32 v16, v15;
	v23 =	vld [tilespmem:s2+$0xFFFFFFA0]  }
0x1a6: {  	v10 =	vadd.f32 v12, v10;
	v21 =	vmul.f32 v25, v7;
	v16 =	vmul.f32 v22, v6;
	v24 =	vld [tilespmem:s2+$0xFFFFFFB0]  }
0x1a7: {  	v22 =	vmul.f32 v26, v5;
	v25 =	vmul.f32 v27, v4;
	v20 =	vadd.f32 v15, v13;
	v14 =	vld [tilespmem:s2+$0xFFFFFFC0]  }
0x1a8: {  	v15 =	vmul.f32 v28, v6;
	v12 =	vadd.f32 v21, v16;
	v27 =	vmul.f32 v29, v7;
	v26 =	vld [tilespmem:s2+$0xFFFFFF00]  }
0x1a9: {  	v13 =	vadd.f32 v25, v22;
	v16 =	vmul.f32 v30, v5;
	v21 =	vmul.f32 v31, v4;
	v28 =	vld [tilespmem:s2+$0xFFFFFF10]  }
0x1aa: {  	v15 =	vadd.f32 v27, v15;
	v22 =	vmul.f32 v32, v3;
	v29 =	vmul.f32 v33, v1;
	v25 =	vld [tilespmem:s2+$0xFFFFFF20]  }
0x1ab: {  	v16 =	vadd.f32 v21, v16;
	v30 =	vmul.f32 v34, v2;
	v31 =	vmul.f32 v35, v0;
	v27 =	vld [tilespmem:s2+$0xFFFFFF30]  }
0x1ac: {  	v22 =	vadd.f32 v29, v22;
	v21 =	vmul.f32 v36, v6;
	v33 =	vmul.f32 v37, v7;
	v32 =	vld [tilespmem:s2+$0xFFFFFF40]  }
0x1ad: {  	v30 =	vadd.f32 v31, v30;
	v34 =	vmul.f32 v38, v5;
	v35 =	vmul.f32 v39, v4;
	v29 =	vld [tilespmem:s2+$0xFFFFFF50]  }
0x1ae: {  	v15 =	vadd.f32 v16, v15;
	v36 =	vmul.f32 v40, v3;
	v37 =	vmul.f32 v41, v1;
	v31 =	vld [tilespmem:s2+$0xFFFFFF60]  }
0x1af: {  	v22 =	vadd.f32 v30, v22;
	v16 =	vmul.f32 v42, v2;
	v39 =	vmul.f32 v43, v0;
	v38 =	vld [tilespmem:s2+$0xFFFFFF70]  }
0x1b0: {  	v21 =	vadd.f32 v33, v21;
	v33 =	vadd.f32 v35, v34;
	v30 =	vld [tilespmem:s2+$0xFFFFFE80]  }
0x1b1: {  	v35 =	vadd.f32 v37, v36;
	v16 =	vadd.f32 v39, v16;
	v34 =	vld [tilespmem:s2+$0xFFFFFE90]  }
0x1b2: {  	v21 =	vadd.f32 v33, v21;
	v37 =	vmul.f32 v44, v6;
	v39 =	vmul.f32 v45, v7;
	v36 =	vld [tilespmem:s2+$0xFFFFFEA0]  }
0x1b3: {  	v40 =	vmul.f32 v46, v5;
	v41 =	vmul.f32 v47, v4;
	v16 =	vadd.f32 v16, v35;
	v33 =	vld [tilespmem:s2+$0xFFFFFEB0]  }
0x1b4: {  	v44 =	vadd.f32 v22, v15;
	v42 =	vmul.f32 v48, v6;
	v43 =	vmul.f32 v49, v7;
	v35 =	vld [tilespmem:s2+$0xFFFFFEC0]  }
0x1b5: {  	v22 =	vadd.f32 v16, v21;
	v46 =	vmul.f32 v50, v5;
	v47 =	vmul.f32 v51, v4;
	v45 =	vld [tilespmem:s2+$0xFFFFFED0]  }
0x1b6: {  	v15 =	vadd.f32 v39, v37;
	v21 =	vmul.f32 v52, v3;
	v49 =	vmul.f32 v53, v1;
	v48 =	vld [tilespmem:s2+$0xFFFFFEE0]  }
0x1b7: {  	v16 =	vadd.f32 v41, v40;
	v39 =	vmul.f32 v54, v2;
	v50 =	vmul.f32 v55, v0;
	v37 =	vld [tilespmem:s2+$0xFFFFFEF0]  }
0x1b8: {  	v42 =	vadd.f32 v43, v42;
	v41 =	vmul.f32 v56, v6;
	v51 =	vmul.f32 v57, v7;
	v40 =	vld [tilespmem:s2+$0xFFFFFE00]  }
0x1b9: {  	v46 =	vadd.f32 v47, v46;
	v52 =	vmul.f32 v58, v5;
	v53 =	vmul.f32 v59, v4;
	v43 =	vld [tilespmem:s2+$0xFFFFFE10]  }
0x1ba: {  	v49 =	vadd.f32 v49, v21;
	v54 =	vmul.f32 v60, v3;
	v55 =	vmul.f32 v61, v1;
	v47 =	vld [tilespmem:s2+$0xFFFFFE20]  }
0x1bb: {  	v39 =	vadd.f32 v50, v39;
	v57 =	vmul.f32 v62, v2;
	v58 =	vmul.f32 v63, v0;
	v56 =	vld [tilespmem:s2+$0xFFFFFE30]  }
0x1bc: {  	v41 =	vadd.f32 v51, v41;
	v50 =	vadd.f32 v53, v52;
	v21 =	vld [tilespmem:s2+$0xFFFFFE40]  }
0x1bd: {  	v52 =	vadd.f32 v55, v54;
	v53 =	vadd.f32 v58, v57;
	v51 =	vld [tilespmem:s2+$0xFFFFFD80]  }
0x1be: {  	v42 =	vadd.f32 v46, v42;
	v39 =	vadd.f32 v39, v49;
	v54 =	vld [tilespmem:s2+$0xFFFFFD90]  }
0x1bf: {  	v41 =	vadd.f32 v50, v41;
	v49 =	vadd.f32 v53, v52;
	v46 =	vld [tilespmem:s2+$0xFFFFFDA0]  }
0x1c0: {  	v39 =	vadd.f32 v39, v42;
	v17 =	vmul.f32 v17, v6;
	v18 =	vmul.f32 v18, v7;
	v50 =	vld [tilespmem:s2+$0xFFFFFDB0]  }
0x1c1: {  	v23 =	vmul.f32 v23, v5;
	v24 =	vmul.f32 v24, v4;
	v41 =	vadd.f32 v49, v41;
	v42 =	vld [tilespmem:s2+$0xFFFFFDC0]  }
0x1c2: {  	v17 =	vadd.f32 v18, v17;
	v26 =	vmul.f32 v26, v6;
	v28 =	vmul.f32 v28, v7;
	v49 =	vld [tilespmem:s2+$0xFFFFFDD0]  }
0x1c3: {  	v18 =	vadd.f32 v24, v23;
	v25 =	vmul.f32 v25, v5;
	v27 =	vmul.f32 v27, v4;
	v52 =	vld [tilespmem:s2+$0xFFFFFDE0]  }
0x1c4: {  	v26 =	vadd.f32 v28, v26;
	v24 =	vmul.f32 v32, v3;
	v29 =	vmul.f32 v29, v1;
	v23 =	vld [tilespmem:s2+$0xFFFFFDF0]  }
0x1c5: {  	v25 =	vadd.f32 v27, v25;
	v31 =	vmul.f32 v31, v2;
	v32 =	vmul.f32 v38, v0;
	v28 =	vld [tilespmem:s2+$0xFFFFFD00]  }
0x1c6: {  	v24 =	vadd.f32 v29, v24;
	v30 =	vmul.f32 v30, v6;
	v34 =	vmul.f32 v34, v7;
	v27 =	vld [tilespmem:s2+$0xFFFFFD10]  }
0x1c7: {  	v31 =	vadd.f32 v32, v31;
	v36 =	vmul.f32 v36, v5;
	v33 =	vmul.f32 v33, v4;
	v29 =	vld [tilespmem:s2+$0xFFFFFD20]  }
0x1c8: {  	v25 =	vadd.f32 v25, v26;
	v35 =	vmul.f32 v35, v3;
	v38 =	vmul.f32 v45, v1;
	v32 =	vld [tilespmem:s2+$0xFFFFFD30]  }
0x1c9: {  	v24 =	vadd.f32 v31, v24;
	v26 =	vmul.f32 v48, v2;
	v37 =	vmul.f32 v37, v0;
	v45 =	vld [tilespmem:s2+$0xFFFFFD40]  }
0x1ca: {  	v30 =	vadd.f32 v34, v30;
	v33 =	vadd.f32 v33, v36;
	v31 =	vld [tilespmem:s2+$0xFFFFFD50]  }
0x1cb: {  	v35 =	vadd.f32 v38, v35;
	v26 =	vadd.f32 v37, v26;
	v34 =	vld [tilespmem:s2+$0xFFFFFD60];
	(xrf2) =	vadd.scan.msk.f32 $0xffff, v20  }
0x1cc: {  	v30 =	vadd.f32 v33, v30;
	v36 =	vmul.f32 v40, v6;
	v37 =	vmul.f32 v43, v7;
	v20 =	vld [tilespmem:s2+$0xFFFFFD70]  }
0x1cd: {  	v33 =	vmul.f32 v47, v5;
	v40 =	vmul.f32 v56, v4;
	v26 =	vadd.f32 v26, v35;
	v38 =	vld [tilespmem:s2+$0xFFFFFC00]  }
0x1ce: {  	v48 =	vadd.f32 v24, v25;
	v35 =	vmul.f32 v51, v6;
	v47 =	vmul.f32 v54, v7;
	v43 =	vld [tilespmem:s2+$0xFFFFFC10];
	(xrf2) =	vadd.scan.msk.f32 $0xffff, v44  }
0x1cf: {  	v26 =	vadd.f32 v26, v30;
	v46 =	vmul.f32 v46, v5;
	v50 =	vmul.f32 v50, v4;
	v44 =	vld [tilespmem:s2+$0xFFFFFC20]  }
0x1d0: {  	v24 =	vadd.f32 v37, v36;
	v30 =	vmul.f32 v42, v3;
	v42 =	vmul.f32 v49, v1;
	v51 =	vld [tilespmem:s2+$0xFFFFFC30]  }
0x1d1: {  	v25 =	vadd.f32 v40, v33;
	v36 =	vmul.f32 v52, v2;
	v23 =	vmul.f32 v23, v0;
	v49 =	vld [tilespmem:s2+$0xFFFFFC40];
	(xrf2) =	vadd.scan.msk.f32 $0xffff, v22  }
0x1d2: {  	v35 =	vadd.f32 v47, v35;
	v22 =	vmul.f32 v28, v6;
	v28 =	vmul.f32 v27, v7;
	v52 =	vld [tilespmem:s2+$0xFFFFFC50]  }
0x1d3: {  	v40 =	vadd.f32 v50, v46;
	v37 =	vmul.f32 v29, v5;
	v32 =	vmul.f32 v32, v4;
	v27 =	vld [tilespmem:s2+$0xFFFFFC60]  }
0x1d4: {  	v42 =	vadd.f32 v42, v30;
	v45 =	vmul.f32 v45, v3;
	v31 =	vmul.f32 v31, v1;
	v29 =	vld [tilespmem:s2+$0xFFFFFC70];
	(xrf2) =	vadd.scan.msk.f32 $0xffff, v39  }
0x1d5: {  	v23 =	vadd.f32 v23, v36;
	v34 =	vmul.f32 v34, v2;
	v39 =	vmul.f32 v20, v0;
	v30 =	vld [tilespmem:s2+$0xFFFFFC80];
	v20, _, _ =	vpop (xrf2)  }
0x1d6: {  	v36 =	vadd.f32 v32, v37;
	v28 =	vadd.f32 v28, v22;
	v33 =	vld [tilespmem:s2+$0xFFFFFC90]  }
0x1d7: {  	v31 =	vadd.f32 v31, v45;
	v37 =	vadd.f32 v39, v34;
	v32 =	vld [tilespmem:s2+$0xFFFFFCA0];
	(xrf2) =	vadd.scan.msk.f32 $0xffff, v41  }
.Ltmp0:
0x1d8: {  	v39 =	vadd.f32 v40, v35;
	v40 =	vadd.f32 v23, v42;
	v34 =	vld [tilespmem:s2+$0xFFFFFCB0];
	v22, _, _ =	vpop (xrf2);
	(pc) =	sbr.rel @p0 .LBB2_3-.Ltmp0, $4  }
0x1d9: {  	v28 =	vadd.f32 v36, v28;
	v23 =	vmul.f32 v19, v5;
	v42 =	vadd.f32 v37, v31;
	v35 =	vld [tilespmem:s2+$0xFFFFFCC0]  }
0x1da: {  	v38 =	vmul.f32 v38, v6;
	v45 =	vmul.f32 v43, v7;
	v31 =	vadd.f32 v40, v39;
	v36 =	vld [tilespmem:s2+$0xFFFFFCD0];
	(xrf2) =	vadd.scan.msk.f32 $0xffff, v48  }
0x1db: {  	v41 =	vmul.f32 v51, v4;
	v40 =	vmul.f32 v44, v5;
	v28 =	vadd.f32 v42, v28;
	v37 =	vld [tilespmem:s2+$0xFFFFFCE0];
	v19, _, _ =	vpop (xrf2)  }
0x1dc: {  	s17 =	sadd.s32 $0x10, s17;
	v43 =	vmul.f32 v52, v1;
	v39 =	vadd.f32 v45, v38;
	v42 =	vmul.f32 v49, v3;
	v38 =	vld [tilespmem:s2+$0xFFFFFCF0]  }
0x1dd: {  	v27 =	vmul.f32 v27, v2;
	v29 =	vmul.f32 v29, v0  }
0x1de: {  	v40 =	vadd.f32 v41, v40;
	v54 =	vld [tilespmem:s2+$0xFFFFFE50];
	v6 =	vmul.f32 v30, v6;
	v7 =	vmul.f32 v33, v7  }
0x1df: {  	v30 =	vld [tilespmem:s2+$0xFFFFFE60];
	v5 =	vmul.f32 v32, v5;
	v24 =	vadd.f32 v25, v24;
	v42 =	vadd.f32 v43, v42  }
0x1e0: {  	v55 =	vld [tilespmem:s2+$0xFFFFFE70];
	v57 =	vmul.f32 v35, v3;
	v27 =	vadd.f32 v29, v27;
	v29 =	vmul.f32 v34, v4  }
0x1e1: {  	v59 =	vld [tilespmem:s2+$0xFFFFFFD0];
	v58 =	vmul.f32 v36, v1;
	v6 =	vadd.f32 v7, v6;
	v7 =	vmul.f32 v21, v3  }
0x1e2: {  	v56 =	vadd.f32 v40, v39;
	v21 =	vld [tilespmem:s2+$0xFFFFFFF0];
	v37 =	vmul.f32 v37, v2;
	v38 =	vmul.f32 v38, v0  }
0x1e3: {  	v60 =	vld [tilespmem:s2+$0xFFFFFFE0];
	v27 =	vadd.f32 v27, v42;
	v5 =	vadd.f32 v29, v5  }
0x1e4: {  	v63 =	vld [tilespmem:s2+$0x150];
	v29 =	vadd.f32 v58, v57;
	v62 =	vmul.f32 v54, v1;
	v61 =	vadd.f32 v38, v37  }
0x1e5: {  	(xrf2) =	vadd.scan.msk.f32 $0xffff, v26;
	v26 =	vld [tilespmem:s2+$0x170];
	v30 =	vmul.f32 v30, v2;
	v32 =	vmul.f32 v55, v0;
	v27 =	vadd.f32 v27, v56  }
0x1e6: {  	v14 =	vmul.f32 v14, v3;
	v40 =	vld [tilespmem:s2+$0x160];
	v5 =	vadd.f32 v5, v6;
	v6 =	vadd.f32 v61, v29  }
0x1e7: {  	v25 =	vld [tilespmem:s2+$0x2F0];
	v7 =	vadd.f32 v62, v7;
	v21 =	vmul.f32 v21, v0;
	v29 =	vadd.f32 v32, v30  }
0x1e8: {  	(xrf2) =	vadd.scan.msk.f32 $0xffff, v31;
	v31 =	vld [tilespmem:s2+$0x2D0];
	v30 =	vmul.f32 v59, v1;
	v5 =	vadd.f32 v6, v5;
	v6 =	vmul.f32 v60, v2  }
0x1e9: {  	v11 =	vmul.f32 v11, v3;
	(xrf2) =	vadd.scan.msk.f32 $0xffff, v28;
	v28 =	vld [tilespmem:s2+$0x2E0];
	v7 =	vadd.f32 v29, v7  }
0x1ea: {  	(xrf2) =	vadd.scan.msk.f32 $0xffff, v27;
	v14 =	vadd.f32 v30, v14;
	v6 =	vadd.f32 v21, v6;
	v21 =	vmul.f32 v63, v1  }
0x1eb: {  	v27 =	vld [tilespmem:s2+$0x3C0];
	(xrf2) =	vadd.scan.msk.f32 $0xffff, v5;
	v5 =	vadd.f32 v7, v24;
	v7 =	vmul.f32 v40, v2;
	v24 =	vmul.f32 v26, v0  }
0x1ec: {  	v17 =	vadd.f32 v18, v17;
	v9 =	vmul.f32 v9, v3;
	v6 =	vadd.f32 v6, v14;
	v14 =	vld [tilespmem:s2+$0x3E0]  }
0x1ed: {  	v25 =	vmul.f32 v25, v0;
	v26 =	vld [tilespmem:s2+$0x3D0];
	v11 =	vadd.f32 v21, v11;
	v7 =	vadd.f32 v24, v7  }
0x1ee: {  	v18, _, _ =	vpop (xrf2);
	v21 =	vmul.f32 v31, v1;
	v24 =	vld [tilespmem:s2+$0x3F0];
	(xrf2) =	vadd.scan.msk.f32 $0xffff, v5;
	v6 =	vadd.f32 v6, v17;
	v17 =	vmul.f32 v28, v2  }
0x1ef: {  	v15 =	vadd.f32 v16, v15;
	v5, _, _ =	vpop (xrf2);
	v7 =	vadd.f32 v7, v11  }
0x1f0: {  	v9 =	vadd.f32 v21, v9;
	v28, _, _ =	vpop (xrf2);
	v11 =	vadd.f32 v25, v17  }
0x1f1: {  	v12 =	vadd.f32 v13, v12;
	v4 =	vmul.f32 v8, v4;
	v8, _, _ =	vpop (xrf2);
	v2 =	vmul.f32 v14, v2  }
0x1f2: {  	v3 =	vmul.f32 v27, v3;
	v1 =	vmul.f32 v26, v1;
	(xrf2) =	vadd.scan.msk.f32 $0xffff, v6;
	v6, _, _ =	vpop (xrf2);
	v9 =	vadd.f32 v11, v9  }
0x1f3: {  	v7 =	vadd.f32 v7, v15;
	v0 =	vmul.f32 v24, v0;
	v14, _, _ =	vpop (xrf2)  }
0x1f4: {  	v1 =	vadd.f32 v1, v3;
	v11, _, _ =	vpop (xrf2);
	v3 =	vadd.f32 v9, v12  }
0x1f5: {  	v4 =	vadd.f32 v4, v23;
	(xrf2) =	vadd.scan.msk.f32 $0xffff, v7;
	v0 =	vadd.f32 v0, v2;
	v2, _, _ =	vpop (xrf2)  }
0x1f6: {  	v7 =	vbroadcast v11, $0xF;
	v2 =	vbroadcast v2, $0xF  }
0x1f7: {  	v4 =	vadd.f32 v4, v10;
	v9 =	vbroadcast v14, $0xF  }
0x1f8: {  	v0 =	vadd.f32 v0, v1;
	(xrf2) =	vadd.scan.msk.f32 $0xffff, v3;
	v1 =	vsel vm0, v7, v2;
	v2 =	vbroadcast v6, $0xF;
	v3, _, _ =	vpop (xrf2)  }
0x1f9: {  	v1 =	vsel vm1, v1, v9;
	v3 =	vbroadcast v3, $0xF  }
0x1fa: {  	v0 =	vadd.f32 v0, v4;
	v1 =	vsel vm2, v1, v2  }
0x1fb: {  	v2 =	vbroadcast v8, $0xF;
	v1 =	vsel vm3, v1, v3;
	v3 =	vbroadcast v28, $0xF  }
0x1fc: {  	v4, _, _ =	vpop (xrf2)  }
0x1fd: {  	(xrf2) =	vadd.scan.msk.f32 $0xffff, v0;
	v0 =	vsel vm4, v1, v2;
	v1 =	vbroadcast v4, $0xF  }
0x1fe: {  	v2 =	vbroadcast v5, $0xF;
	v0 =	vsel vm5, v0, v3  }
0x1ff: {  	v0 =	vsel vm6, v0, v1;
	v1 =	vbroadcast v18, $0xF;
	v3, _, _ =	vpop (xrf2)  }
0x200: {  	v0 =	vsel vm7, v0, v2;
	v2 =	vbroadcast v3, $0xF  }
0x201: {  	v0 =	vsel vm8, v0, v1;
	v1 =	vbroadcast v19, $0xF  }
0x202: {  	v3, _, _ =	vpop (xrf2);
	v0 =	vsel vm9, v0, v2  }
0x203: {  	v2 =	vbroadcast v22, $0xF;
	v0 =	vsel vm10, v0, v1;
	v1 =	vbroadcast v3, $0xF;
	_ =	sdelay $0x1  }
0x204: {  	s0 =	sadd.s32 $0x80, s0;
	v0 =	vsel vm11, v0, v2;
	v2 =	vbroadcast v20, $0xF  }
0x205: {  	s0 =	sand.u32 $0xFFFFF400, s0;
	v0 =	vsel vm12, v0, v1  }
0x206: {  	s18 =	sand.u32 $0x70, s12;
	s0 =	sadd.s32 s0, s28;
	v0 =	vsel vm13, v0, v2;
	v1, _, _ =	vpop (xrf2)  }
0x207: {  	p0 =	seq.s32 s26, $0x1F;
	s0 =	sadd.s32 s18, s0;
	v0 =	vsel vm14, v0, v1  }
0x208: {  	s12 =	simm.s32 @!p0 $0x4880;
	s2 =	simm.s32 @!p0 $0x80;
	[tilespmem:s0+$0x0] =	vst v0;
	s0 =	sadd.s32 @!p0 $0xA80, s31  }
0x209: {  	[tilespmem:s12], [sflag:$0x1] =	stream.indirect.gather @!p0 [hbm4b:s1+s2], $0x80, s0, s2, $0xb8;
	[tilespmem:$0x18880] =	vst v63  }
0x20a: {  	s0 =	sadd.s32 @!p0 $0xB00, s31;
	s12 =	simm.s32 @!p0 $0x8880  }
0x20b: {  	[tilespmem:s12], [sflag:$0x1] =	stream.indirect.gather @!p0 [hbm4b:s1+s2], $0x80, s0, s2, $0xb8;
	[tilespmem:$0x18880] =	vst v63  }
0x20c: {  	_ =	swait.ge [sflag:s14], $0x8000  }
0x20d: {  	[sflag:s14] =	ssyncset.done $0x0  }
0x20e: {  	[sflag:s14] =	ssyncadd.s32 $0xFFFF8000  }
0x20f: {  	v6 =	vld [tilespmem:s30+$0x0]  }
0x210: {  	v7 =	vld [tilespmem:s30+$0x10]  }
0x211: {  	v5 =	vld [tilespmem:s30+$0x20]  }
0x212: {  	v4 =	vld [tilespmem:s30+$0x30]  }
0x213: {  	v3 =	vld [tilespmem:s30+$0x40]  }
0x214: {  	v1 =	vld [tilespmem:s30+$0x50]  }
0x215: {  	v2 =	vld [tilespmem:s30+$0x60]  }
0x216: {  	s19 =	simm.s32 $0xCC80;
	v0 =	vld [tilespmem:s30+$0x70]  }
0x217: {  	v10 =	vld [tilespmem:s19+$0x380]  }
0x218: {  	v12 =	vld [tilespmem:s19+$0x390]  }
0x219: {  	v8 =	vld [tilespmem:s19+$0x3B0]  }
0x21a: {  	v13 =	vld [tilespmem:s19+$0x300]  }
0x21b: {  	v15 =	vld [tilespmem:s19+$0x310]  }
0x21c: {  	v16 =	vld [tilespmem:s19+$0x320]  }
0x21d: {  	v17 =	vld [tilespmem:s19+$0x330]  }
0x21e: {  	v18 =	vld [tilespmem:s19+$0x340]  }
0x21f: {  	v19 =	vld [tilespmem:s19+$0x350]  }
0x220: {  	v20 =	vld [tilespmem:s19+$0x360]  }
0x221: {  	v21 =	vld [tilespmem:s19+$0x370]  }
0x222: {  	v22 =	vld [tilespmem:s19+$0x280]  }
0x223: {  	v23 =	vld [tilespmem:s19+$0x290]  }
0x224: {  	v24 =	vld [tilespmem:s19+$0x2A0]  }
0x225: {  	v25 =	vld [tilespmem:s19+$0x2B0]  }
0x226: {  	v26 =	vld [tilespmem:s19+$0x200]  }
0x227: {  	v27 =	vld [tilespmem:s19+$0x210]  }
0x228: {  	v28 =	vld [tilespmem:s19+$0x220]  }
0x229: {  	v29 =	vld [tilespmem:s19+$0x230]  }
0x22a: {  	v30 =	vld [tilespmem:s19+$0x240]  }
0x22b: {  	v31 =	vld [tilespmem:s19+$0x250]  }
0x22c: {  	v32 =	vld [tilespmem:s19+$0x260]  }
0x22d: {  	v33 =	vld [tilespmem:s19+$0x270]  }
0x22e: {  	v34 =	vld [tilespmem:s19+$0x180]  }
0x22f: {  	v35 =	vld [tilespmem:s19+$0x190]  }
0x230: {  	v36 =	vld [tilespmem:s19+$0x1A0]  }
0x231: {  	v37 =	vld [tilespmem:s19+$0x1B0]  }
0x232: {  	v38 =	vld [tilespmem:s19+$0x1C0]  }
0x233: {  	v39 =	vld [tilespmem:s19+$0x1D0]  }
0x234: {  	v40 =	vld [tilespmem:s19+$0x1E0]  }
0x235: {  	v41 =	vld [tilespmem:s19+$0x1F0]  }
0x236: {  	v42 =	vld [tilespmem:s19+$0x100]  }
0x237: {  	v43 =	vld [tilespmem:s19+$0x110]  }
0x238: {  	v44 =	vld [tilespmem:s19+$0x120]  }
0x239: {  	v45 =	vld [tilespmem:s19+$0x130]  }
0x23a: {  	v11 =	vld [tilespmem:s19+$0x140]  }
0x23b: {  	v46 =	vld [tilespmem:s19+$0x80]  }
0x23c: {  	v47 =	vld [tilespmem:s19+$0x90]  }
0x23d: {  	v48 =	vld [tilespmem:s19+$0xA0]  }
0x23e: {  	v49 =	vld [tilespmem:s19+$0xB0]  }
0x23f: {  	v50 =	vld [tilespmem:s19+$0xC0]  }
0x240: {  	v51 =	vld [tilespmem:s19+$0xD0]  }
0x241: {  	v52 =	vld [tilespmem:s19+$0xE0]  }
0x242: {  	v53 =	vld [tilespmem:s19+$0xF0]  }
0x243: {  	v54 =	vld [tilespmem:s19+$0x0]  }
0x244: {  	v55 =	vld [tilespmem:s19+$0x10]  }
0x245: {  	v56 =	vld [tilespmem:s19+$0x20]  }
0x246: {  	v58 =	vld [tilespmem:s19+$0x40]  }
0x247: {  	v59 =	vld [tilespmem:s19+$0x50]  }
0x248: {  	v60 =	vld [tilespmem:s19+$0x60];
	v13 =	vmul.f32 v13, v6  }
0x249: {  	v61 =	vld [tilespmem:s19+$0x70];
	v15 =	vmul.f32 v15, v7;
	v16 =	vmul.f32 v16, v5  }
0x24a: {  	v57 =	vld [tilespmem:s19+$0x30];
	v17 =	vmul.f32 v17, v4;
	v18 =	vmul.f32 v18, v3  }
0x24b: {  	v62 =	vld [tilespmem:s19+$0xFFFFFF80];
	v19 =	vmul.f32 v19, v1;
	v20 =	vmul.f32 v20, v2  }
0x24c: {  	v63 =	vld [tilespmem:s19+$0xFFFFFFB0];
	v21 =	vmul.f32 v21, v0;
	v58 =	vmul.f32 v58, v3  }
0x24d: {  	[tilespmem:$0x1FFE0] =	vst v8;
	v8 =	vld [tilespmem:s19+$0xFFFFFF00];
	v59 =	vmul.f32 v59, v1;
	v60 =	vmul.f32 v60, v2;
	v13 =	vadd.f32 v15, v13  }
0x24e: {  	v61 =	vmul.f32 v61, v0;
	v15 =	vadd.f32 v17, v16;
	v16 =	vadd.f32 v19, v18;
	v19 =	vld [tilespmem:s19+$0xFFFFFF90]  }
0x24f: {  	v17 =	vadd.f32 v21, v20;
	v21 =	vld [tilespmem:s19+$0xFFFFFFA0];
	v20 =	vmul.f32 v23, v7;
	v23 =	vmul.f32 v25, v4  }
0x250: {  	v25 =	vmul.f32 v33, v0;
	v33 =	vld [tilespmem:s19+$0xFFFFFF60];
	v58 =	vadd.f32 v59, v58;
	v59 =	vadd.f32 v61, v60  }
0x251: {  	v13 =	vadd.f32 v15, v13;
	v16 =	vadd.f32 v17, v16;
	v17 =	vmul.f32 v22, v6;
	v15 =	vld [tilespmem:s19+$0xFFFFFFC0]  }
0x252: {  	v22 =	vmul.f32 v24, v5;
	v24 =	vmul.f32 v27, v7;
	v27 =	vld [tilespmem:s19+$0xFFFFFF20]  }
0x253: {  	v10 =	vmul.f32 v10, v6;
	v12 =	vmul.f32 v12, v7;
	v61 =	vadd.f32 v59, v58;
	v58 =	vld [tilespmem:s19+$0xFFFFFD30]  }
0x254: {  	v18 =	vadd.f32 v16, v13;
	v16 =	vmul.f32 v26, v6;
	v26 =	vld [tilespmem:s19+$0xFFFFFF10]  }
0x255: {  	v10 =	vadd.f32 v12, v10;
	v12 =	vadd.f32 v20, v17;
	v17 =	vmul.f32 v28, v5;
	v28 =	vld [tilespmem:s19+$0xFFFFFF30]  }
0x256: {  	v41 =	vmul.f32 v41, v0;
	v20 =	vmul.f32 v29, v4;
	v29 =	vld [tilespmem:s19+$0xFFFFFF40]  }
0x257: {  	v8 =	vmul.f32 v8, v6;
	v13 =	vadd.f32 v23, v22;
	v23 =	vmul.f32 v31, v1;
	v31 =	vld [tilespmem:s19+$0xFFFFFF50]  }
0x258: {  	v22 =	vmul.f32 v30, v3;
	v30 =	vmul.f32 v35, v7;
	v35 =	vld [tilespmem:s19+$0xFFFFFF70];
	v16 =	vadd.f32 v24, v16  }
0x259: {  	v24 =	vmul.f32 v32, v2;
	v17 =	vadd.f32 v20, v17;
	v32 =	vmul.f32 v37, v4;
	v37 =	vld [tilespmem:s19+$0xFFFFFE80]  }
0x25a: {  	v20 =	vmul.f32 v34, v6;
	v22 =	vadd.f32 v23, v22;
	v23 =	vmul.f32 v36, v5;
	v36 =	vld [tilespmem:s19+$0xFFFFFEB0]  }
0x25b: {  	v34 =	vmul.f32 v39, v1;
	v39 =	vld [tilespmem:s19+$0xFFFFFEC0];
	v27 =	vmul.f32 v27, v5;
	v24 =	vadd.f32 v25, v24  }
0x25c: {  	v25 =	vmul.f32 v38, v3;
	v16 =	vadd.f32 v17, v16;
	v20 =	vadd.f32 v30, v20;
	v30 =	vld [tilespmem:s19+$0xFFFFFE90]  }
0x25d: {  	v17 =	vmul.f32 v40, v2;
	v23 =	vadd.f32 v32, v23;
	v32 =	vld [tilespmem:s19+$0xFFFFFEA0];
	v40 =	vmul.f32 v47, v7  }
0x25e: {  	v47 =	vmul.f32 v53, v0;
	v53 =	vld [tilespmem:s19+$0xFFFFFC30];
	v26 =	vmul.f32 v26, v7;
	v22 =	vadd.f32 v24, v22  }
0x25f: {  	v28 =	vmul.f32 v28, v4;
	v24 =	vadd.f32 v34, v25;
	v17 =	vadd.f32 v41, v17;
	v41 =	vld [tilespmem:s19+$0xFFFFFED0]  }
0x260: {  	v34 =	vmul.f32 v43, v7;
	v20 =	vadd.f32 v23, v20;
	v23 =	vmul.f32 v44, v5;
	v44 =	vld [tilespmem:s19+$0xFFFFFEE0]  }
0x261: {  	v43 =	vmul.f32 v49, v4;
	v49 =	vmul.f32 v55, v7;
	v55 =	vld [tilespmem:s19+$0xFFFFFDD0]  }
0x262: {  	v29 =	vmul.f32 v29, v3;
	v31 =	vmul.f32 v31, v1;
	v8 =	vadd.f32 v26, v8;
	v26 =	vld [tilespmem:s19+$0xFFFFFD00]  }
0x263: {  	v33 =	vmul.f32 v33, v2;
	v35 =	vmul.f32 v35, v0;
	v27 =	vadd.f32 v28, v27;
	v28 =	vld [tilespmem:s19+$0xFFFFFD10]  }
0x264: {  	v62 =	vmul.f32 v62, v6;
	v25 =	vmul.f32 v42, v6;
	v29 =	vadd.f32 v31, v29;
	v31 =	vld [tilespmem:s19+$0xFFFFFD20]  }
0x265: {  	v42 =	vmul.f32 v48, v5;
	v33 =	vadd.f32 v35, v33;
	v35 =	vmul.f32 v58, v4;
	v58 =	vld [tilespmem:s19+$0xFFFFFC70]  }
0x266: {  	v48 =	vmul.f32 v54, v6;
	v22 =	vadd.f32 v22, v16;
	v16 =	vadd.f32 v34, v25;
	v34 =	vld [tilespmem:s19+$0xFFFFFEF0]  }
0x267: {  	v19 =	vmul.f32 v19, v7;
	v38 =	vmul.f32 v45, v4;
	v42 =	vadd.f32 v43, v42;
	v43 =	vld [tilespmem:s19+$0xFFFFFE20]  }
0x268: {  	v45 =	vmul.f32 v50, v3;
	v50 =	vmul.f32 v56, v5;
	v56 =	vadd.f32 v49, v48;
	v49 =	vld [tilespmem:s19+$0xFFFFFD80]  }
0x269: {  	v57 =	vmul.f32 v57, v4;
	v25 =	vmul.f32 v52, v2;
	v52 =	vld [tilespmem:s19+$0xFFFFFD90]  }
0x26a: {  	v63 =	vmul.f32 v63, v4;
	v21 =	vmul.f32 v21, v5;
	v19 =	vadd.f32 v19, v62;
	v48 =	vld [tilespmem:s19+$0xFFFFFDB0]  }
0x26b: {  	v17 =	vadd.f32 v17, v24;
	v24 =	vmul.f32 v46, v6;
	v46 =	vmul.f32 v51, v1;
	v51 =	vld [tilespmem:s19+$0xFFFFFDC0]  }
0x26c: {  	v21 =	vadd.f32 v63, v21;
	v8 =	vadd.f32 v27, v8;
	v27 =	vld [tilespmem:s19+$0xFFFFFD40]  }
0x26d: {  	v57 =	vadd.f32 v57, v50;
	v29 =	vadd.f32 v33, v29;
	v33 =	vld [tilespmem:s19+$0xFFFFFD50]  }
0x26e: {  	v20 =	vadd.f32 v17, v20;
	v17 =	vadd.f32 v38, v23;
	v38 =	vld [tilespmem:s19+$0xFFFFFE00]  }
0x26f: {  	v37 =	vmul.f32 v37, v6;
	v36 =	vmul.f32 v36, v4;
	v24 =	vadd.f32 v40, v24;
	v40 =	vld [tilespmem:s19+$0xFFFFFE10]  }
0x270: {  	v39 =	vmul.f32 v39, v3;
	v30 =	vmul.f32 v30, v7;
	v45 =	vadd.f32 v46, v45;
	v46 =	vld [tilespmem:s19+$0xFFFFFE30]  }
0x271: {  	v32 =	vmul.f32 v32, v5;
	v25 =	vadd.f32 v47, v25;
	v23 =	vld [tilespmem:s19+$0xFFFFFE40];
	v60 =	vadd.f32 v57, v56  }
0x272: {  	v56 =	vld [tilespmem:s19+$0xFFFFFDE0];
	v41 =	vmul.f32 v41, v1;
	v44 =	vmul.f32 v44, v2;
	v30 =	vadd.f32 v30, v37  }
0x273: {  	v57 =	vld [tilespmem:s19+$0xFFFFFDF0];
	v32 =	vadd.f32 v36, v32;
	v25 =	vadd.f32 v25, v45;
	v45 =	vmul.f32 v55, v1  }
0x274: {  	v36 =	vld [tilespmem:s19+$0xFFFFFD60];
	v8 =	vadd.f32 v29, v8;
	v26 =	vmul.f32 v26, v6;
	v28 =	vmul.f32 v28, v7  }
0x275: {  	v37 =	vld [tilespmem:s19+$0xFFFFFC10];
	v24 =	vadd.f32 v42, v24;
	v31 =	vmul.f32 v31, v5;
	v34 =	vmul.f32 v34, v0  }
0x276: {  	v29 =	vld [tilespmem:s19+$0xFFFFFC20];
	v59 =	vadd.f32 v41, v39;
	v63 =	vmul.f32 v49, v6;
	v52 =	vmul.f32 v52, v7  }
0x277: {  	v42 =	vld [tilespmem:s19+$0xFFFFFDA0];
	v30 =	vadd.f32 v32, v30;
	v48 =	vmul.f32 v48, v4;
	v54 =	vmul.f32 v51, v3  }
0x278: {  	v55 =	vld [tilespmem:s19+$0xFFFFFC40];
	v25 =	vadd.f32 v25, v24;
	v24 =	vadd.f32 v61, v60;
	v61 =	vmul.f32 v43, v5  }
0x279: {  	v60 =	vld [tilespmem:s19+$0xFFFFFD70];
	v27 =	vmul.f32 v27, v3;
	v33 =	vmul.f32 v33, v1;
	v26 =	vadd.f32 v28, v26  }
0x27a: {  	v32 =	vld [tilespmem:s19+$0xFFFFFC00];
	v28 =	vadd.f32 v35, v31;
	v38 =	vmul.f32 v38, v6;
	v40 =	vmul.f32 v40, v7  }
0x27b: {  	v31 =	vld [tilespmem:s19+$0xFFFFFCA0];
	v34 =	vadd.f32 v34, v44;
	v62 =	vmul.f32 v46, v4;
	v47 =	vmul.f32 v56, v2  }
0x27c: {  	v35 =	vld [tilespmem:s19+$0xFFFFFCB0];
	v50 =	vmul.f32 v57, v0;
	v44 =	vadd.f32 v52, v63;
	v45 =	vadd.f32 v45, v54  }
0x27d: {  	v56 =	vld [tilespmem:s19+$0xFFFFFC50];
	v36 =	vmul.f32 v36, v2;
	v27 =	vadd.f32 v33, v27;
	v26 =	vadd.f32 v28, v26  }
0x27e: {  	v57 =	vld [tilespmem:s19+$0xFFFFFC60];
	v51 =	vmul.f32 v37, v7;
	v34 =	vadd.f32 v34, v59;
	v39 =	vmul.f32 v60, v0  }
0x27f: {  	v63 =	vld [tilespmem:s19+$0xFFFFFCC0];
	v42 =	vmul.f32 v42, v5;
	v41 =	vadd.f32 v62, v61;
	v47 =	vadd.f32 v50, v47  }
0x280: {  	v52 =	vld [tilespmem:s19+$0xFFFFFCD0];
	v29 =	vmul.f32 v29, v5;
	v30 =	vadd.f32 v34, v30;
	v60 =	vadd.f32 v39, v36  }
0x281: {  	v59 =	vld [tilespmem:s19+$0xFFFFFC80];
	v28 =	vmul.f32 v32, v6;
	v42 =	vadd.f32 v48, v42;
	v62 =	vadd.f32 v47, v45  }
0x282: {  	v50 =	vld [tilespmem:s19+$0xFFFFFC90];
	v34 =	vmul.f32 v53, v4;
	v31 =	vmul.f32 v31, v5;
	v27 =	vadd.f32 v60, v27  }
0x283: {  	v53 =	vld [tilespmem:s19+$0xFFFFFCE0];
	v35 =	vmul.f32 v35, v4;
	v54 =	vmul.f32 v56, v1;
	v28 =	vadd.f32 v51, v28  }
0x284: {  	v61 =	vadd.f32 v42, v44;
	v26 =	vadd.f32 v27, v26;
	v27 =	vmul.f32 v55, v3;
	v55 =	vld [tilespmem:s19+$0xFFFFFCF0]  }
0x285: {  	v56 =	vmul.f32 v57, v2;
	v57 =	vmul.f32 v58, v0;
	v58 =	vld [tilespmem:s19+$0xFFFFFE50];
	v29 =	vadd.f32 v34, v29  }
0x286: {  	(xrf2) =	vadd.scan.msk.f32 $0xffff, v18;
	v31 =	vadd.f32 v35, v31;
	v59 =	vmul.f32 v59, v6;
	v36 =	vadd.f32 v62, v61;
	v61 =	vld [tilespmem:s19+$0xFFFFFE60]  }
0x287: {  	(xrf2) =	vadd.scan.msk.f32 $0xffff, v22;
	v18 =	vadd.f32 v57, v56;
	v60 =	vmul.f32 v50, v7;
	v62 =	vld [tilespmem:s19+$0xFFFFFE70];
	v27 =	vadd.f32 v54, v27  }
0x288: {  	(xrf2) =	vadd.scan.msk.f32 $0xffff, v20;
	v37 =	vld [tilespmem:s19+$0xFFFFFFE0];
	v22 =	vadd.f32 v29, v28;
	v28 =	vmul.f32 v63, v3;
	v29 =	vmul.f32 v52, v1  }
0x289: {  	(xrf2) =	vadd.scan.msk.f32 $0xffff, v25;
	v39 =	vld [tilespmem:s19+$0xFFFFFFF0];
	v20 =	vmul.f32 v53, v2;
	v18 =	vadd.f32 v18, v27;
	v27 =	vmul.f32 v55, v0  }
0x28a: {  	v23 =	vmul.f32 v23, v3;
	(xrf2) =	vadd.scan.msk.f32 $0xffff, v24;
	v63 =	vld [tilespmem:s19+$0xFFFFFFD0];
	v25 =	vadd.f32 v60, v59;
	v24 =	vadd.f32 v29, v28  }
0x28b: {  	(xrf2) =	vadd.scan.msk.f32 $0xffff, v8;
	v28 =	vld [tilespmem:s19+$0x150];
	v8 =	vadd.f32 v18, v22;
	v18 =	vmul.f32 v61, v2;
	v20 =	vadd.f32 v27, v20  }
0x28c: {  	v38 =	vadd.f32 v40, v38;
	(xrf2) =	vadd.scan.msk.f32 $0xffff, v30;
	v29 =	vld [tilespmem:s19+$0x160];
	v22 =	vmul.f32 v62, v0;
	v27 =	vmul.f32 v58, v1  }
0x28d: {  	v15 =	vmul.f32 v15, v3;
	(xrf2) =	vadd.scan.msk.f32 $0xffff, v36;
	v25 =	vadd.f32 v31, v25;
	v20 =	vadd.f32 v20, v24;
	v24 =	vld [tilespmem:s19+$0x170]  }
0x28e: {  	(xrf2) =	vadd.scan.msk.f32 $0xffff, v26;
	v26 =	vmul.f32 v39, v0;
	v18 =	vadd.f32 v22, v18;
	v23 =	vadd.f32 v27, v23  }
0x28f: {  	v30 =	vld [tilespmem:s19+$0x2E0];
	v22 =	vmul.f32 v63, v1;
	v20 =	vadd.f32 v20, v25;
	v25 =	vmul.f32 v37, v2  }
0x290: {  	v11 =	vmul.f32 v11, v3;
	(xrf2) =	vadd.scan.msk.f32 $0xffff, v8;
	v8 =	vadd.f32 v41, v38;
	v18 =	vadd.f32 v18, v23;
	v23 =	vld [tilespmem:s19+$0x2F0]  }
0x291: {  	v27 =	vld [tilespmem:s19+$0x2D0];
	v15 =	vadd.f32 v22, v15;
	v22 =	vadd.f32 v26, v25;
	v25 =	vmul.f32 v28, v1  }
0x292: {  	v9 =	vld [tilespmem:s19+$0x2C0];
	v31, _, _ =	vpop (xrf2);
	v8 =	vadd.f32 v18, v8;
	v18 =	vmul.f32 v29, v2;
	v24 =	vmul.f32 v24, v0  }
0x293: {  	v19 =	vadd.f32 v21, v19;
	(xrf2) =	vadd.scan.msk.f32 $0xffff, v20;
	v20, _, _ =	vpop (xrf2);
	v15 =	vadd.f32 v22, v15  }
0x294: {  	v21 =	vld [tilespmem:s19+$0x3E0];
	v11 =	vadd.f32 v25, v11;
	v29, _, _ =	vpop (xrf2);
	v18 =	vadd.f32 v24, v18  }
0x295: {  	v25 =	vld [tilespmem:s19+$0x3F0];
	v23 =	vmul.f32 v23, v0;
	v22, _, _ =	vpop (xrf2);
	v15 =	vadd.f32 v15, v19;
	v19 =	vmul.f32 v30, v2  }
0x296: {  	v14 =	vld [tilespmem:s19+$0x3A0];
	(xrf2) =	vadd.scan.msk.f32 $0xffff, v8;
	v24 =	vmul.f32 v27, v1;
	v8, _, _ =	vpop (xrf2)  }
0x297: {  	v9 =	vmul.f32 v9, v3;
	v16 =	vadd.f32 v17, v16;
	v17 =	vld [tilespmem:$0x1FFE0];
	v27, _, _ =	vpop (xrf2);
	v19 =	vadd.f32 v23, v19  }
0x298: {  	v26 =	vld [tilespmem:s19+$0x3C0];
	v11 =	vadd.f32 v18, v11;
	v18, _, _ =	vpop (xrf2)  }
0x299: {  	v12 =	vadd.f32 v13, v12;
	v28 =	vld [tilespmem:s19+$0x3D0];
	v9 =	vadd.f32 v24, v9;
	(xrf2) =	vadd.scan.msk.f32 $0xffff, v15;
	v15, _, _ =	vpop (xrf2)  }
0x29a: {  	v21 =	vmul.f32 v21, v2;
	v11 =	vadd.f32 v11, v16;
	v13 =	vmul.f32 v25, v0;
	v24, _, _ =	vpop (xrf2)  }
0x29b: {  	v9 =	vadd.f32 v19, v9;
	v19, _, _ =	vpop (xrf2)  }
0x29c: {  	v14 =	vmul.f32 v14, v5;
	(xrf2) =	vadd.scan.msk.f32 $0xffff, v11;
	v11 =	vadd.f32 v13, v21;
	v13 =	vbroadcast v19, $0xF  }
0x29d: {  	v17 =	vmul.f32 v17, v4;
	v23 =	vmul.f32 v26, v3;
	v9 =	vadd.f32 v9, v12;
	v12, _, _ =	vpop (xrf2)  }
0x29e: {  	v16 =	vmul.f32 v28, v1;
	v12 =	vbroadcast v12, $0xF;
	_ =	sdelay $0x1  }
0x29f: {  	v14 =	vadd.f32 v17, v14;
	v16 =	vadd.f32 v16, v23;
	(xrf2) =	vadd.scan.msk.f32 $0xffff, v9;
	v9 =	vsel vm0, v13, v12;
	v13, _, _ =	vpop (xrf2)  }
0x2a0: {  	v17 =	vbroadcast v24, $0xF;
	v13 =	vbroadcast v13, $0xF  }
0x2a1: {  	v10 =	vadd.f32 v14, v10;
	v11 =	vadd.f32 v11, v16;
	v12 =	vbroadcast v15, $0xF  }
0x2a2: {  	v9 =	vsel vm1, v9, v17  }
0x2a3: {  	v10 =	vadd.f32 v11, v10;
	v11 =	vbroadcast v18, $0xF;
	v9 =	vsel vm2, v9, v12  }
0x2a4: {  	v12 =	vbroadcast v27, $0xF;
	v9 =	vsel vm3, v9, v13;
	v13, _, _ =	vpop (xrf2)  }
0x2a5: {  	v9 =	vsel vm4, v9, v11;
	(xrf2) =	vadd.scan.msk.f32 $0xffff, v10;
	v10 =	vbroadcast v13, $0xF  }
0x2a6: {  	v8 =	vbroadcast v8, $0xF;
	v9 =	vsel vm5, v9, v12  }
0x2a7: {  	v11, _, _ =	vpop (xrf2);
	v9 =	vsel vm6, v9, v10;
	v10 =	vbroadcast v22, $0xF  }
0x2a8: {  	v8 =	vsel vm7, v9, v8;
	v9 =	vbroadcast v11, $0xF  }
0x2a9: {  	v8 =	vsel vm8, v8, v10;
	v10 =	vbroadcast v29, $0xF  }
0x2aa: {  	v8 =	vsel vm9, v8, v9;
	v9 =	vbroadcast v20, $0xF  }
0x2ab: {  	v8 =	vsel vm10, v8, v10  }
0x2ac: {  	v11, _, _ =	vpop (xrf2);
	v8 =	vsel vm11, v8, v9;
	v9 =	vbroadcast v31, $0xF  }
0x2ad: {  	v10 =	vbroadcast v11, $0xF;
	_ =	sdelay $0x1  }
0x2ae: {  	s31 =	sand.u32 $0xFFFFFC00, s29;
	s30 =	simm.s32 $0x0;
	v8 =	vsel vm12, v8, v10  }
0x2af: {  	s2 =	sadd.s32 s31, s28;
	s0 =	sand.u32 $0x70, s30;
	v8 =	vsel vm13, v8, v9;
	v9, _, _ =	vpop (xrf2)  }
0x2b0: {  	s0 =	sadd.s32 s0, s2;
	v8 =	vsel vm14, v8, v9  }
0x2b1: {  	[tilespmem:s0+$0x0] =	vst v8;
	s0 =	simm.s32 $0xD480  }
0x2b2: {  	v10 =	vld [tilespmem:s0+$0x380]  }
0x2b3: {  	v12 =	vld [tilespmem:s0+$0x390]  }
0x2b4: {  	v19 =	vld [tilespmem:s0+$0x3A0]  }
0x2b5: {  	v8 =	vld [tilespmem:s0+$0x3B0]  }
0x2b6: {  	v13 =	vld [tilespmem:s0+$0x300]  }
0x2b7: {  	v14 =	vld [tilespmem:s0+$0x310]  }
0x2b8: {  	v15 =	vld [tilespmem:s0+$0x320]  }
0x2b9: {  	v16 =	vld [tilespmem:s0+$0x330]  }
0x2ba: {  	v17 =	vld [tilespmem:s0+$0x340]  }
0x2bb: {  	v18 =	vld [tilespmem:s0+$0x350]  }
0x2bc: {  	v20 =	vld [tilespmem:s0+$0x360]  }
0x2bd: {  	v21 =	vld [tilespmem:s0+$0x370]  }
0x2be: {  	v22 =	vld [tilespmem:s0+$0x280]  }
0x2bf: {  	v23 =	vld [tilespmem:s0+$0x290]  }
0x2c0: {  	v24 =	vld [tilespmem:s0+$0x2A0]  }
0x2c1: {  	v25 =	vld [tilespmem:s0+$0x2B0]  }
0x2c2: {  	v9 =	vld [tilespmem:s0+$0x2C0]  }
0x2c3: {  	v26 =	vld [tilespmem:s0+$0x200]  }
0x2c4: {  	v27 =	vld [tilespmem:s0+$0x210]  }
0x2c5: {  	v28 =	vld [tilespmem:s0+$0x220]  }
0x2c6: {  	v29 =	vld [tilespmem:s0+$0x230]  }
0x2c7: {  	v30 =	vld [tilespmem:s0+$0x240]  }
0x2c8: {  	v31 =	vld [tilespmem:s0+$0x250]  }
0x2c9: {  	v32 =	vld [tilespmem:s0+$0x260]  }
0x2ca: {  	v33 =	vld [tilespmem:s0+$0x270]  }
0x2cb: {  	v34 =	vld [tilespmem:s0+$0x180]  }
0x2cc: {  	v35 =	vld [tilespmem:s0+$0x190]  }
0x2cd: {  	v36 =	vld [tilespmem:s0+$0x1A0]  }
0x2ce: {  	v37 =	vld [tilespmem:s0+$0x1B0]  }
0x2cf: {  	v38 =	vld [tilespmem:s0+$0x1C0]  }
0x2d0: {  	v39 =	vld [tilespmem:s0+$0x1D0]  }
0x2d1: {  	v40 =	vld [tilespmem:s0+$0x1E0]  }
0x2d2: {  	v41 =	vld [tilespmem:s0+$0x1F0]  }
0x2d3: {  	v42 =	vld [tilespmem:s0+$0x100]  }
0x2d4: {  	v43 =	vld [tilespmem:s0+$0x110]  }
0x2d5: {  	v44 =	vld [tilespmem:s0+$0x120]  }
0x2d6: {  	v45 =	vld [tilespmem:s0+$0x130]  }
0x2d7: {  	v11 =	vld [tilespmem:s0+$0x140]  }
0x2d8: {  	v46 =	vld [tilespmem:s0+$0x80]  }
0x2d9: {  	v47 =	vld [tilespmem:s0+$0x90]  }
0x2da: {  	v48 =	vld [tilespmem:s0+$0xA0]  }
0x2db: {  	v49 =	vld [tilespmem:s0+$0xB0]  }
0x2dc: {  	v50 =	vld [tilespmem:s0+$0xC0]  }
0x2dd: {  	v51 =	vld [tilespmem:s0+$0xD0]  }
0x2de: {  	v52 =	vld [tilespmem:s0+$0xE0]  }
0x2df: {  	v53 =	vld [tilespmem:s0+$0xF0]  }
0x2e0: {  	v54 =	vld [tilespmem:s0+$0x0]  }
0x2e1: {  	v55 =	vld [tilespmem:s0+$0x10];
	v13 =	vmul.f32 v13, v6  }
0x2e2: {  	v60 =	vld [tilespmem:s0+$0x60];
	v14 =	vmul.f32 v14, v7;
	v15 =	vmul.f32 v15, v5  }
0x2e3: {  	v61 =	vld [tilespmem:s0+$0x70];
	v16 =	vmul.f32 v16, v4;
	v17 =	vmul.f32 v17, v3  }
0x2e4: {  	v56 =	vld [tilespmem:s0+$0x20];
	v18 =	vmul.f32 v18, v1;
	v20 =	vmul.f32 v20, v2  }
0x2e5: {  	v57 =	vld [tilespmem:s0+$0x30];
	v21 =	vmul.f32 v21, v0;
	v10 =	vmul.f32 v10, v6  }
0x2e6: {  	v58 =	vld [tilespmem:s0+$0x40];
	v12 =	vmul.f32 v12, v7;
	v13 =	vadd.f32 v14, v13;
	v14 =	vadd.f32 v16, v15  }
0x2e7: {  	v59 =	vld [tilespmem:s0+$0x50];
	v60 =	vmul.f32 v60, v2;
	v15 =	vadd.f32 v18, v17;
	v16 =	vadd.f32 v21, v20  }
0x2e8: {  	v62 =	vld [tilespmem:s0+$0xFFFFFF80];
	v61 =	vmul.f32 v61, v0;
	v21 =	vmul.f32 v23, v7  }
0x2e9: {  	v63 =	vld [tilespmem:s0+$0xFFFFFFB0];
	v23 =	vmul.f32 v25, v4;
	v13 =	vadd.f32 v14, v13;
	v15 =	vadd.f32 v16, v15  }
0x2ea: {  	v17 =	vld [tilespmem:s0+$0xFFFFFF90];
	v10 =	vadd.f32 v12, v10;
	v25 =	vmul.f32 v27, v7;
	v16 =	vmul.f32 v22, v6  }
0x2eb: {  	v18 =	vld [tilespmem:s0+$0xFFFFFFA0];
	v27 =	vmul.f32 v31, v1;
	v22 =	vmul.f32 v24, v5;
	v20 =	vadd.f32 v15, v13  }
0x2ec: {  	v14 =	vld [tilespmem:s0+$0xFFFFFFC0];
	v15 =	vmul.f32 v26, v6;
	v12 =	vadd.f32 v21, v16;
	v16 =	vmul.f32 v28, v5  }
0x2ed: {  	v24 =	vld [tilespmem:s0+$0xFFFFFF00];
	v21 =	vmul.f32 v29, v4;
	v13 =	vadd.f32 v23, v22;
	v23 =	vmul.f32 v30, v3  }
0x2ee: {  	v26 =	vld [tilespmem:s0+$0xFFFFFF10];
	v28 =	vmul.f32 v32, v2;
	v29 =	vmul.f32 v33, v0  }
0x2ef: {  	v22 =	vld [tilespmem:s0+$0xFFFFFF20];
	v32 =	vmul.f32 v36, v5;
	v33 =	vmul.f32 v37, v4  }
0x2f0: {  	v30 =	vld [tilespmem:s0+$0xFFFFFF40];
	v37 =	vmul.f32 v43, v7;
	v43 =	vmul.f32 v48, v5  }
0x2f1: {  	v36 =	vld [tilespmem:s0+$0xFFFFFF70];
	v48 =	vmul.f32 v53, v0;
	v53 =	vmul.f32 v59, v1  }
0x2f2: {  	v59 =	vadd.f32 v61, v60;
	v61 =	vmul.f32 v62, v6;
	v62 =	vmul.f32 v63, v4;
	v63 =	vld [tilespmem:s0+$0xFFFFFDD0]  }
0x2f3: {  	v15 =	vadd.f32 v25, v15;
	v25 =	vld [tilespmem:s0+$0xFFFFFF30]  }
0x2f4: {  	v23 =	vadd.f32 v27, v23;
	v27 =	vld [tilespmem:s0+$0xFFFFFF50];
	v28 =	vadd.f32 v29, v28  }
0x2f5: {  	v31 =	vmul.f32 v35, v7;
	v16 =	vadd.f32 v21, v16;
	v21 =	vmul.f32 v34, v6;
	v29 =	vld [tilespmem:s0+$0xFFFFFF60]  }
0x2f6: {  	v35 =	vmul.f32 v39, v1;
	v34 =	vmul.f32 v38, v3;
	v23 =	vadd.f32 v28, v23;
	v28 =	vld [tilespmem:s0+$0xFFFFFE80]  }
0x2f7: {  	v21 =	vadd.f32 v31, v21;
	v31 =	vadd.f32 v33, v32;
	v32 =	vld [tilespmem:s0+$0xFFFFFE90]  }
0x2f8: {  	v41 =	vmul.f32 v41, v0;
	v38 =	vmul.f32 v44, v5;
	v33 =	vadd.f32 v35, v34;
	v34 =	vld [tilespmem:s0+$0xFFFFFEA0]  }
0x2f9: {  	v44 =	vmul.f32 v49, v4;
	v35 =	vmul.f32 v42, v6;
	v42 =	vld [tilespmem:s0+$0xFFFFFED0]  }
0x2fa: {  	v15 =	vadd.f32 v16, v15;
	v16 =	vmul.f32 v40, v2;
	v40 =	vmul.f32 v46, v6;
	v46 =	vld [tilespmem:s0+$0xFFFFFEE0]  }
0x2fb: {  	v24 =	vmul.f32 v24, v6;
	v43 =	vadd.f32 v44, v43;
	v44 =	vld [tilespmem:s0+$0xFFFFFE20]  }
0x2fc: {  	v26 =	vmul.f32 v26, v7;
	v16 =	vadd.f32 v41, v16;
	v21 =	vadd.f32 v31, v21;
	v31 =	vld [tilespmem:s0+$0xFFFFFEB0]  }
0x2fd: {  	v41 =	vmul.f32 v47, v7;
	v23 =	vadd.f32 v23, v15;
	v15 =	vadd.f32 v37, v35;
	v35 =	vld [tilespmem:s0+$0xFFFFFEF0]  }
0x2fe: {  	v24 =	vadd.f32 v26, v24;
	v26 =	vmul.f32 v29, v2;
	v29 =	vmul.f32 v36, v0;
	v36 =	vld [tilespmem:s0+$0xFFFFFD10]  }
0x2ff: {  	v37 =	vmul.f32 v52, v2;
	v52 =	vmul.f32 v58, v3;
	v16 =	vadd.f32 v16, v33;
	v33 =	vld [tilespmem:s0+$0xFFFFFEC0]  }
0x300: {  	v40 =	vadd.f32 v41, v40;
	v41 =	vld [tilespmem:s0+$0xFFFFFE10]  }
0x301: {  	v58 =	vadd.f32 v53, v52;
	v52 =	vld [tilespmem:s0+$0xFFFFFD90]  }
0x302: {  	v30 =	vmul.f32 v30, v3;
	v27 =	vmul.f32 v27, v1;
	v37 =	vadd.f32 v48, v37;
	v48 =	vld [tilespmem:s0+$0xFFFFFDB0]  }
0x303: {  	v39 =	vmul.f32 v45, v4;
	v17 =	vmul.f32 v17, v7;
	v53 =	vld [tilespmem:s0+$0xFFFFFD00]  }
0x304: {  	v22 =	vmul.f32 v22, v5;
	v25 =	vmul.f32 v25, v4;
	v27 =	vadd.f32 v27, v30;
	v30 =	vld [tilespmem:s0+$0xFFFFFD20]  }
0x305: {  	v18 =	vmul.f32 v18, v5;
	v49 =	vmul.f32 v55, v7;
	v26 =	vadd.f32 v29, v26;
	v29 =	vld [tilespmem:s0+$0xFFFFFD30]  }
0x306: {  	v22 =	vadd.f32 v25, v22;
	v25 =	vmul.f32 v28, v6;
	v28 =	vmul.f32 v32, v7;
	v32 =	vld [tilespmem:s0+$0xFFFFFD70]  }
0x307: {  	v17 =	vadd.f32 v17, v61;
	v63 =	vmul.f32 v63, v1;
	v55 =	vmul.f32 v34, v5;
	v34 =	vld [tilespmem:s0+$0xFFFFFCB0]  }
0x308: {  	v47 =	vmul.f32 v51, v1;
	v45 =	vadd.f32 v16, v21;
	v16 =	vadd.f32 v39, v38;
	v38 =	vld [tilespmem:s0+$0xFFFFFE00]  }
0x309: {  	v18 =	vadd.f32 v62, v18;
	v51 =	vmul.f32 v57, v4;
	v39 =	vmul.f32 v54, v6;
	v54 =	vld [tilespmem:s0+$0xFFFFFE30]  }
0x30a: {  	v21 =	vmul.f32 v50, v3;
	v50 =	vmul.f32 v56, v5;
	v40 =	vadd.f32 v43, v40;
	v43 =	vld [tilespmem:s0+$0xFFFFFDA0]  }
0x30b: {  	v60 =	vadd.f32 v59, v58;
	v56 =	vmul.f32 v42, v1;
	v42 =	vld [tilespmem:s0+$0xFFFFFD40];
	v31 =	vmul.f32 v31, v4  }
0x30c: {  	v22 =	vadd.f32 v22, v24;
	v24 =	vmul.f32 v46, v2;
	v26 =	vadd.f32 v26, v27;
	v46 =	vld [tilespmem:s0+$0xFFFFFD50]  }
0x30d: {  	v35 =	vmul.f32 v35, v0;
	v25 =	vadd.f32 v28, v25;
	v28 =	vld [tilespmem:s0+$0xFFFFFD60];
	v47 =	vadd.f32 v47, v21  }
0x30e: {  	v21 =	vld [tilespmem:s0+$0xFFFFFE40];
	v39 =	vadd.f32 v49, v39;
	v57 =	vadd.f32 v51, v50;
	v33 =	vmul.f32 v33, v3  }
0x30f: {  	v49 =	vld [tilespmem:s0+$0xFFFFFD80];
	v27 =	vadd.f32 v31, v55;
	v58 =	vmul.f32 v41, v7;
	v37 =	vadd.f32 v37, v47  }
0x310: {  	v50 =	vld [tilespmem:s0+$0xFFFFFDE0];
	v24 =	vadd.f32 v35, v24;
	v61 =	vmul.f32 v52, v7;
	v62 =	vmul.f32 v48, v4  }
0x311: {  	v53 =	vmul.f32 v53, v6;
	v39 =	vadd.f32 v57, v39;
	v37 =	vadd.f32 v37, v40;
	v40 =	vld [tilespmem:s0+$0xFFFFFDC0]  }
0x312: {  	(xrf2) =	vadd.scan.msk.f32 $0xffff, v20;
	v51 =	vld [tilespmem:s0+$0xFFFFFDF0];
	v57 =	vmul.f32 v38, v6;
	v25 =	vadd.f32 v27, v25;
	v27 =	vmul.f32 v44, v5  }
0x313: {  	v52 =	vld [tilespmem:s0+$0xFFFFFC20];
	v31 =	vadd.f32 v56, v33;
	v59 =	vmul.f32 v54, v4;
	v54 =	vmul.f32 v36, v7  }
0x314: {  	v48 =	vld [tilespmem:s0+$0xFFFFFC30];
	v56 =	vmul.f32 v30, v5;
	v42 =	vmul.f32 v42, v3  }
0x315: {  	(xrf2) =	vadd.scan.msk.f32 $0xffff, v23;
	v35 =	vld [tilespmem:s0+$0xFFFFFCC0];
	v39 =	vadd.f32 v60, v39;
	v24 =	vadd.f32 v24, v31;
	v60 =	vmul.f32 v49, v6  }
0x316: {  	v47 =	vld [tilespmem:s0+$0xFFFFFC40];
	v49 =	vadd.f32 v26, v22;
	v22 =	vmul.f32 v43, v5;
	v20 =	vmul.f32 v40, v3  }
0x317: {  	(xrf2) =	vadd.scan.msk.f32 $0xffff, v45;
	v38 =	vld [tilespmem:s0+$0xFFFFFC00];
	v23 =	vmul.f32 v50, v2;
	v26 =	vadd.f32 v24, v25;
	v24 =	vadd.f32 v58, v57  }
0x318: {  	v30 =	vld [tilespmem:s0+$0xFFFFFC80];
	v50 =	vmul.f32 v51, v0;
	v25 =	vadd.f32 v59, v27;
	v20 =	vadd.f32 v63, v20  }
0x319: {  	v28 =	vmul.f32 v28, v2;
	v51 =	vld [tilespmem:s0+$0xFFFFFC50];
	(xrf2) =	vadd.scan.msk.f32 $0xffff, v37;
	v55 =	vadd.f32 v61, v60;
	v22 =	vadd.f32 v62, v22  }
0x31a: {  	v31 =	vld [tilespmem:s0+$0xFFFFFC10];
	v57 =	vmul.f32 v29, v4;
	v58 =	vmul.f32 v46, v1;
	v23 =	vadd.f32 v50, v23  }
0x31b: {  	v33 =	vld [tilespmem:s0+$0xFFFFFC90];
	v59 =	vmul.f32 v32, v0;
	v60 =	vadd.f32 v54, v53;
	v22 =	vadd.f32 v22, v55  }
0x31c: {  	v27 =	vld [tilespmem:s0+$0xFFFFFC60];
	v41 =	vadd.f32 v57, v56;
	v61 =	vadd.f32 v23, v20;
	v20, _, _ =	vpop (xrf2);
	(xrf2) =	vadd.scan.msk.f32 $0xffff, v39  }
0x31d: {  	v29 =	vld [tilespmem:s0+$0xFFFFFC70];
	v38 =	vmul.f32 v38, v6;
	v42 =	vadd.f32 v58, v42;
	v28 =	vadd.f32 v59, v28  }
0x31e: {  	v36 =	vld [tilespmem:s0+$0xFFFFFCD0];
	v40 =	vmul.f32 v52, v5;
	v43 =	vmul.f32 v51, v1;
	v62 =	vadd.f32 v41, v60  }
0x31f: {  	v32 =	vld [tilespmem:s0+$0xFFFFFCA0];
	v28 =	vadd.f32 v28, v42;
	v63 =	vmul.f32 v31, v7;
	v31 =	vadd.f32 v61, v22;
	v22, _, _ =	vpop (xrf2);
	(xrf2) =	vadd.scan.msk.f32 $0xffff, v49  }
0x320: {  	v37 =	vld [tilespmem:s0+$0xFFFFFCE0];
	v41 =	vmul.f32 v48, v4;
	v42 =	vmul.f32 v47, v3  }
0x321: {  	s12 =	simm.s32 $0x20;
	s2 =	simm.s32 $0x10;
	v23 =	vmul.f32 v19, v5;
	v28 =	vadd.f32 v28, v62;
	v39 =	vadd.f32 v63, v38;
	v38 =	vld [tilespmem:s0+$0xFFFFFCF0];
	v19, _, _ =	vpop (xrf2)  }
.LBB2_5:
0x322: {  	p0 =	sne.s32 s12, $0xF0;
	v27 =	vmul.f32 v27, v2;
	v29 =	vmul.f32 v29, v0;
	v40 =	vadd.f32 v41, v40;
	v41 =	vld [tilespmem:s0+$0xFFFFFE50];
	(xrf2) =	vadd.scan.msk.f32 $0xffff, v26  }
0x323: {  	v30 =	vmul.f32 v30, v6;
	v33 =	vmul.f32 v33, v7;
	v44 =	vadd.f32 v43, v42;
	v43 =	vld [tilespmem:s0+$0xFFFFFE60];
	v26, _, _ =	vpop (xrf2)  }
0x324: {  	v27 =	vadd.f32 v29, v27;
	v29 =	vmul.f32 v32, v5;
	v32 =	vmul.f32 v34, v4;
	v34 =	vld [tilespmem:s0+$0xFFFFFE70]  }
0x325: {  	v35 =	vmul.f32 v35, v3;
	v39 =	vadd.f32 v40, v39;
	v36 =	vmul.f32 v36, v1;
	v40 =	vld [tilespmem:s0+$0xFFFFFFD0];
	(xrf2) =	vadd.scan.msk.f32 $0xffff, v31  }
0x326: {  	v31 =	vmul.f32 v37, v2;
	v27 =	vadd.f32 v27, v44;
	v37 =	vmul.f32 v38, v0;
	v38 =	vld [tilespmem:s0+$0xFFFFFFE0];
	v42, _, _ =	vpop (xrf2)  }
0x327: {  	v21 =	vmul.f32 v21, v3;
	v30 =	vadd.f32 v33, v30;
	v29 =	vadd.f32 v32, v29;
	v32 =	vld [tilespmem:s0+$0xFFFFFFF0]  }
0x328: {  	v33 =	vadd.f32 v36, v35;
	v35 =	vmul.f32 v41, v1;
	v31 =	vadd.f32 v37, v31;
	v36 =	vld [tilespmem:s0+$0x150];
	(xrf2) =	vadd.scan.msk.f32 $0xffff, v28  }
0x329: {  	v27 =	vadd.f32 v27, v39;
	v28 =	vmul.f32 v43, v2;
	v34 =	vmul.f32 v34, v0;
	v37 =	vld [tilespmem:s0+$0x160];
	v39, _, _ =	vpop (xrf2)  }
0x32a: {  	v14 =	vmul.f32 v14, v3;
	v29 =	vadd.f32 v29, v30;
	v30 =	vadd.f32 v31, v33;
	v31 =	vld [tilespmem:s0+$0x170]  }
0x32b: {  	v21 =	vadd.f32 v35, v21;
	v33 =	vmul.f32 v40, v1;
	v28 =	vadd.f32 v34, v28;
	v34 =	vld [tilespmem:s0+$0x2D0];
	(xrf2) =	vadd.scan.msk.f32 $0xffff, v27  }
0x32c: {  	v27 =	vadd.f32 v30, v29;
	v29 =	vmul.f32 v38, v2;
	v30 =	vmul.f32 v32, v0;
	v32 =	vld [tilespmem:s0+$0x2E0];
	v35, _, _ =	vpop (xrf2)  }
0x32d: {  	v24 =	vadd.f32 v25, v24;
	v11 =	vmul.f32 v11, v3;
	v21 =	vadd.f32 v28, v21;
	v25 =	vld [tilespmem:s0+$0x2F0]  }
0x32e: {  	v14 =	vadd.f32 v33, v14;
	v28 =	vadd.f32 v30, v29;
	v29 =	vmul.f32 v36, v1;
	v30 =	vld [tilespmem:s0+$0x3C0];
	(xrf2) =	vadd.scan.msk.f32 $0xffff, v27  }
0x32f: {  	v21 =	vadd.f32 v21, v24;
	v24 =	vmul.f32 v37, v2;
	v27 =	vmul.f32 v31, v0;
	v31 =	vld [tilespmem:s0+$0x3D0];
	v33, _, _ =	vpop (xrf2)  }
0x330: {  	v17 =	vadd.f32 v18, v17;
	v9 =	vmul.f32 v9, v3;
	v14 =	vadd.f32 v28, v14;
	v18 =	vld [tilespmem:s0+$0x3E0]  }
0x331: {  	v11 =	vadd.f32 v29, v11;
	v24 =	vadd.f32 v27, v24;
	v27 =	vmul.f32 v34, v1;
	v28 =	vld [tilespmem:s0+$0x3F0];
	(xrf2) =	vadd.scan.msk.f32 $0xffff, v21  }
0x332: {  	v14 =	vadd.f32 v14, v17;
	v17 =	vmul.f32 v32, v2;
	v21 =	vmul.f32 v25, v0;
	v25, _, _ =	vpop (xrf2)  }
0x333: {  	v15 =	vadd.f32 v16, v15;
	v8 =	vmul.f32 v8, v4;
	v11 =	vadd.f32 v24, v11  }
0x334: {  	v9 =	vadd.f32 v27, v9;
	v16 =	vadd.f32 v21, v17;
	v17 =	vmul.f32 v30, v3;
	(xrf2) =	vadd.scan.msk.f32 $0xffff, v14  }
0x335: {  	v14 =	vmul.f32 v31, v1;
	v11 =	vadd.f32 v11, v15;
	v15 =	vmul.f32 v18, v2;
	v18, _, _ =	vpop (xrf2)  }
0x336: {  	v21 =	vadd.f32 v13, v12;
	v9 =	vadd.f32 v16, v9;
	v13 =	vmul.f32 v28, v0  }
0x337: {  	v8 =	vadd.f32 v8, v23;
	v14 =	vadd.f32 v14, v17;
	(xrf2) =	vadd.scan.msk.f32 $0xffff, v11  }
0x338: {  	v9 =	vadd.f32 v9, v21;
	v11 =	vadd.f32 v13, v15;
	v12, _, _ =	vpop (xrf2)  }
0x339: {  	v13 =	vbroadcast v18, $0xF;
	v16 =	vbroadcast v12, $0xF  }
0x33a: {  	v8 =	vadd.f32 v8, v10;
	v15 =	vbroadcast v25, $0xF;
	v10 =	vadd.f32 v11, v14;
	(xrf2) =	vadd.scan.msk.f32 $0xffff, v9  }
0x33b: {  	v11 =	vbroadcast v33, $0xF;
	v9 =	vsel vm0, v13, v16;
	v12, _, _ =	vpop (xrf2)  }
0x33c: {  	v9 =	vsel vm1, v9, v15;
	v13 =	vbroadcast v12, $0xF;
	v8 =	vadd.f32 v10, v8  }
0x33d: {  	v10 =	vbroadcast v35, $0xF;
	v9 =	vsel vm2, v9, v11  }
0x33e: {  	v9 =	vsel vm3, v9, v13;
	v13 =	vbroadcast v39, $0xF;
	v12, _, _ =	vpop (xrf2);
	(xrf2) =	vadd.scan.msk.f32 $0xffff, v8  }
0x33f: {  	v8 =	vsel vm4, v9, v10;
	v9 =	vbroadcast v12, $0xF  }
0x340: {  	v10 =	vbroadcast v42, $0xF;
	v8 =	vsel vm5, v8, v13  }
0x341: {  	v8 =	vsel vm6, v8, v9;
	v9 =	vbroadcast v26, $0xF;
	v11, _, _ =	vpop (xrf2)  }
0x342: {  	v8 =	vsel vm7, v8, v10;
	v10 =	vbroadcast v11, $0xF  }
0x343: {  	v8 =	vsel vm8, v8, v9;
	v9 =	vbroadcast v19, $0xF  }
0x344: {  	v8 =	vsel vm9, v8, v10;
	v10 =	vbroadcast v22, $0xF;
	v11, _, _ =	vpop (xrf2)  }
0x345: {  	v8 =	vsel vm10, v8, v9;
	v11 =	vbroadcast v11, $0xF  }
0x346: {  	s29 =	sadd.s32 $0x80, s29;
	v8 =	vsel vm11, v8, v10;
	v10 =	vbroadcast v20, $0xF  }
0x347: {  	s17 =	sand.u32 $0xFFFFFC00, s29;
	v8 =	vsel vm12, v8, v11  }
0x348: {  	s18 =	sand.u32 $0x70, s2;
	s2 =	smov.u32 s12;
	s17 =	sadd.s32 s17, s28;
	v8 =	vsel vm13, v8, v10;
	v9, _, _ =	vpop (xrf2)  }
0x349: {  	s17 =	sadd.s32 s18, s17;
	v8 =	vsel vm14, v8, v9  }
0x34a: {  	s0 =	sadd.s32 $0x800, s0;
	[tilespmem:s17+$0x0] =	vst v8  }
0x34b: {  	v10 =	vld [tilespmem:s0+$0x380]  }
0x34c: {  	v12 =	vld [tilespmem:s0+$0x390]  }
0x34d: {  	v19 =	vld [tilespmem:s0+$0x3A0]  }
0x34e: {  	v8 =	vld [tilespmem:s0+$0x3B0]  }
0x34f: {  	v13 =	vld [tilespmem:s0+$0x300]  }
0x350: {  	v14 =	vld [tilespmem:s0+$0x310]  }
0x351: {  	v15 =	vld [tilespmem:s0+$0x320]  }
0x352: {  	v16 =	vld [tilespmem:s0+$0x330]  }
0x353: {  	v17 =	vld [tilespmem:s0+$0x340]  }
0x354: {  	v18 =	vld [tilespmem:s0+$0x350]  }
0x355: {  	v20 =	vld [tilespmem:s0+$0x360]  }
0x356: {  	v21 =	vld [tilespmem:s0+$0x370]  }
0x357: {  	v22 =	vld [tilespmem:s0+$0x280]  }
0x358: {  	v25 =	vld [tilespmem:s0+$0x290]  }
0x359: {  	v26 =	vld [tilespmem:s0+$0x2A0]  }
0x35a: {  	v27 =	vld [tilespmem:s0+$0x2B0]  }
0x35b: {  	v9 =	vld [tilespmem:s0+$0x2C0]  }
0x35c: {  	v28 =	vld [tilespmem:s0+$0x200]  }
0x35d: {  	v29 =	vld [tilespmem:s0+$0x210]  }
0x35e: {  	v30 =	vld [tilespmem:s0+$0x220]  }
0x35f: {  	v31 =	vld [tilespmem:s0+$0x230]  }
0x360: {  	v32 =	vld [tilespmem:s0+$0x240]  }
0x361: {  	v33 =	vld [tilespmem:s0+$0x250]  }
0x362: {  	v34 =	vld [tilespmem:s0+$0x260]  }
0x363: {  	v35 =	vld [tilespmem:s0+$0x270]  }
0x364: {  	v36 =	vld [tilespmem:s0+$0x180]  }
0x365: {  	v37 =	vld [tilespmem:s0+$0x190]  }
0x366: {  	v38 =	vld [tilespmem:s0+$0x1A0]  }
0x367: {  	v39 =	vld [tilespmem:s0+$0x1B0]  }
0x368: {  	v40 =	vld [tilespmem:s0+$0x1C0]  }
0x369: {  	v41 =	vld [tilespmem:s0+$0x1D0]  }
0x36a: {  	v42 =	vld [tilespmem:s0+$0x1E0]  }
0x36b: {  	v43 =	vld [tilespmem:s0+$0x1F0]  }
0x36c: {  	v44 =	vld [tilespmem:s0+$0x100]  }
0x36d: {  	v45 =	vld [tilespmem:s0+$0x110]  }
0x36e: {  	v46 =	vld [tilespmem:s0+$0x120]  }
0x36f: {  	v47 =	vld [tilespmem:s0+$0x130]  }
0x370: {  	v11 =	vld [tilespmem:s0+$0x140]  }
0x371: {  	v48 =	vld [tilespmem:s0+$0x80]  }
0x372: {  	v49 =	vld [tilespmem:s0+$0x90]  }
0x373: {  	v50 =	vld [tilespmem:s0+$0xA0]  }
0x374: {  	v51 =	vld [tilespmem:s0+$0xB0]  }
0x375: {  	v52 =	vld [tilespmem:s0+$0xC0]  }
0x376: {  	v53 =	vld [tilespmem:s0+$0xD0]  }
0x377: {  	v54 =	vld [tilespmem:s0+$0xE0]  }
0x378: {  	v55 =	vld [tilespmem:s0+$0xF0]  }
0x379: {  	v56 =	vld [tilespmem:s0+$0x0]  }
0x37a: {  	v57 =	vld [tilespmem:s0+$0x10]  }
0x37b: {  	v58 =	vld [tilespmem:s0+$0x20]  }
0x37c: {  	v13 =	vmul.f32 v13, v6;
	v14 =	vmul.f32 v14, v7;
	v59 =	vld [tilespmem:s0+$0x30]  }
0x37d: {  	v15 =	vmul.f32 v15, v5;
	v16 =	vmul.f32 v16, v4;
	v60 =	vld [tilespmem:s0+$0x40]  }
0x37e: {  	v23 =	vmul.f32 v17, v3;
	v18 =	vmul.f32 v18, v1;
	v61 =	vld [tilespmem:s0+$0x50]  }
0x37f: {  	v20 =	vmul.f32 v20, v2;
	v21 =	vmul.f32 v21, v0;
	v62 =	vld [tilespmem:s0+$0x60]  }
0x380: {  	v13 =	vadd.f32 v14, v13;
	v14 =	vadd.f32 v16, v15;
	v63 =	vld [tilespmem:s0+$0x70]  }
0x381: {  	v15 =	vadd.f32 v18, v23;
	v16 =	vadd.f32 v21, v20;
	v17 =	vld [tilespmem:s0+$0xFFFFFF80]  }
0x382: {  	v10 =	vmul.f32 v10, v6;
	v12 =	vmul.f32 v12, v7;
	v18 =	vld [tilespmem:s0+$0xFFFFFF90]  }
0x383: {  	v13 =	vadd.f32 v14, v13;
	v15 =	vadd.f32 v16, v15;
	v23 =	vld [tilespmem:s0+$0xFFFFFFA0]  }
0x384: {  	v10 =	vadd.f32 v12, v10;
	v21 =	vmul.f32 v25, v7;
	v16 =	vmul.f32 v22, v6;
	v24 =	vld [tilespmem:s0+$0xFFFFFFB0]  }
0x385: {  	v22 =	vmul.f32 v26, v5;
	v25 =	vmul.f32 v27, v4;
	v20 =	vadd.f32 v15, v13;
	v14 =	vld [tilespmem:s0+$0xFFFFFFC0]  }
0x386: {  	v15 =	vmul.f32 v28, v6;
	v12 =	vadd.f32 v21, v16;
	v27 =	vmul.f32 v29, v7;
	v26 =	vld [tilespmem:s0+$0xFFFFFF00]  }
0x387: {  	v13 =	vadd.f32 v25, v22;
	v16 =	vmul.f32 v30, v5;
	v21 =	vmul.f32 v31, v4;
	v28 =	vld [tilespmem:s0+$0xFFFFFF10]  }
0x388: {  	v15 =	vadd.f32 v27, v15;
	v22 =	vmul.f32 v32, v3;
	v29 =	vmul.f32 v33, v1;
	v25 =	vld [tilespmem:s0+$0xFFFFFF20]  }
0x389: {  	v16 =	vadd.f32 v21, v16;
	v30 =	vmul.f32 v34, v2;
	v31 =	vmul.f32 v35, v0;
	v27 =	vld [tilespmem:s0+$0xFFFFFF30]  }
0x38a: {  	v22 =	vadd.f32 v29, v22;
	v21 =	vmul.f32 v36, v6;
	v33 =	vmul.f32 v37, v7;
	v32 =	vld [tilespmem:s0+$0xFFFFFF40]  }
0x38b: {  	v30 =	vadd.f32 v31, v30;
	v34 =	vmul.f32 v38, v5;
	v35 =	vmul.f32 v39, v4;
	v29 =	vld [tilespmem:s0+$0xFFFFFF50]  }
0x38c: {  	v15 =	vadd.f32 v16, v15;
	v36 =	vmul.f32 v40, v3;
	v37 =	vmul.f32 v41, v1;
	v31 =	vld [tilespmem:s0+$0xFFFFFF60]  }
0x38d: {  	v22 =	vadd.f32 v30, v22;
	v16 =	vmul.f32 v42, v2;
	v39 =	vmul.f32 v43, v0;
	v38 =	vld [tilespmem:s0+$0xFFFFFF70]  }
0x38e: {  	v21 =	vadd.f32 v33, v21;
	v33 =	vadd.f32 v35, v34;
	v30 =	vld [tilespmem:s0+$0xFFFFFE80]  }
0x38f: {  	v35 =	vadd.f32 v37, v36;
	v16 =	vadd.f32 v39, v16;
	v34 =	vld [tilespmem:s0+$0xFFFFFE90]  }
0x390: {  	v21 =	vadd.f32 v33, v21;
	v37 =	vmul.f32 v44, v6;
	v39 =	vmul.f32 v45, v7;
	v36 =	vld [tilespmem:s0+$0xFFFFFEA0]  }
0x391: {  	v40 =	vmul.f32 v46, v5;
	v41 =	vmul.f32 v47, v4;
	v16 =	vadd.f32 v16, v35;
	v33 =	vld [tilespmem:s0+$0xFFFFFEB0]  }
0x392: {  	v44 =	vadd.f32 v22, v15;
	v42 =	vmul.f32 v48, v6;
	v43 =	vmul.f32 v49, v7;
	v35 =	vld [tilespmem:s0+$0xFFFFFEC0]  }
0x393: {  	v22 =	vadd.f32 v16, v21;
	v46 =	vmul.f32 v50, v5;
	v47 =	vmul.f32 v51, v4;
	v45 =	vld [tilespmem:s0+$0xFFFFFED0]  }
0x394: {  	v15 =	vadd.f32 v39, v37;
	v21 =	vmul.f32 v52, v3;
	v49 =	vmul.f32 v53, v1;
	v48 =	vld [tilespmem:s0+$0xFFFFFEE0]  }
0x395: {  	v16 =	vadd.f32 v41, v40;
	v39 =	vmul.f32 v54, v2;
	v50 =	vmul.f32 v55, v0;
	v37 =	vld [tilespmem:s0+$0xFFFFFEF0]  }
0x396: {  	v42 =	vadd.f32 v43, v42;
	v41 =	vmul.f32 v56, v6;
	v51 =	vmul.f32 v57, v7;
	v40 =	vld [tilespmem:s0+$0xFFFFFE00]  }
0x397: {  	v46 =	vadd.f32 v47, v46;
	v52 =	vmul.f32 v58, v5;
	v53 =	vmul.f32 v59, v4;
	v43 =	vld [tilespmem:s0+$0xFFFFFE10]  }
0x398: {  	v49 =	vadd.f32 v49, v21;
	v54 =	vmul.f32 v60, v3;
	v55 =	vmul.f32 v61, v1;
	v47 =	vld [tilespmem:s0+$0xFFFFFE20]  }
0x399: {  	v39 =	vadd.f32 v50, v39;
	v57 =	vmul.f32 v62, v2;
	v58 =	vmul.f32 v63, v0;
	v56 =	vld [tilespmem:s0+$0xFFFFFE30]  }
0x39a: {  	v41 =	vadd.f32 v51, v41;
	v50 =	vadd.f32 v53, v52;
	v21 =	vld [tilespmem:s0+$0xFFFFFE40]  }
0x39b: {  	v52 =	vadd.f32 v55, v54;
	v53 =	vadd.f32 v58, v57;
	v51 =	vld [tilespmem:s0+$0xFFFFFD80]  }
0x39c: {  	v42 =	vadd.f32 v46, v42;
	v39 =	vadd.f32 v39, v49;
	v54 =	vld [tilespmem:s0+$0xFFFFFD90]  }
0x39d: {  	v41 =	vadd.f32 v50, v41;
	v49 =	vadd.f32 v53, v52;
	v46 =	vld [tilespmem:s0+$0xFFFFFDA0]  }
0x39e: {  	v39 =	vadd.f32 v39, v42;
	v17 =	vmul.f32 v17, v6;
	v18 =	vmul.f32 v18, v7;
	v50 =	vld [tilespmem:s0+$0xFFFFFDB0]  }
0x39f: {  	v23 =	vmul.f32 v23, v5;
	v24 =	vmul.f32 v24, v4;
	v41 =	vadd.f32 v49, v41;
	v42 =	vld [tilespmem:s0+$0xFFFFFDC0]  }
0x3a0: {  	v17 =	vadd.f32 v18, v17;
	v26 =	vmul.f32 v26, v6;
	v28 =	vmul.f32 v28, v7;
	v49 =	vld [tilespmem:s0+$0xFFFFFDD0]  }
0x3a1: {  	v18 =	vadd.f32 v24, v23;
	v25 =	vmul.f32 v25, v5;
	v27 =	vmul.f32 v27, v4;
	v52 =	vld [tilespmem:s0+$0xFFFFFDE0]  }
0x3a2: {  	v26 =	vadd.f32 v28, v26;
	v24 =	vmul.f32 v32, v3;
	v29 =	vmul.f32 v29, v1;
	v23 =	vld [tilespmem:s0+$0xFFFFFDF0]  }
0x3a3: {  	v25 =	vadd.f32 v27, v25;
	v31 =	vmul.f32 v31, v2;
	v32 =	vmul.f32 v38, v0;
	v28 =	vld [tilespmem:s0+$0xFFFFFD00]  }
0x3a4: {  	v24 =	vadd.f32 v29, v24;
	v30 =	vmul.f32 v30, v6;
	v34 =	vmul.f32 v34, v7;
	v27 =	vld [tilespmem:s0+$0xFFFFFD10]  }
0x3a5: {  	v31 =	vadd.f32 v32, v31;
	v36 =	vmul.f32 v36, v5;
	v33 =	vmul.f32 v33, v4;
	v29 =	vld [tilespmem:s0+$0xFFFFFD20]  }
0x3a6: {  	v25 =	vadd.f32 v25, v26;
	v35 =	vmul.f32 v35, v3;
	v38 =	vmul.f32 v45, v1;
	v32 =	vld [tilespmem:s0+$0xFFFFFD30]  }
0x3a7: {  	v24 =	vadd.f32 v31, v24;
	v26 =	vmul.f32 v48, v2;
	v37 =	vmul.f32 v37, v0;
	v45 =	vld [tilespmem:s0+$0xFFFFFD40]  }
0x3a8: {  	v30 =	vadd.f32 v34, v30;
	v33 =	vadd.f32 v33, v36;
	v31 =	vld [tilespmem:s0+$0xFFFFFD50]  }
0x3a9: {  	v35 =	vadd.f32 v38, v35;
	v26 =	vadd.f32 v37, v26;
	v34 =	vld [tilespmem:s0+$0xFFFFFD60];
	(xrf2) =	vadd.scan.msk.f32 $0xffff, v20  }
0x3aa: {  	v30 =	vadd.f32 v33, v30;
	v36 =	vmul.f32 v40, v6;
	v37 =	vmul.f32 v43, v7;
	v20 =	vld [tilespmem:s0+$0xFFFFFD70]  }
0x3ab: {  	v33 =	vmul.f32 v47, v5;
	v40 =	vmul.f32 v56, v4;
	v26 =	vadd.f32 v26, v35;
	v38 =	vld [tilespmem:s0+$0xFFFFFC00]  }
0x3ac: {  	v48 =	vadd.f32 v24, v25;
	v35 =	vmul.f32 v51, v6;
	v47 =	vmul.f32 v54, v7;
	v43 =	vld [tilespmem:s0+$0xFFFFFC10];
	(xrf2) =	vadd.scan.msk.f32 $0xffff, v44  }
0x3ad: {  	v26 =	vadd.f32 v26, v30;
	v46 =	vmul.f32 v46, v5;
	v50 =	vmul.f32 v50, v4;
	v44 =	vld [tilespmem:s0+$0xFFFFFC20]  }
0x3ae: {  	v24 =	vadd.f32 v37, v36;
	v30 =	vmul.f32 v42, v3;
	v42 =	vmul.f32 v49, v1;
	v51 =	vld [tilespmem:s0+$0xFFFFFC30]  }
0x3af: {  	v25 =	vadd.f32 v40, v33;
	v36 =	vmul.f32 v52, v2;
	v23 =	vmul.f32 v23, v0;
	v49 =	vld [tilespmem:s0+$0xFFFFFC40];
	(xrf2) =	vadd.scan.msk.f32 $0xffff, v22  }
0x3b0: {  	v35 =	vadd.f32 v47, v35;
	v22 =	vmul.f32 v28, v6;
	v28 =	vmul.f32 v27, v7;
	v52 =	vld [tilespmem:s0+$0xFFFFFC50]  }
0x3b1: {  	v40 =	vadd.f32 v50, v46;
	v37 =	vmul.f32 v29, v5;
	v32 =	vmul.f32 v32, v4;
	v27 =	vld [tilespmem:s0+$0xFFFFFC60]  }
0x3b2: {  	v42 =	vadd.f32 v42, v30;
	v45 =	vmul.f32 v45, v3;
	v31 =	vmul.f32 v31, v1;
	v29 =	vld [tilespmem:s0+$0xFFFFFC70];
	(xrf2) =	vadd.scan.msk.f32 $0xffff, v39  }
0x3b3: {  	v23 =	vadd.f32 v23, v36;
	v34 =	vmul.f32 v34, v2;
	v39 =	vmul.f32 v20, v0;
	v30 =	vld [tilespmem:s0+$0xFFFFFC80];
	v20, _, _ =	vpop (xrf2)  }
0x3b4: {  	v36 =	vadd.f32 v32, v37;
	v28 =	vadd.f32 v28, v22;
	v33 =	vld [tilespmem:s0+$0xFFFFFC90]  }
0x3b5: {  	v31 =	vadd.f32 v31, v45;
	v37 =	vadd.f32 v39, v34;
	v32 =	vld [tilespmem:s0+$0xFFFFFCA0];
	(xrf2) =	vadd.scan.msk.f32 $0xffff, v41  }
.Ltmp1:
0x3b6: {  	v39 =	vadd.f32 v40, v35;
	v40 =	vadd.f32 v23, v42;
	v34 =	vld [tilespmem:s0+$0xFFFFFCB0];
	v22, _, _ =	vpop (xrf2);
	(pc) =	sbr.rel @p0 .LBB2_5-.Ltmp1, $4  }
0x3b7: {  	v28 =	vadd.f32 v36, v28;
	v23 =	vmul.f32 v19, v5;
	v42 =	vadd.f32 v37, v31;
	v35 =	vld [tilespmem:s0+$0xFFFFFCC0]  }
0x3b8: {  	v38 =	vmul.f32 v38, v6;
	v45 =	vmul.f32 v43, v7;
	v31 =	vadd.f32 v40, v39;
	v36 =	vld [tilespmem:s0+$0xFFFFFCD0];
	(xrf2) =	vadd.scan.msk.f32 $0xffff, v48  }
0x3b9: {  	v41 =	vmul.f32 v51, v4;
	v40 =	vmul.f32 v44, v5;
	v28 =	vadd.f32 v42, v28;
	v37 =	vld [tilespmem:s0+$0xFFFFFCE0];
	v19, _, _ =	vpop (xrf2)  }
0x3ba: {  	s12 =	sadd.s32 $0x10, s12;
	v43 =	vmul.f32 v52, v1;
	v39 =	vadd.f32 v45, v38;
	v42 =	vmul.f32 v49, v3;
	v38 =	vld [tilespmem:s0+$0xFFFFFCF0]  }
0x3bb: {  	v27 =	vmul.f32 v27, v2;
	v29 =	vmul.f32 v29, v0  }
0x3bc: {  	v51 =	vld [tilespmem:s0+$0xFFFFFE50];
	v6 =	vmul.f32 v30, v6;
	v7 =	vmul.f32 v33, v7  }
0x3bd: {  	v40 =	vadd.f32 v41, v40;
	v52 =	vld [tilespmem:s0+$0xFFFFFE60];
	v5 =	vmul.f32 v32, v5;
	v53 =	vmul.f32 v34, v4  }
0x3be: {  	v54 =	vld [tilespmem:s0+$0xFFFFFE70];
	v24 =	vadd.f32 v25, v24;
	v42 =	vadd.f32 v43, v42;
	v56 =	vmul.f32 v35, v3  }
0x3bf: {  	v58 =	vld [tilespmem:s0+$0xFFFFFFD0];
	v27 =	vadd.f32 v29, v27;
	v55 =	vadd.f32 v40, v39;
	v57 =	vmul.f32 v36, v1  }
0x3c0: {  	v59 =	vld [tilespmem:s0+$0xFFFFFFE0];
	v6 =	vadd.f32 v7, v6;
	v37 =	vmul.f32 v37, v2;
	v38 =	vmul.f32 v38, v0  }
0x3c1: {  	v60 =	vmul.f32 v21, v3;
	v61 =	vld [tilespmem:s0+$0xFFFFFFF0];
	v5 =	vadd.f32 v53, v5;
	v27 =	vadd.f32 v27, v42  }
0x3c2: {  	v41 =	vld [tilespmem:s0+$0x150];
	v62 =	vadd.f32 v57, v56;
	v40 =	vmul.f32 v51, v1;
	v63 =	vadd.f32 v38, v37  }
0x3c3: {  	v44 =	vld [tilespmem:s0+$0x170];
	v5 =	vadd.f32 v5, v6;
	v30 =	vmul.f32 v52, v2;
	v32 =	vmul.f32 v54, v0  }
0x3c4: {  	(xrf2) =	vadd.scan.msk.f32 $0xffff, v26;
	v14 =	vmul.f32 v14, v3;
	v42 =	vld [tilespmem:s0+$0x160];
	v27 =	vadd.f32 v27, v55;
	v43 =	vadd.f32 v63, v62  }
0x3c5: {  	v47 =	vld [tilespmem:s0+$0x2D0];
	(xrf2) =	vadd.scan.msk.f32 $0xffff, v31;
	v46 =	vmul.f32 v58, v1;
	v7 =	vadd.f32 v40, v60;
	v45 =	vadd.f32 v32, v30  }
0x3c6: {  	v49 =	vld [tilespmem:s0+$0x2E0];
	(xrf2) =	vadd.scan.msk.f32 $0xffff, v28;
	v48 =	vmul.f32 v59, v2;
	v21 =	vmul.f32 v61, v0;
	v5 =	vadd.f32 v43, v5  }
0x3c7: {  	v11 =	vmul.f32 v11, v3;
	v50 =	vld [tilespmem:s0+$0x2F0];
	v17 =	vadd.f32 v18, v17;
	(xrf2) =	vadd.scan.msk.f32 $0xffff, v27;
	v7 =	vadd.f32 v45, v7  }
0x3c8: {  	v56 =	vld [tilespmem:s0+$0x3D0];
	v51 =	vmul.f32 v41, v1;
	v14 =	vadd.f32 v46, v14;
	v6 =	vadd.f32 v21, v48;
	(xrf2) =	vadd.scan.msk.f32 $0xffff, v5  }
0x3c9: {  	v57 =	vld [tilespmem:s0+$0x3E0];
	v55 =	vmul.f32 v44, v0;
	v54 =	vmul.f32 v42, v2;
	v53 =	vadd.f32 v7, v24  }
0x3ca: {  	v9 =	vmul.f32 v9, v3;
	v15 =	vadd.f32 v16, v15;
	v52 =	vld [tilespmem:s0+$0x3C0];
	v6 =	vadd.f32 v6, v14  }
0x3cb: {  	v58, _, _ =	vpop (xrf2);
	v59 =	vmul.f32 v47, v1;
	v11 =	vadd.f32 v51, v11;
	v60 =	vld [tilespmem:s0+$0x3F0];
	v7 =	vadd.f32 v55, v54;
	(xrf2) =	vadd.scan.msk.f32 $0xffff, v53  }
0x3cc: {  	v25 =	vmul.f32 v50, v0;
	v61, _, _ =	vpop (xrf2);
	v62 =	vmul.f32 v49, v2;
	v6 =	vadd.f32 v6, v17  }
0x3cd: {  	v12 =	vadd.f32 v13, v12;
	v63, _, _ =	vpop (xrf2);
	v7 =	vadd.f32 v7, v11  }
0x3ce: {  	v32 =	vmul.f32 v8, v4;
	v9 =	vadd.f32 v59, v9;
	v34 =	vadd.f32 v25, v62;
	v33, _, _ =	vpop (xrf2);
	(xrf2) =	vadd.scan.msk.f32 $0xffff, v6  }
0x3cf: {  	v37 =	vmul.f32 v56, v1;
	v35 =	vmul.f32 v52, v3;
	v36, _, _ =	vpop (xrf2);
	v7 =	vadd.f32 v7, v15  }
0x3d0: {  	v38 =	vmul.f32 v57, v2;
	v9 =	vadd.f32 v34, v9;
	v40 =	vmul.f32 v60, v0;
	v39, _, _ =	vpop (xrf2)  }
0x3d1: {  	v4 =	vadd.f32 v32, v23;
	v1 =	vadd.f32 v37, v35;
	(xrf2) =	vadd.scan.msk.f32 $0xffff, v7;
	v41, _, _ =	vpop (xrf2)  }
0x3d2: {  	v42 =	vadd.f32 v9, v12;
	v0 =	vadd.f32 v40, v38;
	v43, _, _ =	vpop (xrf2)  }
0x3d3: {  	v44 =	vbroadcast v41, $0xF;
	v2 =	vbroadcast v43, $0xF  }
0x3d4: {  	v4 =	vadd.f32 v4, v10;
	v45 =	vbroadcast v39, $0xF;
	v0 =	vadd.f32 v0, v1;
	(xrf2) =	vadd.scan.msk.f32 $0xffff, v42  }
0x3d5: {  	v47 =	vbroadcast v36, $0xF;
	v48, _, _ =	vpop (xrf2);
	v46 =	vsel vm0, v44, v2  }
0x3d6: {  	v0 =	vadd.f32 v0, v4;
	v3 =	vbroadcast v48, $0xF;
	v1 =	vsel vm1, v46, v45  }
0x3d7: {  	v49 =	vbroadcast v33, $0xF;
	v1 =	vsel vm2, v1, v47  }
0x3d8: {  	v50 =	vbroadcast v63, $0xF;
	v51, _, _ =	vpop (xrf2);
	(xrf2) =	vadd.scan.msk.f32 $0xffff, v0;
	v1 =	vsel vm3, v1, v3  }
0x3d9: {  	v53 =	vbroadcast v51, $0xF;
	v52 =	vsel vm4, v1, v49  }
0x3da: {  	v54 =	vbroadcast v61, $0xF;
	v0 =	vsel vm5, v52, v50  }
0x3db: {  	v55 =	vbroadcast v58, $0xF;
	v56, _, _ =	vpop (xrf2);
	v0 =	vsel vm6, v0, v53  }
0x3dc: {  	v57 =	vbroadcast v56, $0xF;
	v0 =	vsel vm7, v0, v54  }
0x3dd: {  	v58 =	vbroadcast v19, $0xF;
	v0 =	vsel vm8, v0, v55  }
0x3de: {  	s26 =	sadd.s32 $0x1, s26;
	v59 =	vbroadcast v22, $0xF;
	v60, _, _ =	vpop (xrf2);
	v0 =	vsel vm9, v0, v57  }
0x3df: {  	p0 =	sne.s32 s26, $0x20;
	v61 =	vbroadcast v60, $0xF;
	v0 =	vsel vm10, v0, v58  }
.Ltmp2:
0x3e0: {  	s31 =	sadd.s32 $0x80, s29;
	v62 =	vbroadcast v20, $0xF;
	v0 =	vsel vm11, v0, v59;
	(pc) =	sbr.rel @p0 .LBB2_2-.Ltmp2, $4  }
0x3e1: {  	s0 =	sand.u32 $0xFFFFFC00, s31;
	v0 =	vsel vm12, v0, v61  }
0x3e2: {  	s2 =	sand.u32 $0x70, s2;
	s0 =	sadd.s32 s0, s28;
	v63, _, _ =	vpop (xrf2);
	v0 =	vsel vm13, v0, v62  }
0x3e3: {  	s0 =	sadd.s32 s2, s0;
	v0 =	vsel vm14, v0, v63  }
0x3e4: {  	s25 =	sadd.s32 $0x1000, s25;
	s24 =	sadd.s32 $0x1000, s24;
	[tilespmem:s0+$0x0] =	vst v0  }
0x3e5: {  	s23 =	sadd.s32 $0x1, s23  }
0x3e6: {  	p0 =	sne.s32 s23, s9  }
.Ltmp3:
0x3e7: {  	_ = 	snop;
	(pc) =	sbr.rel @p0 .LBB2_1-.Ltmp3, $4  }
0x3e8: {  	[hbm4b:s8+s3] =	stream.linear.scatter [tilespmem:s22], [sflag:$0x2], $0x4000, $0x38;
	[tilespmem:$0x18880] =	vst v63  }
0x3e9: {  	_ =	swait.ge [sflag:s10], $0x4000  }
0x3ea: {  	[sflag:s10] =	ssyncset.done $0x0  }
0x3eb: {  	[sflag:s10] =	ssyncadd.s32 $0xFFFFC000  }
0x3ec: {  	_ =	sfence.sel $0x180000  }
0x3ed: {  	[bflag:$0x0] =	sbarrier.arrive $0xFFFF  }
0x3ee: {  	_ =	strace $0x90000047  }
0x3ef: {  	s0 =	stileid.u32;
	[bflag:$0x2] =	sbarrier.arrive $0xFFFF  }
0x3f0: {  	p0 =	sne.s32 s0, $0x0;
	s0 =	rddreg [dreg:$0x6]  }
0x3f1: {  	s0 =	sadd.s32 @!p0 $0x100000, s0  }
0x3f2: {  	[sflag:s0] =	ssyncadd.tile.s32 @!p0 $0x1;
	_ =	shalt  }
.Lfunc_end2:
_tile_overlayer_lowered:
.L_overlay_start_2:
0x3f3: {  	(tag) =	ssettag $0x2  }
0x3f4: {  	s0 =	rddreg [dreg:$0x0];
	s2 =	stileid.u32  }
0x3f5: {  	s1 =	rddreg [dreg:$0x1];
	p0 =	sne.s32 s2, $0x0  }
0x3f6: {  	s3 =	rddreg [dreg:$0x2];
	[bflag:$0x3] =	sbarrier.arrive $0xFFFF;
	s2 =	simm.s32 @!p0 $0x1C02  }
0x3f7: {  	[timem:s3], [sflag:s2] =	dma.local @!p0 [hbm:s0], s1  }
0x3f8: {  	s0 =	simm.s32 @!p0 $0x2  }
0x3f9: {  	_ =	swait.ge @!p0 [sflag:s0], s1  }
0x3fa: {  	s1 =	ssub.s32 @!p0 $0x0, s1;
	[sflag:s0] =	ssyncset.done @!p0 $0x0  }
0x3fb: {  	[sflag:s0] =	ssyncadd.s32 @!p0 s1  }
0x3fc: {  	[bflag:$0x3] =	sbarrier.arrive $0xFFFF  }
0x3fd: {  	_ =	shalt  }

</sc_bundles>
